<compile_context>
chip_gen: v7x
topology: tpu7x:2x2x1
jax: 0.10.2.dev20260603
libtpu: 0.0.44.dev20260713+nightly
codegen_flags: <defaults>
</compile_context>

<pallas_src>
import functools

import jax
import jax.numpy as jnp
from jax import lax
from jax.experimental import pallas as pl
from jax.experimental.pallas import tpu as pltpu
from jax.experimental.pallas import tpu_sc as plsc

N = 10000
NP = 10240
E = 320000
F_IN = 128
F_HID = 256
F = 128
NC = 2
NS = 16
NW = NC * NS
EPW = E // NW
CH = 80
CB = 125
RPB = NP // NS
NBUF = 4



_ZR = 32


def _agg_body(y_hbm, src_hbm, dst_hbm, out_hbm,
              srcs_v, dsts_v, rows_v, zbuf_v, acc_sh, gsem, ssem):
    c = lax.axis_index("c")
    s = lax.axis_index("s")
    wid = c * NS + s

    z16 = jnp.zeros((16,), jnp.float32)

    def zero_row(i, carry):
        for k in range(F // 16):
            zbuf_v[i, pl.ds(k * 16, 16)] = z16.astype(zbuf_v.dtype)
        return carry

    lax.fori_loop(0, _ZR, zero_row, 0, unroll=4)

    def clear(i, carry):
        pltpu.sync_copy(zbuf_v, acc_sh.at[pl.ds(s * RPB + i * _ZR, _ZR)])
        return carry

    lax.fori_loop(0, RPB // _ZR, clear, 0, unroll=False)

    pltpu.sync_copy(src_hbm.at[wid], srcs_v)
    pltpu.sync_copy(dst_hbm.at[wid], dsts_v)
    plsc.subcore_barrier()

    def g_start(j, k):
        pltpu.async_copy(y_hbm.at[srcs_v.at[j]], rows_v.at[k], gsem.at[k])

    def g_wait(j, k):
        pltpu.make_async_copy(y_hbm.at[srcs_v.at[j]], rows_v.at[k],
                              gsem.at[k]).wait()

    def s_start(j, k):
        pltpu.async_copy(rows_v.at[k], acc_sh.at[dsts_v.at[j]],
                         ssem, add=True)

    def s_wait(j, k):
        pltpu.make_async_copy(rows_v.at[k], acc_sh.at[dsts_v.at[j]],
                              ssem).wait()

    for k in range(NBUF):
        g_start(k, k)
    g_wait(0, 0)
    s_start(0, 0)

    def group(it, carry):
        for k in range(NBUF):
            j = 1 + it * NBUF + k
            s_wait(j - 1, k)
            g_start(j + NBUF - 1, k)
            g_wait(j, (k + 1) % NBUF)
            s_start(j, (k + 1) % NBUF)
        return carry

    lax.fori_loop(0, (CH - NBUF) // NBUF, group, 0, unroll=False)

    for k in range(NBUF - 1):
        j = CH - NBUF + 1 + k
        s_wait(j - 1, k)
        g_wait(j, (k + 1) % NBUF)
        s_start(j, (k + 1) % NBUF)
    s_wait(CH - 1, (CH - 1) % NBUF)

    plsc.subcore_barrier()
    pltpu.sync_copy(acc_sh.at[pl.ds(s * RPB, RPB)],
                    out_hbm.at[c, pl.ds(s * RPB, RPB)])


def _deg_body(dst_hbm, out_hbm, dsts_v, deg_v):
    c = lax.axis_index("c")
    s = lax.axis_index("s")
    wid = c * NS + s

    pltpu.sync_copy(dst_hbm.at[pl.ds(wid * EPW, EPW)], dsts_v)

    def zero(i, carry):
        deg_v[pl.ds(i * 16, 16)] = jnp.zeros((16,), jnp.float32)
        return carry

    lax.fori_loop(0, NP // 16, zero, 0, unroll=8)

    ones16 = jnp.ones((16,), jnp.float32)

    def count(j, carry):
        idx = dsts_v[pl.ds(j * 16, 16)]
        plsc.addupdate_scatter(deg_v, [idx], ones16)
        return carry

    lax.fori_loop(0, EPW // 16, count, 0, unroll=8)

    pltpu.sync_copy(deg_v, out_hbm.at[pl.ds(wid * NP, NP)])


@functools.cache
def _make_deg():
  return pl.kernel(
    _deg_body,
    out_type=jax.ShapeDtypeStruct((NW * NP,), jnp.float32),
    mesh=plsc.VectorSubcoreMesh(core_axis_name="c", subcore_axis_name="s",
                                num_cores=NC, num_subcores=NS),
    scratch_types=[
        pltpu.VMEM((EPW,), jnp.int32),
        pltpu.VMEM((NP,), jnp.float32),
    ],
    compiler_params=pltpu.CompilerParams(needs_layout_passes=False),
  )


@functools.cache
def _make_agg(fw):
  return pl.kernel(
    _agg_body,
    out_type=jax.ShapeDtypeStruct((NC, NP, fw), jnp.bfloat16),
    mesh=plsc.VectorSubcoreMesh(core_axis_name="c", subcore_axis_name="s",
                                num_cores=NC, num_subcores=NS),
    scratch_types=[
        pltpu.VMEM((CH, CB), jnp.int32),
        pltpu.VMEM((CH, CB), jnp.int32),
        pltpu.VMEM((NBUF, CB, fw), jnp.bfloat16),
        pltpu.VMEM((_ZR, fw), jnp.bfloat16),
        pltpu.VMEM_SHARED((NP, fw), jnp.bfloat16),
        pltpu.SemaphoreType.DMA((NBUF,)),
        pltpu.SemaphoreType.DMA,
    ],
    compiler_params=pltpu.CompilerParams(use_tc_tiling_on_sc=False),
  )



_RB = 2048


def _tc1_body(degt, x, y1, dinvb):
    deg = lax.dot_general(degt[...], jnp.ones((NW, 1), jnp.float32),
                          (((0,), (0,)), ((), ())),
                          preferred_element_type=jnp.float32) + 1.0
    dv = lax.rsqrt(deg)
    dinvb[...] = dv
    y1[...] = (dv * x[...]).astype(jnp.bfloat16)


def _tc2_body(p, y1, dinvb, w1, b1, w2, y2):
    dv = dinvb[...]
    pf = p[0].astype(jnp.float32) + p[1].astype(jnp.float32)
    m = dv * (pf + y1[...].astype(jnp.float32))
    h = jax.nn.relu(jnp.dot(m.astype(jnp.bfloat16), w1[...],
                            preferred_element_type=jnp.float32) + b1[...])
    z = jnp.dot(h.astype(jnp.bfloat16), w2[...],
                preferred_element_type=jnp.float32)
    y2[...] = (dv * z).astype(jnp.bfloat16)


def _tc3_body(p, y2, dinvb, b2, out):
    pf = p[0].astype(jnp.float32) + p[1].astype(jnp.float32)
    a = dinvb[...] * (pf + y2[...].astype(jnp.float32))
    out[...] = jax.nn.relu(a + b2[...])


def _row_specs(*widths):
    return [pl.BlockSpec((2, _RB, w) if three else (_RB, w),
                         (lambda i: (0, i, 0)) if three else (lambda i: (i, 0)))
            for three, w in widths]


_tc1 = pl.pallas_call(
    _tc1_body,
    grid=(NP // _RB,),
    in_specs=[pl.BlockSpec((NW, _RB), lambda i: (0, i))]
             + _row_specs((False, F_IN)),
    out_specs=_row_specs((False, F), (False, 1)),
    out_shape=[jax.ShapeDtypeStruct((NP, F), jnp.bfloat16),
               jax.ShapeDtypeStruct((NP, 1), jnp.float32)],
)

_tc2 = pl.pallas_call(
    _tc2_body,
    grid=(NP // _RB,),
    in_specs=_row_specs((True, F), (False, F), (False, 1)) + [
        pl.BlockSpec((F_IN, F_HID), lambda i: (0, 0)),
        pl.BlockSpec((1, F_HID), lambda i: (0, 0)),
        pl.BlockSpec((F_HID, F), lambda i: (0, 0)),
    ],
    out_specs=_row_specs((False, F)),
    out_shape=[jax.ShapeDtypeStruct((NP, F), jnp.bfloat16)],
)

_tc3 = pl.pallas_call(
    _tc3_body,
    grid=(NP // _RB,),
    in_specs=_row_specs((True, F), (False, F), (False, 1)) + [
        pl.BlockSpec((1, F), lambda i: (0, 0)),
    ],
    out_specs=_row_specs((False, F)),
    out_shape=[jax.ShapeDtypeStruct((NP, F), jnp.float32)],
)



def kernel(x, edge_index, W1, b1, W2, b2):
    src = edge_index[0].astype(jnp.int32).reshape(NW, CH, CB)
    dst = edge_index[1].astype(jnp.int32).reshape(NW, CH, CB)
    dstf = edge_index[1].astype(jnp.int32)
    degp = _make_deg()(dstf)
    y1, dinvb = _tc1(degp.reshape(NW, NP), x)
    p1 = _make_agg(F)(y1, src, dst)
    [y2] = _tc2(p1, y1, dinvb, W1.astype(jnp.bfloat16),
                b1.reshape(1, F_HID), W2.astype(jnp.bfloat16))
    p2 = _make_agg(F)(y2, src, dst)
    [out] = _tc3(p2, y2, dinvb, b2.reshape(1, F))
    return out[:N]

# --- scband reference (transcript-rebuilt; emitter-appended) ---
"""Pipeline reference for scband-model-7017976562000 (READ-ONLY COPY).

The authoritative reference and input builder live on the scoring server;
editing this copy changes nothing except your own understanding.
"""

import jax, jax.numpy as jnp
import numpy as np

N_NODES = 10000
N_EDGES = 320000
IN_CH = 128
OUT_CH = 128
HID = 2 * OUT_CH  # 256


def gcn_conv(x, edge_index, W, b):
    # Faithful GCNConv: linear transform, add self-loops, symmetric normalization,
    # scatter-add aggregation, then bias.
    N = x.shape[0]
    xw = x @ W
    src = edge_index[0]
    dst = edge_index[1]
    loop = jnp.arange(N, dtype=src.dtype)
    src = jnp.concatenate([src, loop])
    dst = jnp.concatenate([dst, loop])
    deg = jnp.zeros((N,), dtype=xw.dtype).at[dst].add(1.0)
    deg_inv_sqrt = jnp.where(deg > 0, 1.0 / jnp.sqrt(deg), 0.0)
    norm = deg_inv_sqrt[src] * deg_inv_sqrt[dst]
    msgs = norm[:, None] * jnp.take(xw, src, axis=0)
    out = jnp.zeros((N, xw.shape[1]), dtype=xw.dtype).at[dst].add(msgs)
    return out + b


def setup_inputs(seed: int = 0) -> dict:
    key = jax.random.key(seed)
    k1, k2, k3, k4, k5 = jax.random.split(key, 5)
    x = jax.random.normal(k1, (N_NODES, IN_CH), dtype=jnp.float32)
    edge_index = jax.random.randint(k2, (2, N_EDGES), 0, N_NODES, dtype=jnp.int64)
    W1 = jax.random.normal(k3, (IN_CH, HID), dtype=jnp.float32) * 0.05
    b1 = jnp.zeros((HID,), dtype=jnp.float32)
    W2 = jax.random.normal(k4, (HID, OUT_CH), dtype=jnp.float32) * 0.05
    b2 = jnp.zeros((OUT_CH,), dtype=jnp.float32)
    return {"x": x, "edge_index": edge_index, "W1": W1, "b1": b1, "W2": W2, "b2": b2}


def reference(x, edge_index, W1, b1, W2, b2):
    # Model.forward -> Encoder.forward: k=2 GCNConv layers, activation after each.
    h = jax.nn.relu(gcn_conv(x, edge_index, W1, b1))
    h = jax.nn.relu(gcn_conv(h, edge_index, W2, b2))
    return h

if __name__ == "__main__":
    import jax
    _d = setup_inputs()
    print(jax.jit(kernel)(*tuple(_d.values())))

</pallas_src>

<mosaic_0001>
#map = affine_map<(d0, d1) -> (0)>
module attributes {stable_mosaic.version = 14 : i64} {
  func.func @_deg_body(%arg0: i32, %arg1: i32, %arg2: memref<320000xi32, #tpu.memory_space<hbm>>, %arg3: memref<327680xf32, #tpu.memory_space<hbm>>, %arg4: memref<10000xi32, #tpu.memory_space<vmem>>, %arg5: memref<10240xf32, #tpu.memory_space<vmem>>) attributes {dimension_semantics = [#tpu.dimension_semantics<core_parallel>, #tpu.dimension_semantics<subcore_parallel>], iteration_bounds = array<i64: 2, 16>, scalar_prefetch = 0 : i64, scratch_operands = 2 : i64, tpu.core_type = #tpu.core_type<sc_vector_subcore>, window_params = [{transform_indices = #map}, {transform_indices = #map}]} {
    %mul3A = arith.constant 16 : i32
    %mul3A_0 = arith.muli %arg0, %mul3A : i32
    %add3A = arith.addi %mul3A_0, %arg1 : i32
    %mul3A_1 = arith.constant 10000 : i32
    %mul3A_2 = arith.muli %add3A, %mul3A_1 : i32
    "tpu.region"() ({
      %run_scoped3A = tpu.sem_alloc : memref<!tpu.dma_semaphore, #tpu.memory_space<semaphore_mem>>
      %dma_start3A = tpu.memref_slice %arg2[%mul3A_2] : memref<320000xi32, #tpu.memory_space<hbm>> -> memref<10000xi32, #tpu.memory_space<hbm>>
      %dma_start3A_22 = tpu.memref_slice %arg2[%mul3A_2] : memref<320000xi32, #tpu.memory_space<hbm>> -> memref<10000xi32, #tpu.memory_space<hbm>>
      tpu.enqueue_dma source(%dma_start3A_22 : memref<10000xi32, #tpu.memory_space<hbm>>) target(%arg4 : memref<10000xi32, #tpu.memory_space<vmem>>) target_semaphore(%run_scoped3A : memref<!tpu.dma_semaphore, #tpu.memory_space<semaphore_mem>>)
      %dma_wait3A = tpu.memref_slice %arg2[%mul3A_2] : memref<320000xi32, #tpu.memory_space<hbm>> -> memref<10000xi32, #tpu.memory_space<hbm>>
      %dma_wait3A_23 = tpu.memref_slice %arg2[%mul3A_2] : memref<320000xi32, #tpu.memory_space<hbm>> -> memref<10000xi32, #tpu.memory_space<hbm>>
      tpu.wait_dma2 semaphore(%run_scoped3A : memref<!tpu.dma_semaphore, #tpu.memory_space<semaphore_mem>>) src(%dma_wait3A_23 : memref<10000xi32, #tpu.memory_space<hbm>>) dst(%arg4 : memref<10000xi32, #tpu.memory_space<vmem>>)
      tpu.yield
    }) : () -> ()
    %scan3A = arith.constant 0 : i32
    %scan3A_3 = arith.constant 0 : i32
    %scan3A_4 = arith.constant 640 : i32
    %scan3A_5 = arith.addi %scan3A_3, %scan3A_4 : i32
    %scan3A_6 = arith.constant 8 : i32
    scf.for %scan3A_22 = %scan3A_3 to %scan3A_5 step %scan3A_6  : i32 {
      %broadcast_in_dim3A_23 = arith.constant 0.000000e+00 : f32
      %broadcast_in_dim3A_24 = vector.broadcast %broadcast_in_dim3A_23 : f32 to vector<16xf32>
      %mul3A_25 = arith.constant 16 : i32
      %mul3A_26 = arith.muli %scan3A_22, %mul3A_25 : i32
      %swap3A = arith.index_cast %mul3A_26 : i32 to index
      %swap3A_27 = tpu.vector_load %arg5[%swap3A] {strides = array<i32>} : memref<10240xf32, #tpu.memory_space<vmem>>, vector<16xf32>,
      tpu.vector_store %arg5[%swap3A], %broadcast_in_dim3A_24 {strides = array<i32>} : memref<10240xf32, #tpu.memory_space<vmem>>, vector<16xf32>,
      %scan3A_28 = arith.constant 1 : i32
      %scan3A_29 = arith.addi %scan3A_22, %scan3A_28 : i32
      %broadcast_in_dim3A_30 = arith.constant 0.000000e+00 : f32
      %broadcast_in_dim3A_31 = vector.broadcast %broadcast_in_dim3A_30 : f32 to vector<16xf32>
      %mul3A_32 = arith.constant 16 : i32
      %mul3A_33 = arith.muli %scan3A_29, %mul3A_32 : i32
      %swap3A_34 = arith.index_cast %mul3A_33 : i32 to index
      %swap3A_35 = tpu.vector_load %arg5[%swap3A_34] {strides = array<i32>} : memref<10240xf32, #tpu.memory_space<vmem>>, vector<16xf32>,
      tpu.vector_store %arg5[%swap3A_34], %broadcast_in_dim3A_31 {strides = array<i32>} : memref<10240xf32, #tpu.memory_space<vmem>>, vector<16xf32>,
      %scan3A_36 = arith.constant 2 : i32
      %scan3A_37 = arith.addi %scan3A_22, %scan3A_36 : i32
      %broadcast_in_dim3A_38 = arith.constant 0.000000e+00 : f32
      %broadcast_in_dim3A_39 = vector.broadcast %broadcast_in_dim3A_38 : f32 to vector<16xf32>
      %mul3A_40 = arith.constant 16 : i32
      %mul3A_41 = arith.muli %scan3A_37, %mul3A_40 : i32
      %swap3A_42 = arith.index_cast %mul3A_41 : i32 to index
      %swap3A_43 = tpu.vector_load %arg5[%swap3A_42] {strides = array<i32>} : memref<10240xf32, #tpu.memory_space<vmem>>, vector<16xf32>,
      tpu.vector_store %arg5[%swap3A_42], %broadcast_in_dim3A_39 {strides = array<i32>} : memref<10240xf32, #tpu.memory_space<vmem>>, vector<16xf32>,
      %scan3A_44 = arith.constant 3 : i32
      %scan3A_45 = arith.addi %scan3A_22, %scan3A_44 : i32
      %broadcast_in_dim3A_46 = arith.constant 0.000000e+00 : f32
      %broadcast_in_dim3A_47 = vector.broadcast %broadcast_in_dim3A_46 : f32 to vector<16xf32>
      %mul3A_48 = arith.constant 16 : i32
      %mul3A_49 = arith.muli %scan3A_45, %mul3A_48 : i32
      %swap3A_50 = arith.index_cast %mul3A_49 : i32 to index
      %swap3A_51 = tpu.vector_load %arg5[%swap3A_50] {strides = array<i32>} : memref<10240xf32, #tpu.memory_space<vmem>>, vector<16xf32>,
      tpu.vector_store %arg5[%swap3A_50], %broadcast_in_dim3A_47 {strides = array<i32>} : memref<10240xf32, #tpu.memory_space<vmem>>, vector<16xf32>,
      %scan3A_52 = arith.constant 4 : i32
      %scan3A_53 = arith.addi %scan3A_22, %scan3A_52 : i32
      %broadcast_in_dim3A_54 = arith.constant 0.000000e+00 : f32
      %broadcast_in_dim3A_55 = vector.broadcast %broadcast_in_dim3A_54 : f32 to vector<16xf32>
      %mul3A_56 = arith.constant 16 : i32
      %mul3A_57 = arith.muli %scan3A_53, %mul3A_56 : i32
      %swap3A_58 = arith.index_cast %mul3A_57 : i32 to index
      %swap3A_59 = tpu.vector_load %arg5[%swap3A_58] {strides = array<i32>} : memref<10240xf32, #tpu.memory_space<vmem>>, vector<16xf32>,
      tpu.vector_store %arg5[%swap3A_58], %broadcast_in_dim3A_55 {strides = array<i32>} : memref<10240xf32, #tpu.memory_space<vmem>>, vector<16xf32>,
      %scan3A_60 = arith.constant 5 : i32
      %scan3A_61 = arith.addi %scan3A_22, %scan3A_60 : i32
      %broadcast_in_dim3A_62 = arith.constant 0.000000e+00 : f32
      %broadcast_in_dim3A_63 = vector.broadcast %broadcast_in_dim3A_62 : f32 to vector<16xf32>
      %mul3A_64 = arith.constant 16 : i32
      %mul3A_65 = arith.muli %scan3A_61, %mul3A_64 : i32
      %swap3A_66 = arith.index_cast %mul3A_65 : i32 to index
      %swap3A_67 = tpu.vector_load %arg5[%swap3A_66] {strides = array<i32>} : memref<10240xf32, #tpu.memory_space<vmem>>, vector<16xf32>,
      tpu.vector_store %arg5[%swap3A_66], %broadcast_in_dim3A_63 {strides = array<i32>} : memref<10240xf32, #tpu.memory_space<vmem>>, vector<16xf32>,
      %scan3A_68 = arith.constant 6 : i32
      %scan3A_69 = arith.addi %scan3A_22, %scan3A_68 : i32
      %broadcast_in_dim3A_70 = arith.constant 0.000000e+00 : f32
      %broadcast_in_dim3A_71 = vector.broadcast %broadcast_in_dim3A_70 : f32 to vector<16xf32>
      %mul3A_72 = arith.constant 16 : i32
      %mul3A_73 = arith.muli %scan3A_69, %mul3A_72 : i32
      %swap3A_74 = arith.index_cast %mul3A_73 : i32 to index
      %swap3A_75 = tpu.vector_load %arg5[%swap3A_74] {strides = array<i32>} : memref<10240xf32, #tpu.memory_space<vmem>>, vector<16xf32>,
      tpu.vector_store %arg5[%swap3A_74], %broadcast_in_dim3A_71 {strides = array<i32>} : memref<10240xf32, #tpu.memory_space<vmem>>, vector<16xf32>,
      %scan3A_76 = arith.constant 7 : i32
      %scan3A_77 = arith.addi %scan3A_22, %scan3A_76 : i32
      %broadcast_in_dim3A_78 = arith.constant 0.000000e+00 : f32
      %broadcast_in_dim3A_79 = vector.broadcast %broadcast_in_dim3A_78 : f32 to vector<16xf32>
      %mul3A_80 = arith.constant 16 : i32
      %mul3A_81 = arith.muli %scan3A_77, %mul3A_80 : i32
      %swap3A_82 = arith.index_cast %mul3A_81 : i32 to index
      %swap3A_83 = tpu.vector_load %arg5[%swap3A_82] {strides = array<i32>} : memref<10240xf32, #tpu.memory_space<vmem>>, vector<16xf32>,
      tpu.vector_store %arg5[%swap3A_82], %broadcast_in_dim3A_79 {strides = array<i32>} : memref<10240xf32, #tpu.memory_space<vmem>>, vector<16xf32>,
    }
    %scan3A_7 = arith.constant 640 : i32
    %broadcast_in_dim3A = arith.constant 1.000000e+00 : f32
    %broadcast_in_dim3A_8 = vector.broadcast %broadcast_in_dim3A : f32 to vector<16xf32>
    %scan3A_9 = arith.constant 0 : i32
    %scan3A_10 = arith.constant 0 : i32
    %scan3A_11 = arith.constant 624 : i32
    %scan3A_12 = arith.addi %scan3A_10, %scan3A_11 : i32
    %scan3A_13 = arith.constant 8 : i32
    scf.for %scan3A_22 = %scan3A_10 to %scan3A_12 step %scan3A_13  : i32 {
      %mul3A_23 = arith.constant 16 : i32
      %mul3A_24 = arith.muli %scan3A_22, %mul3A_23 : i32
      %get3A_25 = arith.index_cast %mul3A_24 : i32 to index
      %get3A_26 = tpu.vector_load %arg4[%get3A_25] {strides = array<i32>} : memref<10000xi32, #tpu.memory_space<vmem>>, vector<16xi32>,
      tpu.vector_store_idx %arg5[%get3A_26], %broadcast_in_dim3A_8 {add = true} : memref<10240xf32, #tpu.memory_space<vmem>>[vector<16xi32>], vector<16xf32>,
      %scan3A_27 = arith.constant 1 : i32
      %scan3A_28 = arith.addi %scan3A_22, %scan3A_27 : i32
      %mul3A_29 = arith.constant 16 : i32
      %mul3A_30 = arith.muli %scan3A_28, %mul3A_29 : i32
      %get3A_31 = arith.index_cast %mul3A_30 : i32 to index
      %get3A_32 = tpu.vector_load %arg4[%get3A_31] {strides = array<i32>} : memref<10000xi32, #tpu.memory_space<vmem>>, vector<16xi32>,
      tpu.vector_store_idx %arg5[%get3A_32], %broadcast_in_dim3A_8 {add = true} : memref<10240xf32, #tpu.memory_space<vmem>>[vector<16xi32>], vector<16xf32>,
      %scan3A_33 = arith.constant 2 : i32
      %scan3A_34 = arith.addi %scan3A_22, %scan3A_33 : i32
      %mul3A_35 = arith.constant 16 : i32
      %mul3A_36 = arith.muli %scan3A_34, %mul3A_35 : i32
      %get3A_37 = arith.index_cast %mul3A_36 : i32 to index
      %get3A_38 = tpu.vector_load %arg4[%get3A_37] {strides = array<i32>} : memref<10000xi32, #tpu.memory_space<vmem>>, vector<16xi32>,
      tpu.vector_store_idx %arg5[%get3A_38], %broadcast_in_dim3A_8 {add = true} : memref<10240xf32, #tpu.memory_space<vmem>>[vector<16xi32>], vector<16xf32>,
      %scan3A_39 = arith.constant 3 : i32
      %scan3A_40 = arith.addi %scan3A_22, %scan3A_39 : i32
      %mul3A_41 = arith.constant 16 : i32
      %mul3A_42 = arith.muli %scan3A_40, %mul3A_41 : i32
      %get3A_43 = arith.index_cast %mul3A_42 : i32 to index
      %get3A_44 = tpu.vector_load %arg4[%get3A_43] {strides = array<i32>} : memref<10000xi32, #tpu.memory_space<vmem>>, vector<16xi32>,
      tpu.vector_store_idx %arg5[%get3A_44], %broadcast_in_dim3A_8 {add = true} : memref<10240xf32, #tpu.memory_space<vmem>>[vector<16xi32>], vector<16xf32>,
      %scan3A_45 = arith.constant 4 : i32
      %scan3A_46 = arith.addi %scan3A_22, %scan3A_45 : i32
      %mul3A_47 = arith.constant 16 : i32
      %mul3A_48 = arith.muli %scan3A_46, %mul3A_47 : i32
      %get3A_49 = arith.index_cast %mul3A_48 : i32 to index
      %get3A_50 = tpu.vector_load %arg4[%get3A_49] {strides = array<i32>} : memref<10000xi32, #tpu.memory_space<vmem>>, vector<16xi32>,
      tpu.vector_store_idx %arg5[%get3A_50], %broadcast_in_dim3A_8 {add = true} : memref<10240xf32, #tpu.memory_space<vmem>>[vector<16xi32>], vector<16xf32>,
      %scan3A_51 = arith.constant 5 : i32
      %scan3A_52 = arith.addi %scan3A_22, %scan3A_51 : i32
      %mul3A_53 = arith.constant 16 : i32
      %mul3A_54 = arith.muli %scan3A_52, %mul3A_53 : i32
      %get3A_55 = arith.index_cast %mul3A_54 : i32 to index
      %get3A_56 = tpu.vector_load %arg4[%get3A_55] {strides = array<i32>} : memref<10000xi32, #tpu.memory_space<vmem>>, vector<16xi32>,
      tpu.vector_store_idx %arg5[%get3A_56], %broadcast_in_dim3A_8 {add = true} : memref<10240xf32, #tpu.memory_space<vmem>>[vector<16xi32>], vector<16xf32>,
      %scan3A_57 = arith.constant 6 : i32
      %scan3A_58 = arith.addi %scan3A_22, %scan3A_57 : i32
      %mul3A_59 = arith.constant 16 : i32
      %mul3A_60 = arith.muli %scan3A_58, %mul3A_59 : i32
      %get3A_61 = arith.index_cast %mul3A_60 : i32 to index
      %get3A_62 = tpu.vector_load %arg4[%get3A_61] {strides = array<i32>} : memref<10000xi32, #tpu.memory_space<vmem>>, vector<16xi32>,
      tpu.vector_store_idx %arg5[%get3A_62], %broadcast_in_dim3A_8 {add = true} : memref<10240xf32, #tpu.memory_space<vmem>>[vector<16xi32>], vector<16xf32>,
      %scan3A_63 = arith.constant 7 : i32
      %scan3A_64 = arith.addi %scan3A_22, %scan3A_63 : i32
      %mul3A_65 = arith.constant 16 : i32
      %mul3A_66 = arith.muli %scan3A_64, %mul3A_65 : i32
      %get3A_67 = arith.index_cast %mul3A_66 : i32 to index
      %get3A_68 = tpu.vector_load %arg4[%get3A_67] {strides = array<i32>} : memref<10000xi32, #tpu.memory_space<vmem>>, vector<16xi32>,
      tpu.vector_store_idx %arg5[%get3A_68], %broadcast_in_dim3A_8 {add = true} : memref<10240xf32, #tpu.memory_space<vmem>>[vector<16xi32>], vector<16xf32>,
    }
    %scan3A_14 = arith.constant 624 : i32
    %scan3A_15 = arith.addi %scan3A_10, %scan3A_14 : i32
    %mul3A_16 = arith.constant 16 : i32
    %mul3A_17 = arith.muli %scan3A_15, %mul3A_16 : i32
    %get3A = arith.index_cast %mul3A_17 : i32 to index
    %get3A_18 = tpu.vector_load %arg4[%get3A] {strides = array<i32>} : memref<10000xi32, #tpu.memory_space<vmem>>, vector<16xi32>,
    tpu.vector_store_idx %arg5[%get3A_18], %broadcast_in_dim3A_8 {add = true} : memref<10240xf32, #tpu.memory_space<vmem>>[vector<16xi32>], vector<16xf32>,
    %scan3A_19 = arith.constant 625 : i32
    %mul3A_20 = arith.constant 10240 : i32
    %mul3A_21 = arith.muli %add3A, %mul3A_20 : i32
    "tpu.region"() ({
      %run_scoped3A = tpu.sem_alloc : memref<!tpu.dma_semaphore, #tpu.memory_space<semaphore_mem>>
      %dma_start3A = tpu.memref_slice %arg3[%mul3A_21] : memref<327680xf32, #tpu.memory_space<hbm>> -> memref<10240xf32, #tpu.memory_space<hbm>>
      %dma_start3A_22 = tpu.memref_slice %arg3[%mul3A_21] : memref<327680xf32, #tpu.memory_space<hbm>> -> memref<10240xf32, #tpu.memory_space<hbm>>
      tpu.enqueue_dma source(%arg5 : memref<10240xf32, #tpu.memory_space<vmem>>) target(%dma_start3A_22 : memref<10240xf32, #tpu.memory_space<hbm>>) target_semaphore(%run_scoped3A : memref<!tpu.dma_semaphore, #tpu.memory_space<semaphore_mem>>)
      %dma_wait3A = tpu.memref_slice %arg3[%mul3A_21] : memref<327680xf32, #tpu.memory_space<hbm>> -> memref<10240xf32, #tpu.memory_space<hbm>>
      %dma_wait3A_23 = tpu.memref_slice %arg3[%mul3A_21] : memref<327680xf32, #tpu.memory_space<hbm>> -> memref<10240xf32, #tpu.memory_space<hbm>>
      tpu.wait_dma2 semaphore(%run_scoped3A : memref<!tpu.dma_semaphore, #tpu.memory_space<semaphore_mem>>) src(%arg5 : memref<10240xf32, #tpu.memory_space<vmem>>) dst(%dma_wait3A_23 : memref<10240xf32, #tpu.memory_space<hbm>>)
      tpu.yield
    }) : () -> ()
    return
  }
}

#map = affine_map<(d0, d1) -> (0, 0)>
#map1 = affine_map<(d0, d1) -> (0, 0, 0)>
module attributes {stable_mosaic.version = 14 : i64} {
  func.func @_agg_body(%arg0: i32, %arg1: i32, %arg2: memref<10240x128xbf16, #tpu.memory_space<hbm>>, %arg3: memref<32x80x125xi32, #tpu.memory_space<hbm>>, %arg4: memref<32x80x125xi32, #tpu.memory_space<hbm>>, %arg5: memref<2x10240x128xbf16, #tpu.memory_space<hbm>>, %arg6: memref<80x125xi32, #tpu.memory_space<vmem>>, %arg7: memref<80x125xi32, #tpu.memory_space<vmem>>, %arg8: memref<4x125x128xbf16, #tpu.memory_space<vmem>>, %arg9: memref<32x128xbf16, #tpu.memory_space<vmem>>, %arg10: memref<10240x128xbf16, #tpu.memory_space<vmem_shared>>, %arg11: memref<4x!tpu.dma_semaphore, #tpu.memory_space<semaphore_mem>>, %arg12: memref<!tpu.dma_semaphore, #tpu.memory_space<semaphore_mem>>) attributes {dimension_semantics = [#tpu.dimension_semantics<core_parallel>, #tpu.dimension_semantics<subcore_parallel>], iteration_bounds = array<i64: 2, 16>, scalar_prefetch = 0 : i64, scratch_operands = 7 : i64, tpu.core_type = #tpu.core_type<sc_vector_subcore>, window_params = [{transform_indices = #map}, {transform_indices = #map1}, {transform_indices = #map1}, {transform_indices = #map1}]} {
    %mul3A = arith.constant 16 : i32
    %mul3A_0 = arith.muli %arg0, %mul3A : i32
    %add3A = arith.addi %mul3A_0, %arg1 : i32
    %broadcast_in_dim3A = arith.constant 0.000000e+00 : f32
    %broadcast_in_dim3A_1 = vector.broadcast %broadcast_in_dim3A : f32 to vector<16xf32>
    %scan3A = arith.constant 0 : i32
    %scan3A_2 = arith.constant 0 : i32
    %scan3A_3 = arith.constant 32 : i32
    %scan3A_4 = arith.addi %scan3A_2, %scan3A_3 : i32
    %scan3A_5 = arith.constant 4 : i32
    scf.for %scan3A_238 = %scan3A_2 to %scan3A_4 step %scan3A_5  : i32 {
      %convert_element_type3A = arith.truncf %broadcast_in_dim3A_1 : vector<16xf32> to vector<16xbf16>
      %swap3A = arith.index_cast %scan3A_238 : i32 to index
      %swap3A_239 = arith.constant 0 : index
      %swap3A_240 = tpu.vector_load %arg9[%swap3A, %swap3A_239] {strides = array<i32>} : memref<32x128xbf16, #tpu.memory_space<vmem>>, vector<1x16xbf16>,
      %swap3A_241 = vector.shape_cast %swap3A_240 : vector<1x16xbf16> to vector<16xbf16>
      %swap3A_242 = vector.shape_cast %convert_element_type3A : vector<16xbf16> to vector<1x16xbf16>
      tpu.vector_store %arg9[%swap3A, %swap3A_239], %swap3A_242 {strides = array<i32>} : memref<32x128xbf16, #tpu.memory_space<vmem>>, vector<1x16xbf16>,
      %convert_element_type3A_243 = arith.truncf %broadcast_in_dim3A_1 : vector<16xf32> to vector<16xbf16>
      %swap3A_244 = arith.index_cast %scan3A_238 : i32 to index
      %swap3A_245 = arith.constant 16 : index
      %swap3A_246 = tpu.vector_load %arg9[%swap3A_244, %swap3A_245] {strides = array<i32>} : memref<32x128xbf16, #tpu.memory_space<vmem>>, vector<1x16xbf16>,
      %swap3A_247 = vector.shape_cast %swap3A_246 : vector<1x16xbf16> to vector<16xbf16>
      %swap3A_248 = vector.shape_cast %convert_element_type3A_243 : vector<16xbf16> to vector<1x16xbf16>
      tpu.vector_store %arg9[%swap3A_244, %swap3A_245], %swap3A_248 {strides = array<i32>} : memref<32x128xbf16, #tpu.memory_space<vmem>>, vector<1x16xbf16>,
      %convert_element_type3A_249 = arith.truncf %broadcast_in_dim3A_1 : vector<16xf32> to vector<16xbf16>
      %swap3A_250 = arith.index_cast %scan3A_238 : i32 to index
      %swap3A_251 = arith.constant 32 : index
      %swap3A_252 = tpu.vector_load %arg9[%swap3A_250, %swap3A_251] {strides = array<i32>} : memref<32x128xbf16, #tpu.memory_space<vmem>>, vector<1x16xbf16>,
      %swap3A_253 = vector.shape_cast %swap3A_252 : vector<1x16xbf16> to vector<16xbf16>
      %swap3A_254 = vector.shape_cast %convert_element_type3A_249 : vector<16xbf16> to vector<1x16xbf16>
      tpu.vector_store %arg9[%swap3A_250, %swap3A_251], %swap3A_254 {strides = array<i32>} : memref<32x128xbf16, #tpu.memory_space<vmem>>, vector<1x16xbf16>,
      %convert_element_type3A_255 = arith.truncf %broadcast_in_dim3A_1 : vector<16xf32> to vector<16xbf16>
      %swap3A_256 = arith.index_cast %scan3A_238 : i32 to index
      %swap3A_257 = arith.constant 48 : index
      %swap3A_258 = tpu.vector_load %arg9[%swap3A_256, %swap3A_257] {strides = array<i32>} : memref<32x128xbf16, #tpu.memory_space<vmem>>, vector<1x16xbf16>,
      %swap3A_259 = vector.shape_cast %swap3A_258 : vector<1x16xbf16> to vector<16xbf16>
      %swap3A_260 = vector.shape_cast %convert_element_type3A_255 : vector<16xbf16> to vector<1x16xbf16>
      tpu.vector_store %arg9[%swap3A_256, %swap3A_257], %swap3A_260 {strides = array<i32>} : memref<32x128xbf16, #tpu.memory_space<vmem>>, vector<1x16xbf16>,
      %convert_element_type3A_261 = arith.truncf %broadcast_in_dim3A_1 : vector<16xf32> to vector<16xbf16>
      %swap3A_262 = arith.index_cast %scan3A_238 : i32 to index
      %swap3A_263 = arith.constant 64 : index
      %swap3A_264 = tpu.vector_load %arg9[%swap3A_262, %swap3A_263] {strides = array<i32>} : memref<32x128xbf16, #tpu.memory_space<vmem>>, vector<1x16xbf16>,
      %swap3A_265 = vector.shape_cast %swap3A_264 : vector<1x16xbf16> to vector<16xbf16>
      %swap3A_266 = vector.shape_cast %convert_element_type3A_261 : vector<16xbf16> to vector<1x16xbf16>
      tpu.vector_store %arg9[%swap3A_262, %swap3A_263], %swap3A_266 {strides = array<i32>} : memref<32x128xbf16, #tpu.memory_space<vmem>>, vector<1x16xbf16>,
      %convert_element_type3A_267 = arith.truncf %broadcast_in_dim3A_1 : vector<16xf32> to vector<16xbf16>
      %swap3A_268 = arith.index_cast %scan3A_238 : i32 to index
      %swap3A_269 = arith.constant 80 : index
      %swap3A_270 = tpu.vector_load %arg9[%swap3A_268, %swap3A_269] {strides = array<i32>} : memref<32x128xbf16, #tpu.memory_space<vmem>>, vector<1x16xbf16>,
      %swap3A_271 = vector.shape_cast %swap3A_270 : vector<1x16xbf16> to vector<16xbf16>
      %swap3A_272 = vector.shape_cast %convert_element_type3A_267 : vector<16xbf16> to vector<1x16xbf16>
      tpu.vector_store %arg9[%swap3A_268, %swap3A_269], %swap3A_272 {strides = array<i32>} : memref<32x128xbf16, #tpu.memory_space<vmem>>, vector<1x16xbf16>,
      %convert_element_type3A_273 = arith.truncf %broadcast_in_dim3A_1 : vector<16xf32> to vector<16xbf16>
      %swap3A_274 = arith.index_cast %scan3A_238 : i32 to index
      %swap3A_275 = arith.constant 96 : index
      %swap3A_276 = tpu.vector_load %arg9[%swap3A_274, %swap3A_275] {strides = array<i32>} : memref<32x128xbf16, #tpu.memory_space<vmem>>, vector<1x16xbf16>,
      %swap3A_277 = vector.shape_cast %swap3A_276 : vector<1x16xbf16> to vector<16xbf16>
      %swap3A_278 = vector.shape_cast %convert_element_type3A_273 : vector<16xbf16> to vector<1x16xbf16>
      tpu.vector_store %arg9[%swap3A_274, %swap3A_275], %swap3A_278 {strides = array<i32>} : memref<32x128xbf16, #tpu.memory_space<vmem>>, vector<1x16xbf16>,
      %convert_element_type3A_279 = arith.truncf %broadcast_in_dim3A_1 : vector<16xf32> to vector<16xbf16>
      %swap3A_280 = arith.index_cast %scan3A_238 : i32 to index
      %swap3A_281 = arith.constant 112 : index
      %swap3A_282 = tpu.vector_load %arg9[%swap3A_280, %swap3A_281] {strides = array<i32>} : memref<32x128xbf16, #tpu.memory_space<vmem>>, vector<1x16xbf16>,
      %swap3A_283 = vector.shape_cast %swap3A_282 : vector<1x16xbf16> to vector<16xbf16>
      %swap3A_284 = vector.shape_cast %convert_element_type3A_279 : vector<16xbf16> to vector<1x16xbf16>
      tpu.vector_store %arg9[%swap3A_280, %swap3A_281], %swap3A_284 {strides = array<i32>} : memref<32x128xbf16, #tpu.memory_space<vmem>>, vector<1x16xbf16>,
      %scan3A_285 = arith.constant 1 : i32
      %scan3A_286 = arith.addi %scan3A_238, %scan3A_285 : i32
      %convert_element_type3A_287 = arith.truncf %broadcast_in_dim3A_1 : vector<16xf32> to vector<16xbf16>
      %swap3A_288 = arith.index_cast %scan3A_286 : i32 to index
      %swap3A_289 = arith.constant 0 : index
      %swap3A_290 = tpu.vector_load %arg9[%swap3A_288, %swap3A_289] {strides = array<i32>} : memref<32x128xbf16, #tpu.memory_space<vmem>>, vector<1x16xbf16>,
      %swap3A_291 = vector.shape_cast %swap3A_290 : vector<1x16xbf16> to vector<16xbf16>
      %swap3A_292 = vector.shape_cast %convert_element_type3A_287 : vector<16xbf16> to vector<1x16xbf16>
      tpu.vector_store %arg9[%swap3A_288, %swap3A_289], %swap3A_292 {strides = array<i32>} : memref<32x128xbf16, #tpu.memory_space<vmem>>, vector<1x16xbf16>,
      %convert_element_type3A_293 = arith.truncf %broadcast_in_dim3A_1 : vector<16xf32> to vector<16xbf16>
      %swap3A_294 = arith.index_cast %scan3A_286 : i32 to index
      %swap3A_295 = arith.constant 16 : index
      %swap3A_296 = tpu.vector_load %arg9[%swap3A_294, %swap3A_295] {strides = array<i32>} : memref<32x128xbf16, #tpu.memory_space<vmem>>, vector<1x16xbf16>,
      %swap3A_297 = vector.shape_cast %swap3A_296 : vector<1x16xbf16> to vector<16xbf16>
      %swap3A_298 = vector.shape_cast %convert_element_type3A_293 : vector<16xbf16> to vector<1x16xbf16>
      tpu.vector_store %arg9[%swap3A_294, %swap3A_295], %swap3A_298 {strides = array<i32>} : memref<32x128xbf16, #tpu.memory_space<vmem>>, vector<1x16xbf16>,
      %convert_element_type3A_299 = arith.truncf %broadcast_in_dim3A_1 : vector<16xf32> to vector<16xbf16>
      %swap3A_300 = arith.index_cast %scan3A_286 : i32 to index
      %swap3A_301 = arith.constant 32 : index
      %swap3A_302 = tpu.vector_load %arg9[%swap3A_300, %swap3A_301] {strides = array<i32>} : memref<32x128xbf16, #tpu.memory_space<vmem>>, vector<1x16xbf16>,
      %swap3A_303 = vector.shape_cast %swap3A_302 : vector<1x16xbf16> to vector<16xbf16>
      %swap3A_304 = vector.shape_cast %convert_element_type3A_299 : vector<16xbf16> to vector<1x16xbf16>
      tpu.vector_store %arg9[%swap3A_300, %swap3A_301], %swap3A_304 {strides = array<i32>} : memref<32x128xbf16, #tpu.memory_space<vmem>>, vector<1x16xbf16>,
      %convert_element_type3A_305 = arith.truncf %broadcast_in_dim3A_1 : vector<16xf32> to vector<16xbf16>
      %swap3A_306 = arith.index_cast %scan3A_286 : i32 to index
      %swap3A_307 = arith.constant 48 : index
      %swap3A_308 = tpu.vector_load %arg9[%swap3A_306, %swap3A_307] {strides = array<i32>} : memref<32x128xbf16, #tpu.memory_space<vmem>>, vector<1x16xbf16>,
      %swap3A_309 = vector.shape_cast %swap3A_308 : vector<1x16xbf16> to vector<16xbf16>
      %swap3A_310 = vector.shape_cast %convert_element_type3A_305 : vector<16xbf16> to vector<1x16xbf16>
      tpu.vector_store %arg9[%swap3A_306, %swap3A_307], %swap3A_310 {strides = array<i32>} : memref<32x128xbf16, #tpu.memory_space<vmem>>, vector<1x16xbf16>,
      %convert_element_type3A_311 = arith.truncf %broadcast_in_dim3A_1 : vector<16xf32> to vector<16xbf16>
      %swap3A_312 = arith.index_cast %scan3A_286 : i32 to index
      %swap3A_313 = arith.constant 64 : index
      %swap3A_314 = tpu.vector_load %arg9[%swap3A_312, %swap3A_313] {strides = array<i32>} : memref<32x128xbf16, #tpu.memory_space<vmem>>, vector<1x16xbf16>,
      %swap3A_315 = vector.shape_cast %swap3A_314 : vector<1x16xbf16> to vector<16xbf16>
      %swap3A_316 = vector.shape_cast %convert_element_type3A_311 : vector<16xbf16> to vector<1x16xbf16>
      tpu.vector_store %arg9[%swap3A_312, %swap3A_313], %swap3A_316 {strides = array<i32>} : memref<32x128xbf16, #tpu.memory_space<vmem>>, vector<1x16xbf16>,
      %convert_element_type3A_317 = arith.truncf %broadcast_in_dim3A_1 : vector<16xf32> to vector<16xbf16>
      %swap3A_318 = arith.index_cast %scan3A_286 : i32 to index
      %swap3A_319 = arith.constant 80 : index
      %swap3A_320 = tpu.vector_load %arg9[%swap3A_318, %swap3A_319] {strides = array<i32>} : memref<32x128xbf16, #tpu.memory_space<vmem>>, vector<1x16xbf16>,
      %swap3A_321 = vector.shape_cast %swap3A_320 : vector<1x16xbf16> to vector<16xbf16>
      %swap3A_322 = vector.shape_cast %convert_element_type3A_317 : vector<16xbf16> to vector<1x16xbf16>
      tpu.vector_store %arg9[%swap3A_318, %swap3A_319], %swap3A_322 {strides = array<i32>} : memref<32x128xbf16, #tpu.memory_space<vmem>>, vector<1x16xbf16>,
      %convert_element_type3A_323 = arith.truncf %broadcast_in_dim3A_1 : vector<16xf32> to vector<16xbf16>
      %swap3A_324 = arith.index_cast %scan3A_286 : i32 to index
      %swap3A_325 = arith.constant 96 : index
      %swap3A_326 = tpu.vector_load %arg9[%swap3A_324, %swap3A_325] {strides = array<i32>} : memref<32x128xbf16, #tpu.memory_space<vmem>>, vector<1x16xbf16>,
      %swap3A_327 = vector.shape_cast %swap3A_326 : vector<1x16xbf16> to vector<16xbf16>
      %swap3A_328 = vector.shape_cast %convert_element_type3A_323 : vector<16xbf16> to vector<1x16xbf16>
      tpu.vector_store %arg9[%swap3A_324, %swap3A_325], %swap3A_328 {strides = array<i32>} : memref<32x128xbf16, #tpu.memory_space<vmem>>, vector<1x16xbf16>,
      %convert_element_type3A_329 = arith.truncf %broadcast_in_dim3A_1 : vector<16xf32> to vector<16xbf16>
      %swap3A_330 = arith.index_cast %scan3A_286 : i32 to index
      %swap3A_331 = arith.constant 112 : index
      %swap3A_332 = tpu.vector_load %arg9[%swap3A_330, %swap3A_331] {strides = array<i32>} : memref<32x128xbf16, #tpu.memory_space<vmem>>, vector<1x16xbf16>,
      %swap3A_333 = vector.shape_cast %swap3A_332 : vector<1x16xbf16> to vector<16xbf16>
      %swap3A_334 = vector.shape_cast %convert_element_type3A_329 : vector<16xbf16> to vector<1x16xbf16>
      tpu.vector_store %arg9[%swap3A_330, %swap3A_331], %swap3A_334 {strides = array<i32>} : memref<32x128xbf16, #tpu.memory_space<vmem>>, vector<1x16xbf16>,
      %scan3A_335 = arith.constant 2 : i32
      %scan3A_336 = arith.addi %scan3A_238, %scan3A_335 : i32
      %convert_element_type3A_337 = arith.truncf %broadcast_in_dim3A_1 : vector<16xf32> to vector<16xbf16>
      %swap3A_338 = arith.index_cast %scan3A_336 : i32 to index
      %swap3A_339 = arith.constant 0 : index
      %swap3A_340 = tpu.vector_load %arg9[%swap3A_338, %swap3A_339] {strides = array<i32>} : memref<32x128xbf16, #tpu.memory_space<vmem>>, vector<1x16xbf16>,
      %swap3A_341 = vector.shape_cast %swap3A_340 : vector<1x16xbf16> to vector<16xbf16>
      %swap3A_342 = vector.shape_cast %convert_element_type3A_337 : vector<16xbf16> to vector<1x16xbf16>
      tpu.vector_store %arg9[%swap3A_338, %swap3A_339], %swap3A_342 {strides = array<i32>} : memref<32x128xbf16, #tpu.memory_space<vmem>>, vector<1x16xbf16>,
      %convert_element_type3A_343 = arith.truncf %broadcast_in_dim3A_1 : vector<16xf32> to vector<16xbf16>
      %swap3A_344 = arith.index_cast %scan3A_336 : i32 to index
      %swap3A_345 = arith.constant 16 : index
      %swap3A_346 = tpu.vector_load %arg9[%swap3A_344, %swap3A_345] {strides = array<i32>} : memref<32x128xbf16, #tpu.memory_space<vmem>>, vector<1x16xbf16>,
      %swap3A_347 = vector.shape_cast %swap3A_346 : vector<1x16xbf16> to vector<16xbf16>
      %swap3A_348 = vector.shape_cast %convert_element_type3A_343 : vector<16xbf16> to vector<1x16xbf16>
      tpu.vector_store %arg9[%swap3A_344, %swap3A_345], %swap3A_348 {strides = array<i32>} : memref<32x128xbf16, #tpu.memory_space<vmem>>, vector<1x16xbf16>,
      %convert_element_type3A_349 = arith.truncf %broadcast_in_dim3A_1 : vector<16xf32> to vector<16xbf16>
      %swap3A_350 = arith.index_cast %scan3A_336 : i32 to index
      %swap3A_351 = arith.constant 32 : index
      %swap3A_352 = tpu.vector_load %arg9[%swap3A_350, %swap3A_351] {strides = array<i32>} : memref<32x128xbf16, #tpu.memory_space<vmem>>, vector<1x16xbf16>,
      %swap3A_353 = vector.shape_cast %swap3A_352 : vector<1x16xbf16> to vector<16xbf16>
      %swap3A_354 = vector.shape_cast %convert_element_type3A_349 : vector<16xbf16> to vector<1x16xbf16>
      tpu.vector_store %arg9[%swap3A_350, %swap3A_351], %swap3A_354 {strides = array<i32>} : memref<32x128xbf16, #tpu.memory_space<vmem>>, vector<1x16xbf16>,
      %convert_element_type3A_355 = arith.truncf %broadcast_in_dim3A_1 : vector<16xf32> to vector<16xbf16>
      %swap3A_356 = arith.index_cast %scan3A_336 : i32 to index
      %swap3A_357 = arith.constant 48 : index
      %swap3A_358 = tpu.vector_load %arg9[%swap3A_356, %swap3A_357] {strides = array<i32>} : memref<32x128xbf16, #tpu.memory_space<vmem>>, vector<1x16xbf16>,
      %swap3A_359 = vector.shape_cast %swap3A_358 : vector<1x16xbf16> to vector<16xbf16>
      %swap3A_360 = vector.shape_cast %convert_element_type3A_355 : vector<16xbf16> to vector<1x16xbf16>
      tpu.vector_store %arg9[%swap3A_356, %swap3A_357], %swap3A_360 {strides = array<i32>} : memref<32x128xbf16, #tpu.memory_space<vmem>>, vector<1x16xbf16>,
      %convert_element_type3A_361 = arith.truncf %broadcast_in_dim3A_1 : vector<16xf32> to vector<16xbf16>
      %swap3A_362 = arith.index_cast %scan3A_336 : i32 to index
      %swap3A_363 = arith.constant 64 : index
      %swap3A_364 = tpu.vector_load %arg9[%swap3A_362, %swap3A_363] {strides = array<i32>} : memref<32x128xbf16, #tpu.memory_space<vmem>>, vector<1x16xbf16>,
      %swap3A_365 = vector.shape_cast %swap3A_364 : vector<1x16xbf16> to vector<16xbf16>
      %swap3A_366 = vector.shape_cast %convert_element_type3A_361 : vector<16xbf16> to vector<1x16xbf16>
      tpu.vector_store %arg9[%swap3A_362, %swap3A_363], %swap3A_366 {strides = array<i32>} : memref<32x128xbf16, #tpu.memory_space<vmem>>, vector<1x16xbf16>,
      %convert_element_type3A_367 = arith.truncf %broadcast_in_dim3A_1 : vector<16xf32> to vector<16xbf16>
      %swap3A_368 = arith.index_cast %scan3A_336 : i32 to index
      %swap3A_369 = arith.constant 80 : index
      %swap3A_370 = tpu.vector_load %arg9[%swap3A_368, %swap3A_369] {strides = array<i32>} : memref<32x128xbf16, #tpu.memory_space<vmem>>, vector<1x16xbf16>,
      %swap3A_371 = vector.shape_cast %swap3A_370 : vector<1x16xbf16> to vector<16xbf16>
      %swap3A_372 = vector.shape_cast %convert_element_type3A_367 : vector<16xbf16> to vector<1x16xbf16>
      tpu.vector_store %arg9[%swap3A_368, %swap3A_369], %swap3A_372 {strides = array<i32>} : memref<32x128xbf16, #tpu.memory_space<vmem>>, vector<1x16xbf16>,
      %convert_element_type3A_373 = arith.truncf %broadcast_in_dim3A_1 : vector<16xf32> to vector<16xbf16>
      %swap3A_374 = arith.index_cast %scan3A_336 : i32 to index
      %swap3A_375 = arith.constant 96 : index
      %swap3A_376 = tpu.vector_load %arg9[%swap3A_374, %swap3A_375] {strides = array<i32>} : memref<32x128xbf16, #tpu.memory_space<vmem>>, vector<1x16xbf16>,
      %swap3A_377 = vector.shape_cast %swap3A_376 : vector<1x16xbf16> to vector<16xbf16>
      %swap3A_378 = vector.shape_cast %convert_element_type3A_373 : vector<16xbf16> to vector<1x16xbf16>
      tpu.vector_store %arg9[%swap3A_374, %swap3A_375], %swap3A_378 {strides = array<i32>} : memref<32x128xbf16, #tpu.memory_space<vmem>>, vector<1x16xbf16>,
      %convert_element_type3A_379 = arith.truncf %broadcast_in_dim3A_1 : vector<16xf32> to vector<16xbf16>
      %swap3A_380 = arith.index_cast %scan3A_336 : i32 to index
      %swap3A_381 = arith.constant 112 : index
      %swap3A_382 = tpu.vector_load %arg9[%swap3A_380, %swap3A_381] {strides = array<i32>} : memref<32x128xbf16, #tpu.memory_space<vmem>>, vector<1x16xbf16>,
      %swap3A_383 = vector.shape_cast %swap3A_382 : vector<1x16xbf16> to vector<16xbf16>
      %swap3A_384 = vector.shape_cast %convert_element_type3A_379 : vector<16xbf16> to vector<1x16xbf16>
      tpu.vector_store %arg9[%swap3A_380, %swap3A_381], %swap3A_384 {strides = array<i32>} : memref<32x128xbf16, #tpu.memory_space<vmem>>, vector<1x16xbf16>,
      %scan3A_385 = arith.constant 3 : i32
      %scan3A_386 = arith.addi %scan3A_238, %scan3A_385 : i32
      %convert_element_type3A_387 = arith.truncf %broadcast_in_dim3A_1 : vector<16xf32> to vector<16xbf16>
      %swap3A_388 = arith.index_cast %scan3A_386 : i32 to index
      %swap3A_389 = arith.constant 0 : index
      %swap3A_390 = tpu.vector_load %arg9[%swap3A_388, %swap3A_389] {strides = array<i32>} : memref<32x128xbf16, #tpu.memory_space<vmem>>, vector<1x16xbf16>,
      %swap3A_391 = vector.shape_cast %swap3A_390 : vector<1x16xbf16> to vector<16xbf16>
      %swap3A_392 = vector.shape_cast %convert_element_type3A_387 : vector<16xbf16> to vector<1x16xbf16>
      tpu.vector_store %arg9[%swap3A_388, %swap3A_389], %swap3A_392 {strides = array<i32>} : memref<32x128xbf16, #tpu.memory_space<vmem>>, vector<1x16xbf16>,
      %convert_element_type3A_393 = arith.truncf %broadcast_in_dim3A_1 : vector<16xf32> to vector<16xbf16>
      %swap3A_394 = arith.index_cast %scan3A_386 : i32 to index
      %swap3A_395 = arith.constant 16 : index
      %swap3A_396 = tpu.vector_load %arg9[%swap3A_394, %swap3A_395] {strides = array<i32>} : memref<32x128xbf16, #tpu.memory_space<vmem>>, vector<1x16xbf16>,
      %swap3A_397 = vector.shape_cast %swap3A_396 : vector<1x16xbf16> to vector<16xbf16>
      %swap3A_398 = vector.shape_cast %convert_element_type3A_393 : vector<16xbf16> to vector<1x16xbf16>
      tpu.vector_store %arg9[%swap3A_394, %swap3A_395], %swap3A_398 {strides = array<i32>} : memref<32x128xbf16, #tpu.memory_space<vmem>>, vector<1x16xbf16>,
      %convert_element_type3A_399 = arith.truncf %broadcast_in_dim3A_1 : vector<16xf32> to vector<16xbf16>
      %swap3A_400 = arith.index_cast %scan3A_386 : i32 to index
      %swap3A_401 = arith.constant 32 : index
      %swap3A_402 = tpu.vector_load %arg9[%swap3A_400, %swap3A_401] {strides = array<i32>} : memref<32x128xbf16, #tpu.memory_space<vmem>>, vector<1x16xbf16>,
      %swap3A_403 = vector.shape_cast %swap3A_402 : vector<1x16xbf16> to vector<16xbf16>
      %swap3A_404 = vector.shape_cast %convert_element_type3A_399 : vector<16xbf16> to vector<1x16xbf16>
      tpu.vector_store %arg9[%swap3A_400, %swap3A_401], %swap3A_404 {strides = array<i32>} : memref<32x128xbf16, #tpu.memory_space<vmem>>, vector<1x16xbf16>,
      %convert_element_type3A_405 = arith.truncf %broadcast_in_dim3A_1 : vector<16xf32> to vector<16xbf16>
      %swap3A_406 = arith.index_cast %scan3A_386 : i32 to index
      %swap3A_407 = arith.constant 48 : index
      %swap3A_408 = tpu.vector_load %arg9[%swap3A_406, %swap3A_407] {strides = array<i32>} : memref<32x128xbf16, #tpu.memory_space<vmem>>, vector<1x16xbf16>,
      %swap3A_409 = vector.shape_cast %swap3A_408 : vector<1x16xbf16> to vector<16xbf16>
      %swap3A_410 = vector.shape_cast %convert_element_type3A_405 : vector<16xbf16> to vector<1x16xbf16>
      tpu.vector_store %arg9[%swap3A_406, %swap3A_407], %swap3A_410 {strides = array<i32>} : memref<32x128xbf16, #tpu.memory_space<vmem>>, vector<1x16xbf16>,
      %convert_element_type3A_411 = arith.truncf %broadcast_in_dim3A_1 : vector<16xf32> to vector<16xbf16>
      %swap3A_412 = arith.index_cast %scan3A_386 : i32 to index
      %swap3A_413 = arith.constant 64 : index
      %swap3A_414 = tpu.vector_load %arg9[%swap3A_412, %swap3A_413] {strides = array<i32>} : memref<32x128xbf16, #tpu.memory_space<vmem>>, vector<1x16xbf16>,
      %swap3A_415 = vector.shape_cast %swap3A_414 : vector<1x16xbf16> to vector<16xbf16>
      %swap3A_416 = vector.shape_cast %convert_element_type3A_411 : vector<16xbf16> to vector<1x16xbf16>
      tpu.vector_store %arg9[%swap3A_412, %swap3A_413], %swap3A_416 {strides = array<i32>} : memref<32x128xbf16, #tpu.memory_space<vmem>>, vector<1x16xbf16>,
      %convert_element_type3A_417 = arith.truncf %broadcast_in_dim3A_1 : vector<16xf32> to vector<16xbf16>
      %swap3A_418 = arith.index_cast %scan3A_386 : i32 to index
      %swap3A_419 = arith.constant 80 : index
      %swap3A_420 = tpu.vector_load %arg9[%swap3A_418, %swap3A_419] {strides = array<i32>} : memref<32x128xbf16, #tpu.memory_space<vmem>>, vector<1x16xbf16>,
      %swap3A_421 = vector.shape_cast %swap3A_420 : vector<1x16xbf16> to vector<16xbf16>
      %swap3A_422 = vector.shape_cast %convert_element_type3A_417 : vector<16xbf16> to vector<1x16xbf16>
      tpu.vector_store %arg9[%swap3A_418, %swap3A_419], %swap3A_422 {strides = array<i32>} : memref<32x128xbf16, #tpu.memory_space<vmem>>, vector<1x16xbf16>,
      %convert_element_type3A_423 = arith.truncf %broadcast_in_dim3A_1 : vector<16xf32> to vector<16xbf16>
      %swap3A_424 = arith.index_cast %scan3A_386 : i32 to index
      %swap3A_425 = arith.constant 96 : index
      %swap3A_426 = tpu.vector_load %arg9[%swap3A_424, %swap3A_425] {strides = array<i32>} : memref<32x128xbf16, #tpu.memory_space<vmem>>, vector<1x16xbf16>,
      %swap3A_427 = vector.shape_cast %swap3A_426 : vector<1x16xbf16> to vector<16xbf16>
      %swap3A_428 = vector.shape_cast %convert_element_type3A_423 : vector<16xbf16> to vector<1x16xbf16>
      tpu.vector_store %arg9[%swap3A_424, %swap3A_425], %swap3A_428 {strides = array<i32>} : memref<32x128xbf16, #tpu.memory_space<vmem>>, vector<1x16xbf16>,
      %convert_element_type3A_429 = arith.truncf %broadcast_in_dim3A_1 : vector<16xf32> to vector<16xbf16>
      %swap3A_430 = arith.index_cast %scan3A_386 : i32 to index
      %swap3A_431 = arith.constant 112 : index
      %swap3A_432 = tpu.vector_load %arg9[%swap3A_430, %swap3A_431] {strides = array<i32>} : memref<32x128xbf16, #tpu.memory_space<vmem>>, vector<1x16xbf16>,
      %swap3A_433 = vector.shape_cast %swap3A_432 : vector<1x16xbf16> to vector<16xbf16>
      %swap3A_434 = vector.shape_cast %convert_element_type3A_429 : vector<16xbf16> to vector<1x16xbf16>
      tpu.vector_store %arg9[%swap3A_430, %swap3A_431], %swap3A_434 {strides = array<i32>} : memref<32x128xbf16, #tpu.memory_space<vmem>>, vector<1x16xbf16>,
    }
    %scan3A_6 = arith.constant 32 : i32
    %scan3A_7 = arith.constant 0 : i32
    %scan3A_8 = arith.constant 0 : i32
    %scan3A_9 = arith.constant 20 : i32
    %scan3A_10 = arith.addi %scan3A_8, %scan3A_9 : i32
    %scan3A_11 = arith.constant 1 : i32
    scf.for %scan3A_238 = %scan3A_8 to %scan3A_10 step %scan3A_11  : i32 {
      %mul3A_239 = arith.constant 640 : i32
      %mul3A_240 = arith.muli %arg1, %mul3A_239 : i32
      %mul3A_241 = arith.constant 32 : i32
      %mul3A_242 = arith.muli %scan3A_238, %mul3A_241 : i32
      %add3A_243 = arith.addi %mul3A_240, %mul3A_242 : i32
      "tpu.region"() ({
        %run_scoped3A = tpu.sem_alloc : memref<!tpu.dma_semaphore, #tpu.memory_space<semaphore_mem>>
        %dma_start3A_244 = arith.constant 0 : i32
        %dma_start3A_245 = tpu.memref_slice %arg10[%add3A_243, %dma_start3A_244] : memref<10240x128xbf16, #tpu.memory_space<vmem_shared>> -> memref<32x128xbf16, #tpu.memory_space<vmem_shared>>
        %dma_start3A_246 = arith.constant 0 : i32
        %dma_start3A_247 = tpu.memref_slice %arg10[%add3A_243, %dma_start3A_246] : memref<10240x128xbf16, #tpu.memory_space<vmem_shared>> -> memref<32x128xbf16, #tpu.memory_space<vmem_shared>>
        tpu.enqueue_dma source(%arg9 : memref<32x128xbf16, #tpu.memory_space<vmem>>) target(%dma_start3A_247 : memref<32x128xbf16, #tpu.memory_space<vmem_shared>>) target_semaphore(%run_scoped3A : memref<!tpu.dma_semaphore, #tpu.memory_space<semaphore_mem>>)
        %dma_wait3A_248 = arith.constant 0 : i32
        %dma_wait3A_249 = tpu.memref_slice %arg10[%add3A_243, %dma_wait3A_248] : memref<10240x128xbf16, #tpu.memory_space<vmem_shared>> -> memref<32x128xbf16, #tpu.memory_space<vmem_shared>>
        %dma_wait3A_250 = arith.constant 0 : i32
        %dma_wait3A_251 = tpu.memref_slice %arg10[%add3A_243, %dma_wait3A_250] : memref<10240x128xbf16, #tpu.memory_space<vmem_shared>> -> memref<32x128xbf16, #tpu.memory_space<vmem_shared>>
        tpu.wait_dma2 semaphore(%run_scoped3A : memref<!tpu.dma_semaphore, #tpu.memory_space<semaphore_mem>>) src(%arg9 : memref<32x128xbf16, #tpu.memory_space<vmem>>) dst(%dma_wait3A_251 : memref<32x128xbf16, #tpu.memory_space<vmem_shared>>)
        tpu.yield
      }) : () -> ()
    }
    %scan3A_12 = arith.constant 20 : i32
    "tpu.region"() ({
      %run_scoped3A = tpu.sem_alloc : memref<!tpu.dma_semaphore, #tpu.memory_space<semaphore_mem>>
      %dma_start3A_238 = arith.constant 0 : i32
      %dma_start3A_239 = arith.constant 0 : i32
      %dma_start3A_240 = tpu.memref_slice %arg3[%add3A, %dma_start3A_238, %dma_start3A_239] : memref<32x80x125xi32, #tpu.memory_space<hbm>> -> memref<1x80x125xi32, #tpu.memory_space<hbm>>
      %dma_start3A_241 = tpu.memref_squeeze %dma_start3A_240 : memref<1x80x125xi32, #tpu.memory_space<hbm>> -> memref<80x125xi32, #tpu.memory_space<hbm>>
      %dma_start3A_242 = arith.constant 0 : i32
      %dma_start3A_243 = arith.constant 0 : i32
      %dma_start3A_244 = tpu.memref_slice %arg3[%add3A, %dma_start3A_242, %dma_start3A_243] : memref<32x80x125xi32, #tpu.memory_space<hbm>> -> memref<1x80x125xi32, #tpu.memory_space<hbm>>
      %dma_start3A_245 = tpu.memref_squeeze %dma_start3A_244 : memref<1x80x125xi32, #tpu.memory_space<hbm>> -> memref<80x125xi32, #tpu.memory_space<hbm>>
      tpu.enqueue_dma source(%dma_start3A_245 : memref<80x125xi32, #tpu.memory_space<hbm>>) target(%arg6 : memref<80x125xi32, #tpu.memory_space<vmem>>) target_semaphore(%run_scoped3A : memref<!tpu.dma_semaphore, #tpu.memory_space<semaphore_mem>>)
      %dma_wait3A_246 = arith.constant 0 : i32
      %dma_wait3A_247 = arith.constant 0 : i32
      %dma_wait3A_248 = tpu.memref_slice %arg3[%add3A, %dma_wait3A_246, %dma_wait3A_247] : memref<32x80x125xi32, #tpu.memory_space<hbm>> -> memref<1x80x125xi32, #tpu.memory_space<hbm>>
      %dma_wait3A_249 = tpu.memref_squeeze %dma_wait3A_248 : memref<1x80x125xi32, #tpu.memory_space<hbm>> -> memref<80x125xi32, #tpu.memory_space<hbm>>
      %dma_wait3A_250 = arith.constant 0 : i32
      %dma_wait3A_251 = arith.constant 0 : i32
      %dma_wait3A_252 = tpu.memref_slice %arg3[%add3A, %dma_wait3A_250, %dma_wait3A_251] : memref<32x80x125xi32, #tpu.memory_space<hbm>> -> memref<1x80x125xi32, #tpu.memory_space<hbm>>
      %dma_wait3A_253 = tpu.memref_squeeze %dma_wait3A_252 : memref<1x80x125xi32, #tpu.memory_space<hbm>> -> memref<80x125xi32, #tpu.memory_space<hbm>>
      tpu.wait_dma2 semaphore(%run_scoped3A : memref<!tpu.dma_semaphore, #tpu.memory_space<semaphore_mem>>) src(%dma_wait3A_253 : memref<80x125xi32, #tpu.memory_space<hbm>>) dst(%arg6 : memref<80x125xi32, #tpu.memory_space<vmem>>)
      tpu.yield
    }) : () -> ()
    "tpu.region"() ({
      %run_scoped3A = tpu.sem_alloc : memref<!tpu.dma_semaphore, #tpu.memory_space<semaphore_mem>>
      %dma_start3A_238 = arith.constant 0 : i32
      %dma_start3A_239 = arith.constant 0 : i32
      %dma_start3A_240 = tpu.memref_slice %arg4[%add3A, %dma_start3A_238, %dma_start3A_239] : memref<32x80x125xi32, #tpu.memory_space<hbm>> -> memref<1x80x125xi32, #tpu.memory_space<hbm>>
      %dma_start3A_241 = tpu.memref_squeeze %dma_start3A_240 : memref<1x80x125xi32, #tpu.memory_space<hbm>> -> memref<80x125xi32, #tpu.memory_space<hbm>>
      %dma_start3A_242 = arith.constant 0 : i32
      %dma_start3A_243 = arith.constant 0 : i32
      %dma_start3A_244 = tpu.memref_slice %arg4[%add3A, %dma_start3A_242, %dma_start3A_243] : memref<32x80x125xi32, #tpu.memory_space<hbm>> -> memref<1x80x125xi32, #tpu.memory_space<hbm>>
      %dma_start3A_245 = tpu.memref_squeeze %dma_start3A_244 : memref<1x80x125xi32, #tpu.memory_space<hbm>> -> memref<80x125xi32, #tpu.memory_space<hbm>>
      tpu.enqueue_dma source(%dma_start3A_245 : memref<80x125xi32, #tpu.memory_space<hbm>>) target(%arg7 : memref<80x125xi32, #tpu.memory_space<vmem>>) target_semaphore(%run_scoped3A : memref<!tpu.dma_semaphore, #tpu.memory_space<semaphore_mem>>)
      %dma_wait3A_246 = arith.constant 0 : i32
      %dma_wait3A_247 = arith.constant 0 : i32
      %dma_wait3A_248 = tpu.memref_slice %arg4[%add3A, %dma_wait3A_246, %dma_wait3A_247] : memref<32x80x125xi32, #tpu.memory_space<hbm>> -> memref<1x80x125xi32, #tpu.memory_space<hbm>>
      %dma_wait3A_249 = tpu.memref_squeeze %dma_wait3A_248 : memref<1x80x125xi32, #tpu.memory_space<hbm>> -> memref<80x125xi32, #tpu.memory_space<hbm>>
      %dma_wait3A_250 = arith.constant 0 : i32
      %dma_wait3A_251 = arith.constant 0 : i32
      %dma_wait3A_252 = tpu.memref_slice %arg4[%add3A, %dma_wait3A_250, %dma_wait3A_251] : memref<32x80x125xi32, #tpu.memory_space<hbm>> -> memref<1x80x125xi32, #tpu.memory_space<hbm>>
      %dma_wait3A_253 = tpu.memref_squeeze %dma_wait3A_252 : memref<1x80x125xi32, #tpu.memory_space<hbm>> -> memref<80x125xi32, #tpu.memory_space<hbm>>
      tpu.wait_dma2 semaphore(%run_scoped3A : memref<!tpu.dma_semaphore, #tpu.memory_space<semaphore_mem>>) src(%dma_wait3A_253 : memref<80x125xi32, #tpu.memory_space<hbm>>) dst(%arg7 : memref<80x125xi32, #tpu.memory_space<vmem>>)
      tpu.yield
    }) : () -> ()
    %barrier3A = arith.constant 0 : index
    tpu.barrier barrier_id(%barrier3A)
    %dma_start3A = arith.constant 0 : i32
    %dma_start3A_13 = arith.constant 0 : i32
    %dma_start3A_14 = arith.constant 0 : i32
    %dma_start3A_15 = arith.constant 0 : i32
    %dma_start3A_16 = arith.constant 0 : i32
    %dma_start3A_17 = tpu.memref_slice %arg8[%dma_start3A_13, %dma_start3A_15, %dma_start3A_16] : memref<4x125x128xbf16, #tpu.memory_space<vmem>> -> memref<1x125x128xbf16, #tpu.memory_space<vmem>>
    %dma_start3A_18 = tpu.memref_squeeze %dma_start3A_17 : memref<1x125x128xbf16, #tpu.memory_space<vmem>> -> memref<125x128xbf16, #tpu.memory_space<vmem>>
    %dma_start3A_19 = arith.constant 0 : i32
    %dma_start3A_20 = tpu.memref_slice %arg6[%dma_start3A, %dma_start3A_19] : memref<80x125xi32, #tpu.memory_space<vmem>> -> memref<1x125xi32, #tpu.memory_space<vmem>>
    %dma_start3A_21 = tpu.memref_squeeze %dma_start3A_20 : memref<1x125xi32, #tpu.memory_space<vmem>> -> memref<125xi32, #tpu.memory_space<vmem>>
    %dma_start3A_22 = arith.constant 0 : i32
    %dma_start3A_23 = arith.constant 0 : i32
    %dma_start3A_24 = tpu.memref_slice %arg2[%dma_start3A_22, %dma_start3A_23] : memref<10240x128xbf16, #tpu.memory_space<hbm>> -> memref<10240x128xbf16, #tpu.memory_space<hbm>>
    %dma_start3A_25 = tpu.memref_slice %arg11[%dma_start3A_14] : memref<4x!tpu.dma_semaphore, #tpu.memory_space<semaphore_mem>> -> memref<1x!tpu.dma_semaphore, #tpu.memory_space<semaphore_mem>>
    %dma_start3A_26 = tpu.memref_squeeze %dma_start3A_25 : memref<1x!tpu.dma_semaphore, #tpu.memory_space<semaphore_mem>> -> memref<!tpu.dma_semaphore, #tpu.memory_space<semaphore_mem>>
    tpu.enqueue_indirect_dma source(%dma_start3A_24 : memref<10240x128xbf16, #tpu.memory_space<hbm>>) target(%dma_start3A_18 : memref<125x128xbf16, #tpu.memory_space<vmem>>) offsets(%dma_start3A_21 : memref<125xi32, #tpu.memory_space<vmem>>) semaphore(%dma_start3A_26 : memref<!tpu.dma_semaphore, #tpu.memory_space<semaphore_mem>>)
    %dma_start3A_27 = arith.constant 1 : i32
    %dma_start3A_28 = arith.constant 1 : i32
    %dma_start3A_29 = arith.constant 1 : i32
    %dma_start3A_30 = arith.constant 0 : i32
    %dma_start3A_31 = arith.constant 0 : i32
    %dma_start3A_32 = tpu.memref_slice %arg8[%dma_start3A_28, %dma_start3A_30, %dma_start3A_31] : memref<4x125x128xbf16, #tpu.memory_space<vmem>> -> memref<1x125x128xbf16, #tpu.memory_space<vmem>>
    %dma_start3A_33 = tpu.memref_squeeze %dma_start3A_32 : memref<1x125x128xbf16, #tpu.memory_space<vmem>> -> memref<125x128xbf16, #tpu.memory_space<vmem>>
    %dma_start3A_34 = arith.constant 0 : i32
    %dma_start3A_35 = tpu.memref_slice %arg6[%dma_start3A_27, %dma_start3A_34] : memref<80x125xi32, #tpu.memory_space<vmem>> -> memref<1x125xi32, #tpu.memory_space<vmem>>
    %dma_start3A_36 = tpu.memref_squeeze %dma_start3A_35 : memref<1x125xi32, #tpu.memory_space<vmem>> -> memref<125xi32, #tpu.memory_space<vmem>>
    %dma_start3A_37 = arith.constant 0 : i32
    %dma_start3A_38 = arith.constant 0 : i32
    %dma_start3A_39 = tpu.memref_slice %arg2[%dma_start3A_37, %dma_start3A_38] : memref<10240x128xbf16, #tpu.memory_space<hbm>> -> memref<10240x128xbf16, #tpu.memory_space<hbm>>
    %dma_start3A_40 = tpu.memref_slice %arg11[%dma_start3A_29] : memref<4x!tpu.dma_semaphore, #tpu.memory_space<semaphore_mem>> -> memref<1x!tpu.dma_semaphore, #tpu.memory_space<semaphore_mem>>
    %dma_start3A_41 = tpu.memref_squeeze %dma_start3A_40 : memref<1x!tpu.dma_semaphore, #tpu.memory_space<semaphore_mem>> -> memref<!tpu.dma_semaphore, #tpu.memory_space<semaphore_mem>>
    tpu.enqueue_indirect_dma source(%dma_start3A_39 : memref<10240x128xbf16, #tpu.memory_space<hbm>>) target(%dma_start3A_33 : memref<125x128xbf16, #tpu.memory_space<vmem>>) offsets(%dma_start3A_36 : memref<125xi32, #tpu.memory_space<vmem>>) semaphore(%dma_start3A_41 : memref<!tpu.dma_semaphore, #tpu.memory_space<semaphore_mem>>)
    %dma_start3A_42 = arith.constant 2 : i32
    %dma_start3A_43 = arith.constant 2 : i32
    %dma_start3A_44 = arith.constant 2 : i32
    %dma_start3A_45 = arith.constant 0 : i32
    %dma_start3A_46 = arith.constant 0 : i32
    %dma_start3A_47 = tpu.memref_slice %arg8[%dma_start3A_43, %dma_start3A_45, %dma_start3A_46] : memref<4x125x128xbf16, #tpu.memory_space<vmem>> -> memref<1x125x128xbf16, #tpu.memory_space<vmem>>
    %dma_start3A_48 = tpu.memref_squeeze %dma_start3A_47 : memref<1x125x128xbf16, #tpu.memory_space<vmem>> -> memref<125x128xbf16, #tpu.memory_space<vmem>>
    %dma_start3A_49 = arith.constant 0 : i32
    %dma_start3A_50 = tpu.memref_slice %arg6[%dma_start3A_42, %dma_start3A_49] : memref<80x125xi32, #tpu.memory_space<vmem>> -> memref<1x125xi32, #tpu.memory_space<vmem>>
    %dma_start3A_51 = tpu.memref_squeeze %dma_start3A_50 : memref<1x125xi32, #tpu.memory_space<vmem>> -> memref<125xi32, #tpu.memory_space<vmem>>
    %dma_start3A_52 = arith.constant 0 : i32
    %dma_start3A_53 = arith.constant 0 : i32
    %dma_start3A_54 = tpu.memref_slice %arg2[%dma_start3A_52, %dma_start3A_53] : memref<10240x128xbf16, #tpu.memory_space<hbm>> -> memref<10240x128xbf16, #tpu.memory_space<hbm>>
    %dma_start3A_55 = tpu.memref_slice %arg11[%dma_start3A_44] : memref<4x!tpu.dma_semaphore, #tpu.memory_space<semaphore_mem>> -> memref<1x!tpu.dma_semaphore, #tpu.memory_space<semaphore_mem>>
    %dma_start3A_56 = tpu.memref_squeeze %dma_start3A_55 : memref<1x!tpu.dma_semaphore, #tpu.memory_space<semaphore_mem>> -> memref<!tpu.dma_semaphore, #tpu.memory_space<semaphore_mem>>
    tpu.enqueue_indirect_dma source(%dma_start3A_54 : memref<10240x128xbf16, #tpu.memory_space<hbm>>) target(%dma_start3A_48 : memref<125x128xbf16, #tpu.memory_space<vmem>>) offsets(%dma_start3A_51 : memref<125xi32, #tpu.memory_space<vmem>>) semaphore(%dma_start3A_56 : memref<!tpu.dma_semaphore, #tpu.memory_space<semaphore_mem>>)
    %dma_start3A_57 = arith.constant 3 : i32
    %dma_start3A_58 = arith.constant 3 : i32
    %dma_start3A_59 = arith.constant 3 : i32
    %dma_start3A_60 = arith.constant 0 : i32
    %dma_start3A_61 = arith.constant 0 : i32
    %dma_start3A_62 = tpu.memref_slice %arg8[%dma_start3A_58, %dma_start3A_60, %dma_start3A_61] : memref<4x125x128xbf16, #tpu.memory_space<vmem>> -> memref<1x125x128xbf16, #tpu.memory_space<vmem>>
    %dma_start3A_63 = tpu.memref_squeeze %dma_start3A_62 : memref<1x125x128xbf16, #tpu.memory_space<vmem>> -> memref<125x128xbf16, #tpu.memory_space<vmem>>
    %dma_start3A_64 = arith.constant 0 : i32
    %dma_start3A_65 = tpu.memref_slice %arg6[%dma_start3A_57, %dma_start3A_64] : memref<80x125xi32, #tpu.memory_space<vmem>> -> memref<1x125xi32, #tpu.memory_space<vmem>>
    %dma_start3A_66 = tpu.memref_squeeze %dma_start3A_65 : memref<1x125xi32, #tpu.memory_space<vmem>> -> memref<125xi32, #tpu.memory_space<vmem>>
    %dma_start3A_67 = arith.constant 0 : i32
    %dma_start3A_68 = arith.constant 0 : i32
    %dma_start3A_69 = tpu.memref_slice %arg2[%dma_start3A_67, %dma_start3A_68] : memref<10240x128xbf16, #tpu.memory_space<hbm>> -> memref<10240x128xbf16, #tpu.memory_space<hbm>>
    %dma_start3A_70 = tpu.memref_slice %arg11[%dma_start3A_59] : memref<4x!tpu.dma_semaphore, #tpu.memory_space<semaphore_mem>> -> memref<1x!tpu.dma_semaphore, #tpu.memory_space<semaphore_mem>>
    %dma_start3A_71 = tpu.memref_squeeze %dma_start3A_70 : memref<1x!tpu.dma_semaphore, #tpu.memory_space<semaphore_mem>> -> memref<!tpu.dma_semaphore, #tpu.memory_space<semaphore_mem>>
    tpu.enqueue_indirect_dma source(%dma_start3A_69 : memref<10240x128xbf16, #tpu.memory_space<hbm>>) target(%dma_start3A_63 : memref<125x128xbf16, #tpu.memory_space<vmem>>) offsets(%dma_start3A_66 : memref<125xi32, #tpu.memory_space<vmem>>) semaphore(%dma_start3A_71 : memref<!tpu.dma_semaphore, #tpu.memory_space<semaphore_mem>>)
    %dma_wait3A = arith.constant 0 : i32
    %dma_wait3A_72 = arith.constant 0 : i32
    %dma_wait3A_73 = arith.constant 0 : i32
    %dma_wait3A_74 = arith.constant 0 : i32
    %dma_wait3A_75 = arith.constant 0 : i32
    %dma_wait3A_76 = tpu.memref_slice %arg8[%dma_wait3A_72, %dma_wait3A_74, %dma_wait3A_75] : memref<4x125x128xbf16, #tpu.memory_space<vmem>> -> memref<1x125x128xbf16, #tpu.memory_space<vmem>>
    %dma_wait3A_77 = tpu.memref_squeeze %dma_wait3A_76 : memref<1x125x128xbf16, #tpu.memory_space<vmem>> -> memref<125x128xbf16, #tpu.memory_space<vmem>>
    %dma_wait3A_78 = arith.constant 0 : i32
    %dma_wait3A_79 = tpu.memref_slice %arg6[%dma_wait3A, %dma_wait3A_78] : memref<80x125xi32, #tpu.memory_space<vmem>> -> memref<1x125xi32, #tpu.memory_space<vmem>>
    %dma_wait3A_80 = tpu.memref_squeeze %dma_wait3A_79 : memref<1x125xi32, #tpu.memory_space<vmem>> -> memref<125xi32, #tpu.memory_space<vmem>>
    %dma_wait3A_81 = arith.constant 0 : i32
    %dma_wait3A_82 = arith.constant 0 : i32
    %dma_wait3A_83 = tpu.memref_slice %arg2[%dma_wait3A_81, %dma_wait3A_82] : memref<10240x128xbf16, #tpu.memory_space<hbm>> -> memref<10240x128xbf16, #tpu.memory_space<hbm>>
    %dma_wait3A_84 = tpu.memref_slice %arg11[%dma_wait3A_73] : memref<4x!tpu.dma_semaphore, #tpu.memory_space<semaphore_mem>> -> memref<1x!tpu.dma_semaphore, #tpu.memory_space<semaphore_mem>>
    %dma_wait3A_85 = tpu.memref_squeeze %dma_wait3A_84 : memref<1x!tpu.dma_semaphore, #tpu.memory_space<semaphore_mem>> -> memref<!tpu.dma_semaphore, #tpu.memory_space<semaphore_mem>>
    tpu.wait_indirect_dma semaphore(%dma_wait3A_85 : memref<!tpu.dma_semaphore, #tpu.memory_space<semaphore_mem>>) src(%dma_wait3A_83 : memref<10240x128xbf16, #tpu.memory_space<hbm>>) dst(%dma_wait3A_77 : memref<125x128xbf16, #tpu.memory_space<vmem>>)
    %dma_start3A_86 = arith.constant 0 : i32
    %dma_start3A_87 = arith.constant 0 : i32
    %dma_start3A_88 = arith.constant 0 : i32
    %dma_start3A_89 = arith.constant 0 : i32
    %dma_start3A_90 = tpu.memref_slice %arg8[%dma_start3A_86, %dma_start3A_88, %dma_start3A_89] : memref<4x125x128xbf16, #tpu.memory_space<vmem>> -> memref<1x125x128xbf16, #tpu.memory_space<vmem>>
    %dma_start3A_91 = tpu.memref_squeeze %dma_start3A_90 : memref<1x125x128xbf16, #tpu.memory_space<vmem>> -> memref<125x128xbf16, #tpu.memory_space<vmem>>
    %dma_start3A_92 = arith.constant 0 : i32
    %dma_start3A_93 = tpu.memref_slice %arg7[%dma_start3A_87, %dma_start3A_92] : memref<80x125xi32, #tpu.memory_space<vmem>> -> memref<1x125xi32, #tpu.memory_space<vmem>>
    %dma_start3A_94 = tpu.memref_squeeze %dma_start3A_93 : memref<1x125xi32, #tpu.memory_space<vmem>> -> memref<125xi32, #tpu.memory_space<vmem>>
    %dma_start3A_95 = arith.constant 0 : i32
    %dma_start3A_96 = arith.constant 0 : i32
    %dma_start3A_97 = tpu.memref_slice %arg10[%dma_start3A_95, %dma_start3A_96] : memref<10240x128xbf16, #tpu.memory_space<vmem_shared>> -> memref<10240x128xbf16, #tpu.memory_space<vmem_shared>>
    tpu.enqueue_indirect_dma source(%dma_start3A_91 : memref<125x128xbf16, #tpu.memory_space<vmem>>) target(%dma_start3A_97 : memref<10240x128xbf16, #tpu.memory_space<vmem_shared>>) offsets(%dma_start3A_94 : memref<125xi32, #tpu.memory_space<vmem>>) semaphore(%arg12 : memref<!tpu.dma_semaphore, #tpu.memory_space<semaphore_mem>>) {add = true}
    %scan3A_98 = arith.constant 0 : i32
    %scan3A_99 = arith.constant 0 : i32
    %scan3A_100 = arith.constant 19 : i32
    %scan3A_101 = arith.addi %scan3A_99, %scan3A_100 : i32
    %scan3A_102 = arith.constant 1 : i32
    scf.for %scan3A_238 = %scan3A_99 to %scan3A_101 step %scan3A_102  : i32 {
      %mul3A_239 = arith.constant 4 : i32
      %mul3A_240 = arith.muli %scan3A_238, %mul3A_239 : i32
      %add3A_241 = arith.constant 1 : i32
      %add3A_242 = arith.addi %add3A_241, %mul3A_240 : i32
      %add3A_243 = arith.constant 0 : i32
      %add3A_244 = arith.addi %add3A_242, %add3A_243 : i32
      %sub3A = arith.constant 1 : i32
      %sub3A_245 = arith.subi %add3A_244, %sub3A : i32
      %dma_wait3A_246 = arith.constant 0 : i32
      %dma_wait3A_247 = arith.constant 0 : i32
      %dma_wait3A_248 = arith.constant 0 : i32
      %dma_wait3A_249 = tpu.memref_slice %arg8[%dma_wait3A_246, %dma_wait3A_247, %dma_wait3A_248] : memref<4x125x128xbf16, #tpu.memory_space<vmem>> -> memref<1x125x128xbf16, #tpu.memory_space<vmem>>
      %dma_wait3A_250 = tpu.memref_squeeze %dma_wait3A_249 : memref<1x125x128xbf16, #tpu.memory_space<vmem>> -> memref<125x128xbf16, #tpu.memory_space<vmem>>
      %dma_wait3A_251 = arith.constant 0 : i32
      %dma_wait3A_252 = tpu.memref_slice %arg7[%sub3A_245, %dma_wait3A_251] : memref<80x125xi32, #tpu.memory_space<vmem>> -> memref<1x125xi32, #tpu.memory_space<vmem>>
      %dma_wait3A_253 = tpu.memref_squeeze %dma_wait3A_252 : memref<1x125xi32, #tpu.memory_space<vmem>> -> memref<125xi32, #tpu.memory_space<vmem>>
      %dma_wait3A_254 = arith.constant 0 : i32
      %dma_wait3A_255 = arith.constant 0 : i32
      %dma_wait3A_256 = tpu.memref_slice %arg10[%dma_wait3A_254, %dma_wait3A_255] : memref<10240x128xbf16, #tpu.memory_space<vmem_shared>> -> memref<10240x128xbf16, #tpu.memory_space<vmem_shared>>
      tpu.wait_indirect_dma semaphore(%arg12 : memref<!tpu.dma_semaphore, #tpu.memory_space<semaphore_mem>>) src(%dma_wait3A_250 : memref<125x128xbf16, #tpu.memory_space<vmem>>) dst(%dma_wait3A_256 : memref<10240x128xbf16, #tpu.memory_space<vmem_shared>>)
      %add3A_257 = arith.constant 4 : i32
      %add3A_258 = arith.addi %add3A_244, %add3A_257 : i32
      %sub3A_259 = arith.constant 1 : i32
      %sub3A_260 = arith.subi %add3A_258, %sub3A_259 : i32
      %dma_start3A_261 = arith.constant 0 : i32
      %dma_start3A_262 = arith.constant 0 : i32
      %dma_start3A_263 = arith.constant 0 : i32
      %dma_start3A_264 = arith.constant 0 : i32
      %dma_start3A_265 = tpu.memref_slice %arg8[%dma_start3A_261, %dma_start3A_263, %dma_start3A_264] : memref<4x125x128xbf16, #tpu.memory_space<vmem>> -> memref<1x125x128xbf16, #tpu.memory_space<vmem>>
      %dma_start3A_266 = tpu.memref_squeeze %dma_start3A_265 : memref<1x125x128xbf16, #tpu.memory_space<vmem>> -> memref<125x128xbf16, #tpu.memory_space<vmem>>
      %dma_start3A_267 = arith.constant 0 : i32
      %dma_start3A_268 = tpu.memref_slice %arg6[%sub3A_260, %dma_start3A_267] : memref<80x125xi32, #tpu.memory_space<vmem>> -> memref<1x125xi32, #tpu.memory_space<vmem>>
      %dma_start3A_269 = tpu.memref_squeeze %dma_start3A_268 : memref<1x125xi32, #tpu.memory_space<vmem>> -> memref<125xi32, #tpu.memory_space<vmem>>
      %dma_start3A_270 = arith.constant 0 : i32
      %dma_start3A_271 = arith.constant 0 : i32
      %dma_start3A_272 = tpu.memref_slice %arg2[%dma_start3A_270, %dma_start3A_271] : memref<10240x128xbf16, #tpu.memory_space<hbm>> -> memref<10240x128xbf16, #tpu.memory_space<hbm>>
      %dma_start3A_273 = tpu.memref_slice %arg11[%dma_start3A_262] : memref<4x!tpu.dma_semaphore, #tpu.memory_space<semaphore_mem>> -> memref<1x!tpu.dma_semaphore, #tpu.memory_space<semaphore_mem>>
      %dma_start3A_274 = tpu.memref_squeeze %dma_start3A_273 : memref<1x!tpu.dma_semaphore, #tpu.memory_space<semaphore_mem>> -> memref<!tpu.dma_semaphore, #tpu.memory_space<semaphore_mem>>
      tpu.enqueue_indirect_dma source(%dma_start3A_272 : memref<10240x128xbf16, #tpu.memory_space<hbm>>) target(%dma_start3A_266 : memref<125x128xbf16, #tpu.memory_space<vmem>>) offsets(%dma_start3A_269 : memref<125xi32, #tpu.memory_space<vmem>>) semaphore(%dma_start3A_274 : memref<!tpu.dma_semaphore, #tpu.memory_space<semaphore_mem>>)
      %dma_wait3A_275 = arith.constant 1 : i32
      %dma_wait3A_276 = arith.constant 1 : i32
      %dma_wait3A_277 = arith.constant 0 : i32
      %dma_wait3A_278 = arith.constant 0 : i32
      %dma_wait3A_279 = tpu.memref_slice %arg8[%dma_wait3A_275, %dma_wait3A_277, %dma_wait3A_278] : memref<4x125x128xbf16, #tpu.memory_space<vmem>> -> memref<1x125x128xbf16, #tpu.memory_space<vmem>>
      %dma_wait3A_280 = tpu.memref_squeeze %dma_wait3A_279 : memref<1x125x128xbf16, #tpu.memory_space<vmem>> -> memref<125x128xbf16, #tpu.memory_space<vmem>>
      %dma_wait3A_281 = arith.constant 0 : i32
      %dma_wait3A_282 = tpu.memref_slice %arg6[%add3A_244, %dma_wait3A_281] : memref<80x125xi32, #tpu.memory_space<vmem>> -> memref<1x125xi32, #tpu.memory_space<vmem>>
      %dma_wait3A_283 = tpu.memref_squeeze %dma_wait3A_282 : memref<1x125xi32, #tpu.memory_space<vmem>> -> memref<125xi32, #tpu.memory_space<vmem>>
      %dma_wait3A_284 = arith.constant 0 : i32
      %dma_wait3A_285 = arith.constant 0 : i32
      %dma_wait3A_286 = tpu.memref_slice %arg2[%dma_wait3A_284, %dma_wait3A_285] : memref<10240x128xbf16, #tpu.memory_space<hbm>> -> memref<10240x128xbf16, #tpu.memory_space<hbm>>
      %dma_wait3A_287 = tpu.memref_slice %arg11[%dma_wait3A_276] : memref<4x!tpu.dma_semaphore, #tpu.memory_space<semaphore_mem>> -> memref<1x!tpu.dma_semaphore, #tpu.memory_space<semaphore_mem>>
      %dma_wait3A_288 = tpu.memref_squeeze %dma_wait3A_287 : memref<1x!tpu.dma_semaphore, #tpu.memory_space<semaphore_mem>> -> memref<!tpu.dma_semaphore, #tpu.memory_space<semaphore_mem>>
      tpu.wait_indirect_dma semaphore(%dma_wait3A_288 : memref<!tpu.dma_semaphore, #tpu.memory_space<semaphore_mem>>) src(%dma_wait3A_286 : memref<10240x128xbf16, #tpu.memory_space<hbm>>) dst(%dma_wait3A_280 : memref<125x128xbf16, #tpu.memory_space<vmem>>)
      %dma_start3A_289 = arith.constant 1 : i32
      %dma_start3A_290 = arith.constant 0 : i32
      %dma_start3A_291 = arith.constant 0 : i32
      %dma_start3A_292 = tpu.memref_slice %arg8[%dma_start3A_289, %dma_start3A_290, %dma_start3A_291] : memref<4x125x128xbf16, #tpu.memory_space<vmem>> -> memref<1x125x128xbf16, #tpu.memory_space<vmem>>
      %dma_start3A_293 = tpu.memref_squeeze %dma_start3A_292 : memref<1x125x128xbf16, #tpu.memory_space<vmem>> -> memref<125x128xbf16, #tpu.memory_space<vmem>>
      %dma_start3A_294 = arith.constant 0 : i32
      %dma_start3A_295 = tpu.memref_slice %arg7[%add3A_244, %dma_start3A_294] : memref<80x125xi32, #tpu.memory_space<vmem>> -> memref<1x125xi32, #tpu.memory_space<vmem>>
      %dma_start3A_296 = tpu.memref_squeeze %dma_start3A_295 : memref<1x125xi32, #tpu.memory_space<vmem>> -> memref<125xi32, #tpu.memory_space<vmem>>
      %dma_start3A_297 = arith.constant 0 : i32
      %dma_start3A_298 = arith.constant 0 : i32
      %dma_start3A_299 = tpu.memref_slice %arg10[%dma_start3A_297, %dma_start3A_298] : memref<10240x128xbf16, #tpu.memory_space<vmem_shared>> -> memref<10240x128xbf16, #tpu.memory_space<vmem_shared>>
      tpu.enqueue_indirect_dma source(%dma_start3A_293 : memref<125x128xbf16, #tpu.memory_space<vmem>>) target(%dma_start3A_299 : memref<10240x128xbf16, #tpu.memory_space<vmem_shared>>) offsets(%dma_start3A_296 : memref<125xi32, #tpu.memory_space<vmem>>) semaphore(%arg12 : memref<!tpu.dma_semaphore, #tpu.memory_space<semaphore_mem>>) {add = true}
      %mul3A_300 = arith.constant 4 : i32
      %mul3A_301 = arith.muli %scan3A_238, %mul3A_300 : i32
      %add3A_302 = arith.constant 1 : i32
      %add3A_303 = arith.addi %add3A_302, %mul3A_301 : i32
      %add3A_304 = arith.constant 1 : i32
      %add3A_305 = arith.addi %add3A_303, %add3A_304 : i32
      %sub3A_306 = arith.constant 1 : i32
      %sub3A_307 = arith.subi %add3A_305, %sub3A_306 : i32
      %dma_wait3A_308 = arith.constant 1 : i32
      %dma_wait3A_309 = arith.constant 0 : i32
      %dma_wait3A_310 = arith.constant 0 : i32
      %dma_wait3A_311 = tpu.memref_slice %arg8[%dma_wait3A_308, %dma_wait3A_309, %dma_wait3A_310] : memref<4x125x128xbf16, #tpu.memory_space<vmem>> -> memref<1x125x128xbf16, #tpu.memory_space<vmem>>
      %dma_wait3A_312 = tpu.memref_squeeze %dma_wait3A_311 : memref<1x125x128xbf16, #tpu.memory_space<vmem>> -> memref<125x128xbf16, #tpu.memory_space<vmem>>
      %dma_wait3A_313 = arith.constant 0 : i32
      %dma_wait3A_314 = tpu.memref_slice %arg7[%sub3A_307, %dma_wait3A_313] : memref<80x125xi32, #tpu.memory_space<vmem>> -> memref<1x125xi32, #tpu.memory_space<vmem>>
      %dma_wait3A_315 = tpu.memref_squeeze %dma_wait3A_314 : memref<1x125xi32, #tpu.memory_space<vmem>> -> memref<125xi32, #tpu.memory_space<vmem>>
      %dma_wait3A_316 = arith.constant 0 : i32
      %dma_wait3A_317 = arith.constant 0 : i32
      %dma_wait3A_318 = tpu.memref_slice %arg10[%dma_wait3A_316, %dma_wait3A_317] : memref<10240x128xbf16, #tpu.memory_space<vmem_shared>> -> memref<10240x128xbf16, #tpu.memory_space<vmem_shared>>
      tpu.wait_indirect_dma semaphore(%arg12 : memref<!tpu.dma_semaphore, #tpu.memory_space<semaphore_mem>>) src(%dma_wait3A_312 : memref<125x128xbf16, #tpu.memory_space<vmem>>) dst(%dma_wait3A_318 : memref<10240x128xbf16, #tpu.memory_space<vmem_shared>>)
      %add3A_319 = arith.constant 4 : i32
      %add3A_320 = arith.addi %add3A_305, %add3A_319 : i32
      %sub3A_321 = arith.constant 1 : i32
      %sub3A_322 = arith.subi %add3A_320, %sub3A_321 : i32
      %dma_start3A_323 = arith.constant 1 : i32
      %dma_start3A_324 = arith.constant 1 : i32
      %dma_start3A_325 = arith.constant 0 : i32
      %dma_start3A_326 = arith.constant 0 : i32
      %dma_start3A_327 = tpu.memref_slice %arg8[%dma_start3A_323, %dma_start3A_325, %dma_start3A_326] : memref<4x125x128xbf16, #tpu.memory_space<vmem>> -> memref<1x125x128xbf16, #tpu.memory_space<vmem>>
      %dma_start3A_328 = tpu.memref_squeeze %dma_start3A_327 : memref<1x125x128xbf16, #tpu.memory_space<vmem>> -> memref<125x128xbf16, #tpu.memory_space<vmem>>
      %dma_start3A_329 = arith.constant 0 : i32
      %dma_start3A_330 = tpu.memref_slice %arg6[%sub3A_322, %dma_start3A_329] : memref<80x125xi32, #tpu.memory_space<vmem>> -> memref<1x125xi32, #tpu.memory_space<vmem>>
      %dma_start3A_331 = tpu.memref_squeeze %dma_start3A_330 : memref<1x125xi32, #tpu.memory_space<vmem>> -> memref<125xi32, #tpu.memory_space<vmem>>
      %dma_start3A_332 = arith.constant 0 : i32
      %dma_start3A_333 = arith.constant 0 : i32
      %dma_start3A_334 = tpu.memref_slice %arg2[%dma_start3A_332, %dma_start3A_333] : memref<10240x128xbf16, #tpu.memory_space<hbm>> -> memref<10240x128xbf16, #tpu.memory_space<hbm>>
      %dma_start3A_335 = tpu.memref_slice %arg11[%dma_start3A_324] : memref<4x!tpu.dma_semaphore, #tpu.memory_space<semaphore_mem>> -> memref<1x!tpu.dma_semaphore, #tpu.memory_space<semaphore_mem>>
      %dma_start3A_336 = tpu.memref_squeeze %dma_start3A_335 : memref<1x!tpu.dma_semaphore, #tpu.memory_space<semaphore_mem>> -> memref<!tpu.dma_semaphore, #tpu.memory_space<semaphore_mem>>
      tpu.enqueue_indirect_dma source(%dma_start3A_334 : memref<10240x128xbf16, #tpu.memory_space<hbm>>) target(%dma_start3A_328 : memref<125x128xbf16, #tpu.memory_space<vmem>>) offsets(%dma_start3A_331 : memref<125xi32, #tpu.memory_space<vmem>>) semaphore(%dma_start3A_336 : memref<!tpu.dma_semaphore, #tpu.memory_space<semaphore_mem>>)
      %dma_wait3A_337 = arith.constant 2 : i32
      %dma_wait3A_338 = arith.constant 2 : i32
      %dma_wait3A_339 = arith.constant 0 : i32
      %dma_wait3A_340 = arith.constant 0 : i32
      %dma_wait3A_341 = tpu.memref_slice %arg8[%dma_wait3A_337, %dma_wait3A_339, %dma_wait3A_340] : memref<4x125x128xbf16, #tpu.memory_space<vmem>> -> memref<1x125x128xbf16, #tpu.memory_space<vmem>>
      %dma_wait3A_342 = tpu.memref_squeeze %dma_wait3A_341 : memref<1x125x128xbf16, #tpu.memory_space<vmem>> -> memref<125x128xbf16, #tpu.memory_space<vmem>>
      %dma_wait3A_343 = arith.constant 0 : i32
      %dma_wait3A_344 = tpu.memref_slice %arg6[%add3A_305, %dma_wait3A_343] : memref<80x125xi32, #tpu.memory_space<vmem>> -> memref<1x125xi32, #tpu.memory_space<vmem>>
      %dma_wait3A_345 = tpu.memref_squeeze %dma_wait3A_344 : memref<1x125xi32, #tpu.memory_space<vmem>> -> memref<125xi32, #tpu.memory_space<vmem>>
      %dma_wait3A_346 = arith.constant 0 : i32
      %dma_wait3A_347 = arith.constant 0 : i32
      %dma_wait3A_348 = tpu.memref_slice %arg2[%dma_wait3A_346, %dma_wait3A_347] : memref<10240x128xbf16, #tpu.memory_space<hbm>> -> memref<10240x128xbf16, #tpu.memory_space<hbm>>
      %dma_wait3A_349 = tpu.memref_slice %arg11[%dma_wait3A_338] : memref<4x!tpu.dma_semaphore, #tpu.memory_space<semaphore_mem>> -> memref<1x!tpu.dma_semaphore, #tpu.memory_space<semaphore_mem>>
      %dma_wait3A_350 = tpu.memref_squeeze %dma_wait3A_349 : memref<1x!tpu.dma_semaphore, #tpu.memory_space<semaphore_mem>> -> memref<!tpu.dma_semaphore, #tpu.memory_space<semaphore_mem>>
      tpu.wait_indirect_dma semaphore(%dma_wait3A_350 : memref<!tpu.dma_semaphore, #tpu.memory_space<semaphore_mem>>) src(%dma_wait3A_348 : memref<10240x128xbf16, #tpu.memory_space<hbm>>) dst(%dma_wait3A_342 : memref<125x128xbf16, #tpu.memory_space<vmem>>)
      %dma_start3A_351 = arith.constant 2 : i32
      %dma_start3A_352 = arith.constant 0 : i32
      %dma_start3A_353 = arith.constant 0 : i32
      %dma_start3A_354 = tpu.memref_slice %arg8[%dma_start3A_351, %dma_start3A_352, %dma_start3A_353] : memref<4x125x128xbf16, #tpu.memory_space<vmem>> -> memref<1x125x128xbf16, #tpu.memory_space<vmem>>
      %dma_start3A_355 = tpu.memref_squeeze %dma_start3A_354 : memref<1x125x128xbf16, #tpu.memory_space<vmem>> -> memref<125x128xbf16, #tpu.memory_space<vmem>>
      %dma_start3A_356 = arith.constant 0 : i32
      %dma_start3A_357 = tpu.memref_slice %arg7[%add3A_305, %dma_start3A_356] : memref<80x125xi32, #tpu.memory_space<vmem>> -> memref<1x125xi32, #tpu.memory_space<vmem>>
      %dma_start3A_358 = tpu.memref_squeeze %dma_start3A_357 : memref<1x125xi32, #tpu.memory_space<vmem>> -> memref<125xi32, #tpu.memory_space<vmem>>
      %dma_start3A_359 = arith.constant 0 : i32
      %dma_start3A_360 = arith.constant 0 : i32
      %dma_start3A_361 = tpu.memref_slice %arg10[%dma_start3A_359, %dma_start3A_360] : memref<10240x128xbf16, #tpu.memory_space<vmem_shared>> -> memref<10240x128xbf16, #tpu.memory_space<vmem_shared>>
      tpu.enqueue_indirect_dma source(%dma_start3A_355 : memref<125x128xbf16, #tpu.memory_space<vmem>>) target(%dma_start3A_361 : memref<10240x128xbf16, #tpu.memory_space<vmem_shared>>) offsets(%dma_start3A_358 : memref<125xi32, #tpu.memory_space<vmem>>) semaphore(%arg12 : memref<!tpu.dma_semaphore, #tpu.memory_space<semaphore_mem>>) {add = true}
      %mul3A_362 = arith.constant 4 : i32
      %mul3A_363 = arith.muli %scan3A_238, %mul3A_362 : i32
      %add3A_364 = arith.constant 1 : i32
      %add3A_365 = arith.addi %add3A_364, %mul3A_363 : i32
      %add3A_366 = arith.constant 2 : i32
      %add3A_367 = arith.addi %add3A_365, %add3A_366 : i32
      %sub3A_368 = arith.constant 1 : i32
      %sub3A_369 = arith.subi %add3A_367, %sub3A_368 : i32
      %dma_wait3A_370 = arith.constant 2 : i32
      %dma_wait3A_371 = arith.constant 0 : i32
      %dma_wait3A_372 = arith.constant 0 : i32
      %dma_wait3A_373 = tpu.memref_slice %arg8[%dma_wait3A_370, %dma_wait3A_371, %dma_wait3A_372] : memref<4x125x128xbf16, #tpu.memory_space<vmem>> -> memref<1x125x128xbf16, #tpu.memory_space<vmem>>
      %dma_wait3A_374 = tpu.memref_squeeze %dma_wait3A_373 : memref<1x125x128xbf16, #tpu.memory_space<vmem>> -> memref<125x128xbf16, #tpu.memory_space<vmem>>
      %dma_wait3A_375 = arith.constant 0 : i32
      %dma_wait3A_376 = tpu.memref_slice %arg7[%sub3A_369, %dma_wait3A_375] : memref<80x125xi32, #tpu.memory_space<vmem>> -> memref<1x125xi32, #tpu.memory_space<vmem>>
      %dma_wait3A_377 = tpu.memref_squeeze %dma_wait3A_376 : memref<1x125xi32, #tpu.memory_space<vmem>> -> memref<125xi32, #tpu.memory_space<vmem>>
      %dma_wait3A_378 = arith.constant 0 : i32
      %dma_wait3A_379 = arith.constant 0 : i32
      %dma_wait3A_380 = tpu.memref_slice %arg10[%dma_wait3A_378, %dma_wait3A_379] : memref<10240x128xbf16, #tpu.memory_space<vmem_shared>> -> memref<10240x128xbf16, #tpu.memory_space<vmem_shared>>
      tpu.wait_indirect_dma semaphore(%arg12 : memref<!tpu.dma_semaphore, #tpu.memory_space<semaphore_mem>>) src(%dma_wait3A_374 : memref<125x128xbf16, #tpu.memory_space<vmem>>) dst(%dma_wait3A_380 : memref<10240x128xbf16, #tpu.memory_space<vmem_shared>>)
      %add3A_381 = arith.constant 4 : i32
      %add3A_382 = arith.addi %add3A_367, %add3A_381 : i32
      %sub3A_383 = arith.constant 1 : i32
      %sub3A_384 = arith.subi %add3A_382, %sub3A_383 : i32
      %dma_start3A_385 = arith.constant 2 : i32
      %dma_start3A_386 = arith.constant 2 : i32
      %dma_start3A_387 = arith.constant 0 : i32
      %dma_start3A_388 = arith.constant 0 : i32
      %dma_start3A_389 = tpu.memref_slice %arg8[%dma_start3A_385, %dma_start3A_387, %dma_start3A_388] : memref<4x125x128xbf16, #tpu.memory_space<vmem>> -> memref<1x125x128xbf16, #tpu.memory_space<vmem>>
      %dma_start3A_390 = tpu.memref_squeeze %dma_start3A_389 : memref<1x125x128xbf16, #tpu.memory_space<vmem>> -> memref<125x128xbf16, #tpu.memory_space<vmem>>
      %dma_start3A_391 = arith.constant 0 : i32
      %dma_start3A_392 = tpu.memref_slice %arg6[%sub3A_384, %dma_start3A_391] : memref<80x125xi32, #tpu.memory_space<vmem>> -> memref<1x125xi32, #tpu.memory_space<vmem>>
      %dma_start3A_393 = tpu.memref_squeeze %dma_start3A_392 : memref<1x125xi32, #tpu.memory_space<vmem>> -> memref<125xi32, #tpu.memory_space<vmem>>
      %dma_start3A_394 = arith.constant 0 : i32
      %dma_start3A_395 = arith.constant 0 : i32
      %dma_start3A_396 = tpu.memref_slice %arg2[%dma_start3A_394, %dma_start3A_395] : memref<10240x128xbf16, #tpu.memory_space<hbm>> -> memref<10240x128xbf16, #tpu.memory_space<hbm>>
      %dma_start3A_397 = tpu.memref_slice %arg11[%dma_start3A_386] : memref<4x!tpu.dma_semaphore, #tpu.memory_space<semaphore_mem>> -> memref<1x!tpu.dma_semaphore, #tpu.memory_space<semaphore_mem>>
      %dma_start3A_398 = tpu.memref_squeeze %dma_start3A_397 : memref<1x!tpu.dma_semaphore, #tpu.memory_space<semaphore_mem>> -> memref<!tpu.dma_semaphore, #tpu.memory_space<semaphore_mem>>
      tpu.enqueue_indirect_dma source(%dma_start3A_396 : memref<10240x128xbf16, #tpu.memory_space<hbm>>) target(%dma_start3A_390 : memref<125x128xbf16, #tpu.memory_space<vmem>>) offsets(%dma_start3A_393 : memref<125xi32, #tpu.memory_space<vmem>>) semaphore(%dma_start3A_398 : memref<!tpu.dma_semaphore, #tpu.memory_space<semaphore_mem>>)
      %dma_wait3A_399 = arith.constant 3 : i32
      %dma_wait3A_400 = arith.constant 3 : i32
      %dma_wait3A_401 = arith.constant 0 : i32
      %dma_wait3A_402 = arith.constant 0 : i32
      %dma_wait3A_403 = tpu.memref_slice %arg8[%dma_wait3A_399, %dma_wait3A_401, %dma_wait3A_402] : memref<4x125x128xbf16, #tpu.memory_space<vmem>> -> memref<1x125x128xbf16, #tpu.memory_space<vmem>>
      %dma_wait3A_404 = tpu.memref_squeeze %dma_wait3A_403 : memref<1x125x128xbf16, #tpu.memory_space<vmem>> -> memref<125x128xbf16, #tpu.memory_space<vmem>>
      %dma_wait3A_405 = arith.constant 0 : i32
      %dma_wait3A_406 = tpu.memref_slice %arg6[%add3A_367, %dma_wait3A_405] : memref<80x125xi32, #tpu.memory_space<vmem>> -> memref<1x125xi32, #tpu.memory_space<vmem>>
      %dma_wait3A_407 = tpu.memref_squeeze %dma_wait3A_406 : memref<1x125xi32, #tpu.memory_space<vmem>> -> memref<125xi32, #tpu.memory_space<vmem>>
      %dma_wait3A_408 = arith.constant 0 : i32
      %dma_wait3A_409 = arith.constant 0 : i32
      %dma_wait3A_410 = tpu.memref_slice %arg2[%dma_wait3A_408, %dma_wait3A_409] : memref<10240x128xbf16, #tpu.memory_space<hbm>> -> memref<10240x128xbf16, #tpu.memory_space<hbm>>
      %dma_wait3A_411 = tpu.memref_slice %arg11[%dma_wait3A_400] : memref<4x!tpu.dma_semaphore, #tpu.memory_space<semaphore_mem>> -> memref<1x!tpu.dma_semaphore, #tpu.memory_space<semaphore_mem>>
      %dma_wait3A_412 = tpu.memref_squeeze %dma_wait3A_411 : memref<1x!tpu.dma_semaphore, #tpu.memory_space<semaphore_mem>> -> memref<!tpu.dma_semaphore, #tpu.memory_space<semaphore_mem>>
      tpu.wait_indirect_dma semaphore(%dma_wait3A_412 : memref<!tpu.dma_semaphore, #tpu.memory_space<semaphore_mem>>) src(%dma_wait3A_410 : memref<10240x128xbf16, #tpu.memory_space<hbm>>) dst(%dma_wait3A_404 : memref<125x128xbf16, #tpu.memory_space<vmem>>)
      %dma_start3A_413 = arith.constant 3 : i32
      %dma_start3A_414 = arith.constant 0 : i32
      %dma_start3A_415 = arith.constant 0 : i32
      %dma_start3A_416 = tpu.memref_slice %arg8[%dma_start3A_413, %dma_start3A_414, %dma_start3A_415] : memref<4x125x128xbf16, #tpu.memory_space<vmem>> -> memref<1x125x128xbf16, #tpu.memory_space<vmem>>
      %dma_start3A_417 = tpu.memref_squeeze %dma_start3A_416 : memref<1x125x128xbf16, #tpu.memory_space<vmem>> -> memref<125x128xbf16, #tpu.memory_space<vmem>>
      %dma_start3A_418 = arith.constant 0 : i32
      %dma_start3A_419 = tpu.memref_slice %arg7[%add3A_367, %dma_start3A_418] : memref<80x125xi32, #tpu.memory_space<vmem>> -> memref<1x125xi32, #tpu.memory_space<vmem>>
      %dma_start3A_420 = tpu.memref_squeeze %dma_start3A_419 : memref<1x125xi32, #tpu.memory_space<vmem>> -> memref<125xi32, #tpu.memory_space<vmem>>
      %dma_start3A_421 = arith.constant 0 : i32
      %dma_start3A_422 = arith.constant 0 : i32
      %dma_start3A_423 = tpu.memref_slice %arg10[%dma_start3A_421, %dma_start3A_422] : memref<10240x128xbf16, #tpu.memory_space<vmem_shared>> -> memref<10240x128xbf16, #tpu.memory_space<vmem_shared>>
      tpu.enqueue_indirect_dma source(%dma_start3A_417 : memref<125x128xbf16, #tpu.memory_space<vmem>>) target(%dma_start3A_423 : memref<10240x128xbf16, #tpu.memory_space<vmem_shared>>) offsets(%dma_start3A_420 : memref<125xi32, #tpu.memory_space<vmem>>) semaphore(%arg12 : memref<!tpu.dma_semaphore, #tpu.memory_space<semaphore_mem>>) {add = true}
      %mul3A_424 = arith.constant 4 : i32
      %mul3A_425 = arith.muli %scan3A_238, %mul3A_424 : i32
      %add3A_426 = arith.constant 1 : i32
      %add3A_427 = arith.addi %add3A_426, %mul3A_425 : i32
      %add3A_428 = arith.constant 3 : i32
      %add3A_429 = arith.addi %add3A_427, %add3A_428 : i32
      %sub3A_430 = arith.constant 1 : i32
      %sub3A_431 = arith.subi %add3A_429, %sub3A_430 : i32
      %dma_wait3A_432 = arith.constant 3 : i32
      %dma_wait3A_433 = arith.constant 0 : i32
      %dma_wait3A_434 = arith.constant 0 : i32
      %dma_wait3A_435 = tpu.memref_slice %arg8[%dma_wait3A_432, %dma_wait3A_433, %dma_wait3A_434] : memref<4x125x128xbf16, #tpu.memory_space<vmem>> -> memref<1x125x128xbf16, #tpu.memory_space<vmem>>
      %dma_wait3A_436 = tpu.memref_squeeze %dma_wait3A_435 : memref<1x125x128xbf16, #tpu.memory_space<vmem>> -> memref<125x128xbf16, #tpu.memory_space<vmem>>
      %dma_wait3A_437 = arith.constant 0 : i32
      %dma_wait3A_438 = tpu.memref_slice %arg7[%sub3A_431, %dma_wait3A_437] : memref<80x125xi32, #tpu.memory_space<vmem>> -> memref<1x125xi32, #tpu.memory_space<vmem>>
      %dma_wait3A_439 = tpu.memref_squeeze %dma_wait3A_438 : memref<1x125xi32, #tpu.memory_space<vmem>> -> memref<125xi32, #tpu.memory_space<vmem>>
      %dma_wait3A_440 = arith.constant 0 : i32
      %dma_wait3A_441 = arith.constant 0 : i32
      %dma_wait3A_442 = tpu.memref_slice %arg10[%dma_wait3A_440, %dma_wait3A_441] : memref<10240x128xbf16, #tpu.memory_space<vmem_shared>> -> memref<10240x128xbf16, #tpu.memory_space<vmem_shared>>
      tpu.wait_indirect_dma semaphore(%arg12 : memref<!tpu.dma_semaphore, #tpu.memory_space<semaphore_mem>>) src(%dma_wait3A_436 : memref<125x128xbf16, #tpu.memory_space<vmem>>) dst(%dma_wait3A_442 : memref<10240x128xbf16, #tpu.memory_space<vmem_shared>>)
      %add3A_443 = arith.constant 4 : i32
      %add3A_444 = arith.addi %add3A_429, %add3A_443 : i32
      %sub3A_445 = arith.constant 1 : i32
      %sub3A_446 = arith.subi %add3A_444, %sub3A_445 : i32
      %dma_start3A_447 = arith.constant 3 : i32
      %dma_start3A_448 = arith.constant 3 : i32
      %dma_start3A_449 = arith.constant 0 : i32
      %dma_start3A_450 = arith.constant 0 : i32
      %dma_start3A_451 = tpu.memref_slice %arg8[%dma_start3A_447, %dma_start3A_449, %dma_start3A_450] : memref<4x125x128xbf16, #tpu.memory_space<vmem>> -> memref<1x125x128xbf16, #tpu.memory_space<vmem>>
      %dma_start3A_452 = tpu.memref_squeeze %dma_start3A_451 : memref<1x125x128xbf16, #tpu.memory_space<vmem>> -> memref<125x128xbf16, #tpu.memory_space<vmem>>
      %dma_start3A_453 = arith.constant 0 : i32
      %dma_start3A_454 = tpu.memref_slice %arg6[%sub3A_446, %dma_start3A_453] : memref<80x125xi32, #tpu.memory_space<vmem>> -> memref<1x125xi32, #tpu.memory_space<vmem>>
      %dma_start3A_455 = tpu.memref_squeeze %dma_start3A_454 : memref<1x125xi32, #tpu.memory_space<vmem>> -> memref<125xi32, #tpu.memory_space<vmem>>
      %dma_start3A_456 = arith.constant 0 : i32
      %dma_start3A_457 = arith.constant 0 : i32
      %dma_start3A_458 = tpu.memref_slice %arg2[%dma_start3A_456, %dma_start3A_457] : memref<10240x128xbf16, #tpu.memory_space<hbm>> -> memref<10240x128xbf16, #tpu.memory_space<hbm>>
      %dma_start3A_459 = tpu.memref_slice %arg11[%dma_start3A_448] : memref<4x!tpu.dma_semaphore, #tpu.memory_space<semaphore_mem>> -> memref<1x!tpu.dma_semaphore, #tpu.memory_space<semaphore_mem>>
      %dma_start3A_460 = tpu.memref_squeeze %dma_start3A_459 : memref<1x!tpu.dma_semaphore, #tpu.memory_space<semaphore_mem>> -> memref<!tpu.dma_semaphore, #tpu.memory_space<semaphore_mem>>
      tpu.enqueue_indirect_dma source(%dma_start3A_458 : memref<10240x128xbf16, #tpu.memory_space<hbm>>) target(%dma_start3A_452 : memref<125x128xbf16, #tpu.memory_space<vmem>>) offsets(%dma_start3A_455 : memref<125xi32, #tpu.memory_space<vmem>>) semaphore(%dma_start3A_460 : memref<!tpu.dma_semaphore, #tpu.memory_space<semaphore_mem>>)
      %dma_wait3A_461 = arith.constant 0 : i32
      %dma_wait3A_462 = arith.constant 0 : i32
      %dma_wait3A_463 = arith.constant 0 : i32
      %dma_wait3A_464 = arith.constant 0 : i32
      %dma_wait3A_465 = tpu.memref_slice %arg8[%dma_wait3A_461, %dma_wait3A_463, %dma_wait3A_464] : memref<4x125x128xbf16, #tpu.memory_space<vmem>> -> memref<1x125x128xbf16, #tpu.memory_space<vmem>>
      %dma_wait3A_466 = tpu.memref_squeeze %dma_wait3A_465 : memref<1x125x128xbf16, #tpu.memory_space<vmem>> -> memref<125x128xbf16, #tpu.memory_space<vmem>>
      %dma_wait3A_467 = arith.constant 0 : i32
      %dma_wait3A_468 = tpu.memref_slice %arg6[%add3A_429, %dma_wait3A_467] : memref<80x125xi32, #tpu.memory_space<vmem>> -> memref<1x125xi32, #tpu.memory_space<vmem>>
      %dma_wait3A_469 = tpu.memref_squeeze %dma_wait3A_468 : memref<1x125xi32, #tpu.memory_space<vmem>> -> memref<125xi32, #tpu.memory_space<vmem>>
      %dma_wait3A_470 = arith.constant 0 : i32
      %dma_wait3A_471 = arith.constant 0 : i32
      %dma_wait3A_472 = tpu.memref_slice %arg2[%dma_wait3A_470, %dma_wait3A_471] : memref<10240x128xbf16, #tpu.memory_space<hbm>> -> memref<10240x128xbf16, #tpu.memory_space<hbm>>
      %dma_wait3A_473 = tpu.memref_slice %arg11[%dma_wait3A_462] : memref<4x!tpu.dma_semaphore, #tpu.memory_space<semaphore_mem>> -> memref<1x!tpu.dma_semaphore, #tpu.memory_space<semaphore_mem>>
      %dma_wait3A_474 = tpu.memref_squeeze %dma_wait3A_473 : memref<1x!tpu.dma_semaphore, #tpu.memory_space<semaphore_mem>> -> memref<!tpu.dma_semaphore, #tpu.memory_space<semaphore_mem>>
      tpu.wait_indirect_dma semaphore(%dma_wait3A_474 : memref<!tpu.dma_semaphore, #tpu.memory_space<semaphore_mem>>) src(%dma_wait3A_472 : memref<10240x128xbf16, #tpu.memory_space<hbm>>) dst(%dma_wait3A_466 : memref<125x128xbf16, #tpu.memory_space<vmem>>)
      %dma_start3A_475 = arith.constant 0 : i32
      %dma_start3A_476 = arith.constant 0 : i32
      %dma_start3A_477 = arith.constant 0 : i32
      %dma_start3A_478 = tpu.memref_slice %arg8[%dma_start3A_475, %dma_start3A_476, %dma_start3A_477] : memref<4x125x128xbf16, #tpu.memory_space<vmem>> -> memref<1x125x128xbf16, #tpu.memory_space<vmem>>
      %dma_start3A_479 = tpu.memref_squeeze %dma_start3A_478 : memref<1x125x128xbf16, #tpu.memory_space<vmem>> -> memref<125x128xbf16, #tpu.memory_space<vmem>>
      %dma_start3A_480 = arith.constant 0 : i32
      %dma_start3A_481 = tpu.memref_slice %arg7[%add3A_429, %dma_start3A_480] : memref<80x125xi32, #tpu.memory_space<vmem>> -> memref<1x125xi32, #tpu.memory_space<vmem>>
      %dma_start3A_482 = tpu.memref_squeeze %dma_start3A_481 : memref<1x125xi32, #tpu.memory_space<vmem>> -> memref<125xi32, #tpu.memory_space<vmem>>
      %dma_start3A_483 = arith.constant 0 : i32
      %dma_start3A_484 = arith.constant 0 : i32
      %dma_start3A_485 = tpu.memref_slice %arg10[%dma_start3A_483, %dma_start3A_484] : memref<10240x128xbf16, #tpu.memory_space<vmem_shared>> -> memref<10240x128xbf16, #tpu.memory_space<vmem_shared>>
      tpu.enqueue_indirect_dma source(%dma_start3A_479 : memref<125x128xbf16, #tpu.memory_space<vmem>>) target(%dma_start3A_485 : memref<10240x128xbf16, #tpu.memory_space<vmem_shared>>) offsets(%dma_start3A_482 : memref<125xi32, #tpu.memory_space<vmem>>) semaphore(%arg12 : memref<!tpu.dma_semaphore, #tpu.memory_space<semaphore_mem>>) {add = true}
    }
    %scan3A_103 = arith.constant 19 : i32
    %dma_wait3A_104 = arith.constant 0 : i32
    %dma_wait3A_105 = arith.constant 76 : i32
    %dma_wait3A_106 = arith.constant 0 : i32
    %dma_wait3A_107 = arith.constant 0 : i32
    %dma_wait3A_108 = tpu.memref_slice %arg8[%dma_wait3A_104, %dma_wait3A_106, %dma_wait3A_107] : memref<4x125x128xbf16, #tpu.memory_space<vmem>> -> memref<1x125x128xbf16, #tpu.memory_space<vmem>>
    %dma_wait3A_109 = tpu.memref_squeeze %dma_wait3A_108 : memref<1x125x128xbf16, #tpu.memory_space<vmem>> -> memref<125x128xbf16, #tpu.memory_space<vmem>>
    %dma_wait3A_110 = arith.constant 0 : i32
    %dma_wait3A_111 = tpu.memref_slice %arg7[%dma_wait3A_105, %dma_wait3A_110] : memref<80x125xi32, #tpu.memory_space<vmem>> -> memref<1x125xi32, #tpu.memory_space<vmem>>
    %dma_wait3A_112 = tpu.memref_squeeze %dma_wait3A_111 : memref<1x125xi32, #tpu.memory_space<vmem>> -> memref<125xi32, #tpu.memory_space<vmem>>
    %dma_wait3A_113 = arith.constant 0 : i32
    %dma_wait3A_114 = arith.constant 0 : i32
    %dma_wait3A_115 = tpu.memref_slice %arg10[%dma_wait3A_113, %dma_wait3A_114] : memref<10240x128xbf16, #tpu.memory_space<vmem_shared>> -> memref<10240x128xbf16, #tpu.memory_space<vmem_shared>>
    tpu.wait_indirect_dma semaphore(%arg12 : memref<!tpu.dma_semaphore, #tpu.memory_space<semaphore_mem>>) src(%dma_wait3A_109 : memref<125x128xbf16, #tpu.memory_space<vmem>>) dst(%dma_wait3A_115 : memref<10240x128xbf16, #tpu.memory_space<vmem_shared>>)
    %dma_wait3A_116 = arith.constant 77 : i32
    %dma_wait3A_117 = arith.constant 1 : i32
    %dma_wait3A_118 = arith.constant 1 : i32
    %dma_wait3A_119 = arith.constant 0 : i32
    %dma_wait3A_120 = arith.constant 0 : i32
    %dma_wait3A_121 = tpu.memref_slice %arg8[%dma_wait3A_117, %dma_wait3A_119, %dma_wait3A_120] : memref<4x125x128xbf16, #tpu.memory_space<vmem>> -> memref<1x125x128xbf16, #tpu.memory_space<vmem>>
    %dma_wait3A_122 = tpu.memref_squeeze %dma_wait3A_121 : memref<1x125x128xbf16, #tpu.memory_space<vmem>> -> memref<125x128xbf16, #tpu.memory_space<vmem>>
    %dma_wait3A_123 = arith.constant 0 : i32
    %dma_wait3A_124 = tpu.memref_slice %arg6[%dma_wait3A_116, %dma_wait3A_123] : memref<80x125xi32, #tpu.memory_space<vmem>> -> memref<1x125xi32, #tpu.memory_space<vmem>>
    %dma_wait3A_125 = tpu.memref_squeeze %dma_wait3A_124 : memref<1x125xi32, #tpu.memory_space<vmem>> -> memref<125xi32, #tpu.memory_space<vmem>>
    %dma_wait3A_126 = arith.constant 0 : i32
    %dma_wait3A_127 = arith.constant 0 : i32
    %dma_wait3A_128 = tpu.memref_slice %arg2[%dma_wait3A_126, %dma_wait3A_127] : memref<10240x128xbf16, #tpu.memory_space<hbm>> -> memref<10240x128xbf16, #tpu.memory_space<hbm>>
    %dma_wait3A_129 = tpu.memref_slice %arg11[%dma_wait3A_118] : memref<4x!tpu.dma_semaphore, #tpu.memory_space<semaphore_mem>> -> memref<1x!tpu.dma_semaphore, #tpu.memory_space<semaphore_mem>>
    %dma_wait3A_130 = tpu.memref_squeeze %dma_wait3A_129 : memref<1x!tpu.dma_semaphore, #tpu.memory_space<semaphore_mem>> -> memref<!tpu.dma_semaphore, #tpu.memory_space<semaphore_mem>>
    tpu.wait_indirect_dma semaphore(%dma_wait3A_130 : memref<!tpu.dma_semaphore, #tpu.memory_space<semaphore_mem>>) src(%dma_wait3A_128 : memref<10240x128xbf16, #tpu.memory_space<hbm>>) dst(%dma_wait3A_122 : memref<125x128xbf16, #tpu.memory_space<vmem>>)
    %dma_start3A_131 = arith.constant 1 : i32
    %dma_start3A_132 = arith.constant 77 : i32
    %dma_start3A_133 = arith.constant 0 : i32
    %dma_start3A_134 = arith.constant 0 : i32
    %dma_start3A_135 = tpu.memref_slice %arg8[%dma_start3A_131, %dma_start3A_133, %dma_start3A_134] : memref<4x125x128xbf16, #tpu.memory_space<vmem>> -> memref<1x125x128xbf16, #tpu.memory_space<vmem>>
    %dma_start3A_136 = tpu.memref_squeeze %dma_start3A_135 : memref<1x125x128xbf16, #tpu.memory_space<vmem>> -> memref<125x128xbf16, #tpu.memory_space<vmem>>
    %dma_start3A_137 = arith.constant 0 : i32
    %dma_start3A_138 = tpu.memref_slice %arg7[%dma_start3A_132, %dma_start3A_137] : memref<80x125xi32, #tpu.memory_space<vmem>> -> memref<1x125xi32, #tpu.memory_space<vmem>>
    %dma_start3A_139 = tpu.memref_squeeze %dma_start3A_138 : memref<1x125xi32, #tpu.memory_space<vmem>> -> memref<125xi32, #tpu.memory_space<vmem>>
    %dma_start3A_140 = arith.constant 0 : i32
    %dma_start3A_141 = arith.constant 0 : i32
    %dma_start3A_142 = tpu.memref_slice %arg10[%dma_start3A_140, %dma_start3A_141] : memref<10240x128xbf16, #tpu.memory_space<vmem_shared>> -> memref<10240x128xbf16, #tpu.memory_space<vmem_shared>>
    tpu.enqueue_indirect_dma source(%dma_start3A_136 : memref<125x128xbf16, #tpu.memory_space<vmem>>) target(%dma_start3A_142 : memref<10240x128xbf16, #tpu.memory_space<vmem_shared>>) offsets(%dma_start3A_139 : memref<125xi32, #tpu.memory_space<vmem>>) semaphore(%arg12 : memref<!tpu.dma_semaphore, #tpu.memory_space<semaphore_mem>>) {add = true}
    %dma_wait3A_143 = arith.constant 1 : i32
    %dma_wait3A_144 = arith.constant 77 : i32
    %dma_wait3A_145 = arith.constant 0 : i32
    %dma_wait3A_146 = arith.constant 0 : i32
    %dma_wait3A_147 = tpu.memref_slice %arg8[%dma_wait3A_143, %dma_wait3A_145, %dma_wait3A_146] : memref<4x125x128xbf16, #tpu.memory_space<vmem>> -> memref<1x125x128xbf16, #tpu.memory_space<vmem>>
    %dma_wait3A_148 = tpu.memref_squeeze %dma_wait3A_147 : memref<1x125x128xbf16, #tpu.memory_space<vmem>> -> memref<125x128xbf16, #tpu.memory_space<vmem>>
    %dma_wait3A_149 = arith.constant 0 : i32
    %dma_wait3A_150 = tpu.memref_slice %arg7[%dma_wait3A_144, %dma_wait3A_149] : memref<80x125xi32, #tpu.memory_space<vmem>> -> memref<1x125xi32, #tpu.memory_space<vmem>>
    %dma_wait3A_151 = tpu.memref_squeeze %dma_wait3A_150 : memref<1x125xi32, #tpu.memory_space<vmem>> -> memref<125xi32, #tpu.memory_space<vmem>>
    %dma_wait3A_152 = arith.constant 0 : i32
    %dma_wait3A_153 = arith.constant 0 : i32
    %dma_wait3A_154 = tpu.memref_slice %arg10[%dma_wait3A_152, %dma_wait3A_153] : memref<10240x128xbf16, #tpu.memory_space<vmem_shared>> -> memref<10240x128xbf16, #tpu.memory_space<vmem_shared>>
    tpu.wait_indirect_dma semaphore(%arg12 : memref<!tpu.dma_semaphore, #tpu.memory_space<semaphore_mem>>) src(%dma_wait3A_148 : memref<125x128xbf16, #tpu.memory_space<vmem>>) dst(%dma_wait3A_154 : memref<10240x128xbf16, #tpu.memory_space<vmem_shared>>)
    %dma_wait3A_155 = arith.constant 78 : i32
    %dma_wait3A_156 = arith.constant 2 : i32
    %dma_wait3A_157 = arith.constant 2 : i32
    %dma_wait3A_158 = arith.constant 0 : i32
    %dma_wait3A_159 = arith.constant 0 : i32
    %dma_wait3A_160 = tpu.memref_slice %arg8[%dma_wait3A_156, %dma_wait3A_158, %dma_wait3A_159] : memref<4x125x128xbf16, #tpu.memory_space<vmem>> -> memref<1x125x128xbf16, #tpu.memory_space<vmem>>
    %dma_wait3A_161 = tpu.memref_squeeze %dma_wait3A_160 : memref<1x125x128xbf16, #tpu.memory_space<vmem>> -> memref<125x128xbf16, #tpu.memory_space<vmem>>
    %dma_wait3A_162 = arith.constant 0 : i32
    %dma_wait3A_163 = tpu.memref_slice %arg6[%dma_wait3A_155, %dma_wait3A_162] : memref<80x125xi32, #tpu.memory_space<vmem>> -> memref<1x125xi32, #tpu.memory_space<vmem>>
    %dma_wait3A_164 = tpu.memref_squeeze %dma_wait3A_163 : memref<1x125xi32, #tpu.memory_space<vmem>> -> memref<125xi32, #tpu.memory_space<vmem>>
    %dma_wait3A_165 = arith.constant 0 : i32
    %dma_wait3A_166 = arith.constant 0 : i32
    %dma_wait3A_167 = tpu.memref_slice %arg2[%dma_wait3A_165, %dma_wait3A_166] : memref<10240x128xbf16, #tpu.memory_space<hbm>> -> memref<10240x128xbf16, #tpu.memory_space<hbm>>
    %dma_wait3A_168 = tpu.memref_slice %arg11[%dma_wait3A_157] : memref<4x!tpu.dma_semaphore, #tpu.memory_space<semaphore_mem>> -> memref<1x!tpu.dma_semaphore, #tpu.memory_space<semaphore_mem>>
    %dma_wait3A_169 = tpu.memref_squeeze %dma_wait3A_168 : memref<1x!tpu.dma_semaphore, #tpu.memory_space<semaphore_mem>> -> memref<!tpu.dma_semaphore, #tpu.memory_space<semaphore_mem>>
    tpu.wait_indirect_dma semaphore(%dma_wait3A_169 : memref<!tpu.dma_semaphore, #tpu.memory_space<semaphore_mem>>) src(%dma_wait3A_167 : memref<10240x128xbf16, #tpu.memory_space<hbm>>) dst(%dma_wait3A_161 : memref<125x128xbf16, #tpu.memory_space<vmem>>)
    %dma_start3A_170 = arith.constant 2 : i32
    %dma_start3A_171 = arith.constant 78 : i32
    %dma_start3A_172 = arith.constant 0 : i32
    %dma_start3A_173 = arith.constant 0 : i32
    %dma_start3A_174 = tpu.memref_slice %arg8[%dma_start3A_170, %dma_start3A_172, %dma_start3A_173] : memref<4x125x128xbf16, #tpu.memory_space<vmem>> -> memref<1x125x128xbf16, #tpu.memory_space<vmem>>
    %dma_start3A_175 = tpu.memref_squeeze %dma_start3A_174 : memref<1x125x128xbf16, #tpu.memory_space<vmem>> -> memref<125x128xbf16, #tpu.memory_space<vmem>>
    %dma_start3A_176 = arith.constant 0 : i32
    %dma_start3A_177 = tpu.memref_slice %arg7[%dma_start3A_171, %dma_start3A_176] : memref<80x125xi32, #tpu.memory_space<vmem>> -> memref<1x125xi32, #tpu.memory_space<vmem>>
    %dma_start3A_178 = tpu.memref_squeeze %dma_start3A_177 : memref<1x125xi32, #tpu.memory_space<vmem>> -> memref<125xi32, #tpu.memory_space<vmem>>
    %dma_start3A_179 = arith.constant 0 : i32
    %dma_start3A_180 = arith.constant 0 : i32
    %dma_start3A_181 = tpu.memref_slice %arg10[%dma_start3A_179, %dma_start3A_180] : memref<10240x128xbf16, #tpu.memory_space<vmem_shared>> -> memref<10240x128xbf16, #tpu.memory_space<vmem_shared>>
    tpu.enqueue_indirect_dma source(%dma_start3A_175 : memref<125x128xbf16, #tpu.memory_space<vmem>>) target(%dma_start3A_181 : memref<10240x128xbf16, #tpu.memory_space<vmem_shared>>) offsets(%dma_start3A_178 : memref<125xi32, #tpu.memory_space<vmem>>) semaphore(%arg12 : memref<!tpu.dma_semaphore, #tpu.memory_space<semaphore_mem>>) {add = true}
    %dma_wait3A_182 = arith.constant 2 : i32
    %dma_wait3A_183 = arith.constant 78 : i32
    %dma_wait3A_184 = arith.constant 0 : i32
    %dma_wait3A_185 = arith.constant 0 : i32
    %dma_wait3A_186 = tpu.memref_slice %arg8[%dma_wait3A_182, %dma_wait3A_184, %dma_wait3A_185] : memref<4x125x128xbf16, #tpu.memory_space<vmem>> -> memref<1x125x128xbf16, #tpu.memory_space<vmem>>
    %dma_wait3A_187 = tpu.memref_squeeze %dma_wait3A_186 : memref<1x125x128xbf16, #tpu.memory_space<vmem>> -> memref<125x128xbf16, #tpu.memory_space<vmem>>
    %dma_wait3A_188 = arith.constant 0 : i32
    %dma_wait3A_189 = tpu.memref_slice %arg7[%dma_wait3A_183, %dma_wait3A_188] : memref<80x125xi32, #tpu.memory_space<vmem>> -> memref<1x125xi32, #tpu.memory_space<vmem>>
    %dma_wait3A_190 = tpu.memref_squeeze %dma_wait3A_189 : memref<1x125xi32, #tpu.memory_space<vmem>> -> memref<125xi32, #tpu.memory_space<vmem>>
    %dma_wait3A_191 = arith.constant 0 : i32
    %dma_wait3A_192 = arith.constant 0 : i32
    %dma_wait3A_193 = tpu.memref_slice %arg10[%dma_wait3A_191, %dma_wait3A_192] : memref<10240x128xbf16, #tpu.memory_space<vmem_shared>> -> memref<10240x128xbf16, #tpu.memory_space<vmem_shared>>
    tpu.wait_indirect_dma semaphore(%arg12 : memref<!tpu.dma_semaphore, #tpu.memory_space<semaphore_mem>>) src(%dma_wait3A_187 : memref<125x128xbf16, #tpu.memory_space<vmem>>) dst(%dma_wait3A_193 : memref<10240x128xbf16, #tpu.memory_space<vmem_shared>>)
    %dma_wait3A_194 = arith.constant 79 : i32
    %dma_wait3A_195 = arith.constant 3 : i32
    %dma_wait3A_196 = arith.constant 3 : i32
    %dma_wait3A_197 = arith.constant 0 : i32
    %dma_wait3A_198 = arith.constant 0 : i32
    %dma_wait3A_199 = tpu.memref_slice %arg8[%dma_wait3A_195, %dma_wait3A_197, %dma_wait3A_198] : memref<4x125x128xbf16, #tpu.memory_space<vmem>> -> memref<1x125x128xbf16, #tpu.memory_space<vmem>>
    %dma_wait3A_200 = tpu.memref_squeeze %dma_wait3A_199 : memref<1x125x128xbf16, #tpu.memory_space<vmem>> -> memref<125x128xbf16, #tpu.memory_space<vmem>>
    %dma_wait3A_201 = arith.constant 0 : i32
    %dma_wait3A_202 = tpu.memref_slice %arg6[%dma_wait3A_194, %dma_wait3A_201] : memref<80x125xi32, #tpu.memory_space<vmem>> -> memref<1x125xi32, #tpu.memory_space<vmem>>
    %dma_wait3A_203 = tpu.memref_squeeze %dma_wait3A_202 : memref<1x125xi32, #tpu.memory_space<vmem>> -> memref<125xi32, #tpu.memory_space<vmem>>
    %dma_wait3A_204 = arith.constant 0 : i32
    %dma_wait3A_205 = arith.constant 0 : i32
    %dma_wait3A_206 = tpu.memref_slice %arg2[%dma_wait3A_204, %dma_wait3A_205] : memref<10240x128xbf16, #tpu.memory_space<hbm>> -> memref<10240x128xbf16, #tpu.memory_space<hbm>>
    %dma_wait3A_207 = tpu.memref_slice %arg11[%dma_wait3A_196] : memref<4x!tpu.dma_semaphore, #tpu.memory_space<semaphore_mem>> -> memref<1x!tpu.dma_semaphore, #tpu.memory_space<semaphore_mem>>
    %dma_wait3A_208 = tpu.memref_squeeze %dma_wait3A_207 : memref<1x!tpu.dma_semaphore, #tpu.memory_space<semaphore_mem>> -> memref<!tpu.dma_semaphore, #tpu.memory_space<semaphore_mem>>
    tpu.wait_indirect_dma semaphore(%dma_wait3A_208 : memref<!tpu.dma_semaphore, #tpu.memory_space<semaphore_mem>>) src(%dma_wait3A_206 : memref<10240x128xbf16, #tpu.memory_space<hbm>>) dst(%dma_wait3A_200 : memref<125x128xbf16, #tpu.memory_space<vmem>>)
    %dma_start3A_209 = arith.constant 3 : i32
    %dma_start3A_210 = arith.constant 79 : i32
    %dma_start3A_211 = arith.constant 0 : i32
    %dma_start3A_212 = arith.constant 0 : i32
    %dma_start3A_213 = tpu.memref_slice %arg8[%dma_start3A_209, %dma_start3A_211, %dma_start3A_212] : memref<4x125x128xbf16, #tpu.memory_space<vmem>> -> memref<1x125x128xbf16, #tpu.memory_space<vmem>>
    %dma_start3A_214 = tpu.memref_squeeze %dma_start3A_213 : memref<1x125x128xbf16, #tpu.memory_space<vmem>> -> memref<125x128xbf16, #tpu.memory_space<vmem>>
    %dma_start3A_215 = arith.constant 0 : i32
    %dma_start3A_216 = tpu.memref_slice %arg7[%dma_start3A_210, %dma_start3A_215] : memref<80x125xi32, #tpu.memory_space<vmem>> -> memref<1x125xi32, #tpu.memory_space<vmem>>
    %dma_start3A_217 = tpu.memref_squeeze %dma_start3A_216 : memref<1x125xi32, #tpu.memory_space<vmem>> -> memref<125xi32, #tpu.memory_space<vmem>>
    %dma_start3A_218 = arith.constant 0 : i32
    %dma_start3A_219 = arith.constant 0 : i32
    %dma_start3A_220 = tpu.memref_slice %arg10[%dma_start3A_218, %dma_start3A_219] : memref<10240x128xbf16, #tpu.memory_space<vmem_shared>> -> memref<10240x128xbf16, #tpu.memory_space<vmem_shared>>
    tpu.enqueue_indirect_dma source(%dma_start3A_214 : memref<125x128xbf16, #tpu.memory_space<vmem>>) target(%dma_start3A_220 : memref<10240x128xbf16, #tpu.memory_space<vmem_shared>>) offsets(%dma_start3A_217 : memref<125xi32, #tpu.memory_space<vmem>>) semaphore(%arg12 : memref<!tpu.dma_semaphore, #tpu.memory_space<semaphore_mem>>) {add = true}
    %dma_wait3A_221 = arith.constant 3 : i32
    %dma_wait3A_222 = arith.constant 79 : i32
    %dma_wait3A_223 = arith.constant 0 : i32
    %dma_wait3A_224 = arith.constant 0 : i32
    %dma_wait3A_225 = tpu.memref_slice %arg8[%dma_wait3A_221, %dma_wait3A_223, %dma_wait3A_224] : memref<4x125x128xbf16, #tpu.memory_space<vmem>> -> memref<1x125x128xbf16, #tpu.memory_space<vmem>>
    %dma_wait3A_226 = tpu.memref_squeeze %dma_wait3A_225 : memref<1x125x128xbf16, #tpu.memory_space<vmem>> -> memref<125x128xbf16, #tpu.memory_space<vmem>>
    %dma_wait3A_227 = arith.constant 0 : i32
    %dma_wait3A_228 = tpu.memref_slice %arg7[%dma_wait3A_222, %dma_wait3A_227] : memref<80x125xi32, #tpu.memory_space<vmem>> -> memref<1x125xi32, #tpu.memory_space<vmem>>
    %dma_wait3A_229 = tpu.memref_squeeze %dma_wait3A_228 : memref<1x125xi32, #tpu.memory_space<vmem>> -> memref<125xi32, #tpu.memory_space<vmem>>
    %dma_wait3A_230 = arith.constant 0 : i32
    %dma_wait3A_231 = arith.constant 0 : i32
    %dma_wait3A_232 = tpu.memref_slice %arg10[%dma_wait3A_230, %dma_wait3A_231] : memref<10240x128xbf16, #tpu.memory_space<vmem_shared>> -> memref<10240x128xbf16, #tpu.memory_space<vmem_shared>>
    tpu.wait_indirect_dma semaphore(%arg12 : memref<!tpu.dma_semaphore, #tpu.memory_space<semaphore_mem>>) src(%dma_wait3A_226 : memref<125x128xbf16, #tpu.memory_space<vmem>>) dst(%dma_wait3A_232 : memref<10240x128xbf16, #tpu.memory_space<vmem_shared>>)
    %barrier3A_233 = arith.constant 0 : index
    tpu.barrier barrier_id(%barrier3A_233)
    %mul3A_234 = arith.constant 640 : i32
    %mul3A_235 = arith.muli %arg1, %mul3A_234 : i32
    %mul3A_236 = arith.constant 640 : i32
    %mul3A_237 = arith.muli %arg1, %mul3A_236 : i32
    "tpu.region"() ({
      %run_scoped3A = tpu.sem_alloc : memref<!tpu.dma_semaphore, #tpu.memory_space<semaphore_mem>>
      %dma_start3A_238 = arith.constant 0 : i32
      %dma_start3A_239 = tpu.memref_slice %arg5[%arg0, %mul3A_237, %dma_start3A_238] : memref<2x10240x128xbf16, #tpu.memory_space<hbm>> -> memref<1x640x128xbf16, #tpu.memory_space<hbm>>
      %dma_start3A_240 = tpu.memref_squeeze %dma_start3A_239 : memref<1x640x128xbf16, #tpu.memory_space<hbm>> -> memref<640x128xbf16, #tpu.memory_space<hbm>>
      %dma_start3A_241 = arith.constant 0 : i32
      %dma_start3A_242 = tpu.memref_slice %arg10[%mul3A_235, %dma_start3A_241] : memref<10240x128xbf16, #tpu.memory_space<vmem_shared>> -> memref<640x128xbf16, #tpu.memory_space<vmem_shared>>
      tpu.enqueue_dma source(%dma_start3A_242 : memref<640x128xbf16, #tpu.memory_space<vmem_shared>>) target(%dma_start3A_240 : memref<640x128xbf16, #tpu.memory_space<hbm>>) target_semaphore(%run_scoped3A : memref<!tpu.dma_semaphore, #tpu.memory_space<semaphore_mem>>)
      %dma_wait3A_243 = arith.constant 0 : i32
      %dma_wait3A_244 = tpu.memref_slice %arg5[%arg0, %mul3A_237, %dma_wait3A_243] : memref<2x10240x128xbf16, #tpu.memory_space<hbm>> -> memref<1x640x128xbf16, #tpu.memory_space<hbm>>
      %dma_wait3A_245 = tpu.memref_squeeze %dma_wait3A_244 : memref<1x640x128xbf16, #tpu.memory_space<hbm>> -> memref<640x128xbf16, #tpu.memory_space<hbm>>
      %dma_wait3A_246 = arith.constant 0 : i32
      %dma_wait3A_247 = tpu.memref_slice %arg10[%mul3A_235, %dma_wait3A_246] : memref<10240x128xbf16, #tpu.memory_space<vmem_shared>> -> memref<640x128xbf16, #tpu.memory_space<vmem_shared>>
      tpu.wait_dma2 semaphore(%run_scoped3A : memref<!tpu.dma_semaphore, #tpu.memory_space<semaphore_mem>>) src(%dma_wait3A_247 : memref<640x128xbf16, #tpu.memory_space<vmem_shared>>) dst(%dma_wait3A_245 : memref<640x128xbf16, #tpu.memory_space<hbm>>)
      tpu.yield
    }) : () -> ()
    return
  }
}

#map = affine_map<(d0, d1) -> (0, 0)>
#map1 = affine_map<(d0, d1) -> (0, 0, 0)>
module attributes {stable_mosaic.version = 14 : i64} {
  func.func @_agg_body(%arg0: i32, %arg1: i32, %arg2: memref<10240x128xbf16, #tpu.memory_space<hbm>>, %arg3: memref<32x80x125xi32, #tpu.memory_space<hbm>>, %arg4: memref<32x80x125xi32, #tpu.memory_space<hbm>>, %arg5: memref<2x10240x128xbf16, #tpu.memory_space<hbm>>, %arg6: memref<80x125xi32, #tpu.memory_space<vmem>>, %arg7: memref<80x125xi32, #tpu.memory_space<vmem>>, %arg8: memref<4x125x128xbf16, #tpu.memory_space<vmem>>, %arg9: memref<32x128xbf16, #tpu.memory_space<vmem>>, %arg10: memref<10240x128xbf16, #tpu.memory_space<vmem_shared>>, %arg11: memref<4x!tpu.dma_semaphore, #tpu.memory_space<semaphore_mem>>, %arg12: memref<!tpu.dma_semaphore, #tpu.memory_space<semaphore_mem>>) attributes {dimension_semantics = [#tpu.dimension_semantics<core_parallel>, #tpu.dimension_semantics<subcore_parallel>], iteration_bounds = array<i64: 2, 16>, scalar_prefetch = 0 : i64, scratch_operands = 7 : i64, tpu.core_type = #tpu.core_type<sc_vector_subcore>, window_params = [{transform_indices = #map}, {transform_indices = #map1}, {transform_indices = #map1}, {transform_indices = #map1}]} {
    %mul3A = arith.constant 16 : i32
    %mul3A_0 = arith.muli %arg0, %mul3A : i32
    %add3A = arith.addi %mul3A_0, %arg1 : i32
    %broadcast_in_dim3A = arith.constant 0.000000e+00 : f32
    %broadcast_in_dim3A_1 = vector.broadcast %broadcast_in_dim3A : f32 to vector<16xf32>
    %scan3A = arith.constant 0 : i32
    %scan3A_2 = arith.constant 0 : i32
    %scan3A_3 = arith.constant 32 : i32
    %scan3A_4 = arith.addi %scan3A_2, %scan3A_3 : i32
    %scan3A_5 = arith.constant 4 : i32
    scf.for %scan3A_238 = %scan3A_2 to %scan3A_4 step %scan3A_5  : i32 {
      %convert_element_type3A = arith.truncf %broadcast_in_dim3A_1 : vector<16xf32> to vector<16xbf16>
      %swap3A = arith.index_cast %scan3A_238 : i32 to index
      %swap3A_239 = arith.constant 0 : index
      %swap3A_240 = tpu.vector_load %arg9[%swap3A, %swap3A_239] {strides = array<i32>} : memref<32x128xbf16, #tpu.memory_space<vmem>>, vector<1x16xbf16>,
      %swap3A_241 = vector.shape_cast %swap3A_240 : vector<1x16xbf16> to vector<16xbf16>
      %swap3A_242 = vector.shape_cast %convert_element_type3A : vector<16xbf16> to vector<1x16xbf16>
      tpu.vector_store %arg9[%swap3A, %swap3A_239], %swap3A_242 {strides = array<i32>} : memref<32x128xbf16, #tpu.memory_space<vmem>>, vector<1x16xbf16>,
      %convert_element_type3A_243 = arith.truncf %broadcast_in_dim3A_1 : vector<16xf32> to vector<16xbf16>
      %swap3A_244 = arith.index_cast %scan3A_238 : i32 to index
      %swap3A_245 = arith.constant 16 : index
      %swap3A_246 = tpu.vector_load %arg9[%swap3A_244, %swap3A_245] {strides = array<i32>} : memref<32x128xbf16, #tpu.memory_space<vmem>>, vector<1x16xbf16>,
      %swap3A_247 = vector.shape_cast %swap3A_246 : vector<1x16xbf16> to vector<16xbf16>
      %swap3A_248 = vector.shape_cast %convert_element_type3A_243 : vector<16xbf16> to vector<1x16xbf16>
      tpu.vector_store %arg9[%swap3A_244, %swap3A_245], %swap3A_248 {strides = array<i32>} : memref<32x128xbf16, #tpu.memory_space<vmem>>, vector<1x16xbf16>,
      %convert_element_type3A_249 = arith.truncf %broadcast_in_dim3A_1 : vector<16xf32> to vector<16xbf16>
      %swap3A_250 = arith.index_cast %scan3A_238 : i32 to index
      %swap3A_251 = arith.constant 32 : index
      %swap3A_252 = tpu.vector_load %arg9[%swap3A_250, %swap3A_251] {strides = array<i32>} : memref<32x128xbf16, #tpu.memory_space<vmem>>, vector<1x16xbf16>,
      %swap3A_253 = vector.shape_cast %swap3A_252 : vector<1x16xbf16> to vector<16xbf16>
      %swap3A_254 = vector.shape_cast %convert_element_type3A_249 : vector<16xbf16> to vector<1x16xbf16>
      tpu.vector_store %arg9[%swap3A_250, %swap3A_251], %swap3A_254 {strides = array<i32>} : memref<32x128xbf16, #tpu.memory_space<vmem>>, vector<1x16xbf16>,
      %convert_element_type3A_255 = arith.truncf %broadcast_in_dim3A_1 : vector<16xf32> to vector<16xbf16>
      %swap3A_256 = arith.index_cast %scan3A_238 : i32 to index
      %swap3A_257 = arith.constant 48 : index
      %swap3A_258 = tpu.vector_load %arg9[%swap3A_256, %swap3A_257] {strides = array<i32>} : memref<32x128xbf16, #tpu.memory_space<vmem>>, vector<1x16xbf16>,
      %swap3A_259 = vector.shape_cast %swap3A_258 : vector<1x16xbf16> to vector<16xbf16>
      %swap3A_260 = vector.shape_cast %convert_element_type3A_255 : vector<16xbf16> to vector<1x16xbf16>
      tpu.vector_store %arg9[%swap3A_256, %swap3A_257], %swap3A_260 {strides = array<i32>} : memref<32x128xbf16, #tpu.memory_space<vmem>>, vector<1x16xbf16>,
      %convert_element_type3A_261 = arith.truncf %broadcast_in_dim3A_1 : vector<16xf32> to vector<16xbf16>
      %swap3A_262 = arith.index_cast %scan3A_238 : i32 to index
      %swap3A_263 = arith.constant 64 : index
      %swap3A_264 = tpu.vector_load %arg9[%swap3A_262, %swap3A_263] {strides = array<i32>} : memref<32x128xbf16, #tpu.memory_space<vmem>>, vector<1x16xbf16>,
      %swap3A_265 = vector.shape_cast %swap3A_264 : vector<1x16xbf16> to vector<16xbf16>
      %swap3A_266 = vector.shape_cast %convert_element_type3A_261 : vector<16xbf16> to vector<1x16xbf16>
      tpu.vector_store %arg9[%swap3A_262, %swap3A_263], %swap3A_266 {strides = array<i32>} : memref<32x128xbf16, #tpu.memory_space<vmem>>, vector<1x16xbf16>,
      %convert_element_type3A_267 = arith.truncf %broadcast_in_dim3A_1 : vector<16xf32> to vector<16xbf16>
      %swap3A_268 = arith.index_cast %scan3A_238 : i32 to index
      %swap3A_269 = arith.constant 80 : index
      %swap3A_270 = tpu.vector_load %arg9[%swap3A_268, %swap3A_269] {strides = array<i32>} : memref<32x128xbf16, #tpu.memory_space<vmem>>, vector<1x16xbf16>,
      %swap3A_271 = vector.shape_cast %swap3A_270 : vector<1x16xbf16> to vector<16xbf16>
      %swap3A_272 = vector.shape_cast %convert_element_type3A_267 : vector<16xbf16> to vector<1x16xbf16>
      tpu.vector_store %arg9[%swap3A_268, %swap3A_269], %swap3A_272 {strides = array<i32>} : memref<32x128xbf16, #tpu.memory_space<vmem>>, vector<1x16xbf16>,
      %convert_element_type3A_273 = arith.truncf %broadcast_in_dim3A_1 : vector<16xf32> to vector<16xbf16>
      %swap3A_274 = arith.index_cast %scan3A_238 : i32 to index
      %swap3A_275 = arith.constant 96 : index
      %swap3A_276 = tpu.vector_load %arg9[%swap3A_274, %swap3A_275] {strides = array<i32>} : memref<32x128xbf16, #tpu.memory_space<vmem>>, vector<1x16xbf16>,
      %swap3A_277 = vector.shape_cast %swap3A_276 : vector<1x16xbf16> to vector<16xbf16>
      %swap3A_278 = vector.shape_cast %convert_element_type3A_273 : vector<16xbf16> to vector<1x16xbf16>
      tpu.vector_store %arg9[%swap3A_274, %swap3A_275], %swap3A_278 {strides = array<i32>} : memref<32x128xbf16, #tpu.memory_space<vmem>>, vector<1x16xbf16>,
      %convert_element_type3A_279 = arith.truncf %broadcast_in_dim3A_1 : vector<16xf32> to vector<16xbf16>
      %swap3A_280 = arith.index_cast %scan3A_238 : i32 to index
      %swap3A_281 = arith.constant 112 : index
      %swap3A_282 = tpu.vector_load %arg9[%swap3A_280, %swap3A_281] {strides = array<i32>} : memref<32x128xbf16, #tpu.memory_space<vmem>>, vector<1x16xbf16>,
      %swap3A_283 = vector.shape_cast %swap3A_282 : vector<1x16xbf16> to vector<16xbf16>
      %swap3A_284 = vector.shape_cast %convert_element_type3A_279 : vector<16xbf16> to vector<1x16xbf16>
      tpu.vector_store %arg9[%swap3A_280, %swap3A_281], %swap3A_284 {strides = array<i32>} : memref<32x128xbf16, #tpu.memory_space<vmem>>, vector<1x16xbf16>,
      %scan3A_285 = arith.constant 1 : i32
      %scan3A_286 = arith.addi %scan3A_238, %scan3A_285 : i32
      %convert_element_type3A_287 = arith.truncf %broadcast_in_dim3A_1 : vector<16xf32> to vector<16xbf16>
      %swap3A_288 = arith.index_cast %scan3A_286 : i32 to index
      %swap3A_289 = arith.constant 0 : index
      %swap3A_290 = tpu.vector_load %arg9[%swap3A_288, %swap3A_289] {strides = array<i32>} : memref<32x128xbf16, #tpu.memory_space<vmem>>, vector<1x16xbf16>,
      %swap3A_291 = vector.shape_cast %swap3A_290 : vector<1x16xbf16> to vector<16xbf16>
      %swap3A_292 = vector.shape_cast %convert_element_type3A_287 : vector<16xbf16> to vector<1x16xbf16>
      tpu.vector_store %arg9[%swap3A_288, %swap3A_289], %swap3A_292 {strides = array<i32>} : memref<32x128xbf16, #tpu.memory_space<vmem>>, vector<1x16xbf16>,
      %convert_element_type3A_293 = arith.truncf %broadcast_in_dim3A_1 : vector<16xf32> to vector<16xbf16>
      %swap3A_294 = arith.index_cast %scan3A_286 : i32 to index
      %swap3A_295 = arith.constant 16 : index
      %swap3A_296 = tpu.vector_load %arg9[%swap3A_294, %swap3A_295] {strides = array<i32>} : memref<32x128xbf16, #tpu.memory_space<vmem>>, vector<1x16xbf16>,
      %swap3A_297 = vector.shape_cast %swap3A_296 : vector<1x16xbf16> to vector<16xbf16>
      %swap3A_298 = vector.shape_cast %convert_element_type3A_293 : vector<16xbf16> to vector<1x16xbf16>
      tpu.vector_store %arg9[%swap3A_294, %swap3A_295], %swap3A_298 {strides = array<i32>} : memref<32x128xbf16, #tpu.memory_space<vmem>>, vector<1x16xbf16>,
      %convert_element_type3A_299 = arith.truncf %broadcast_in_dim3A_1 : vector<16xf32> to vector<16xbf16>
      %swap3A_300 = arith.index_cast %scan3A_286 : i32 to index
      %swap3A_301 = arith.constant 32 : index
      %swap3A_302 = tpu.vector_load %arg9[%swap3A_300, %swap3A_301] {strides = array<i32>} : memref<32x128xbf16, #tpu.memory_space<vmem>>, vector<1x16xbf16>,
      %swap3A_303 = vector.shape_cast %swap3A_302 : vector<1x16xbf16> to vector<16xbf16>
      %swap3A_304 = vector.shape_cast %convert_element_type3A_299 : vector<16xbf16> to vector<1x16xbf16>
      tpu.vector_store %arg9[%swap3A_300, %swap3A_301], %swap3A_304 {strides = array<i32>} : memref<32x128xbf16, #tpu.memory_space<vmem>>, vector<1x16xbf16>,
      %convert_element_type3A_305 = arith.truncf %broadcast_in_dim3A_1 : vector<16xf32> to vector<16xbf16>
      %swap3A_306 = arith.index_cast %scan3A_286 : i32 to index
      %swap3A_307 = arith.constant 48 : index
      %swap3A_308 = tpu.vector_load %arg9[%swap3A_306, %swap3A_307] {strides = array<i32>} : memref<32x128xbf16, #tpu.memory_space<vmem>>, vector<1x16xbf16>,
      %swap3A_309 = vector.shape_cast %swap3A_308 : vector<1x16xbf16> to vector<16xbf16>
      %swap3A_310 = vector.shape_cast %convert_element_type3A_305 : vector<16xbf16> to vector<1x16xbf16>
      tpu.vector_store %arg9[%swap3A_306, %swap3A_307], %swap3A_310 {strides = array<i32>} : memref<32x128xbf16, #tpu.memory_space<vmem>>, vector<1x16xbf16>,
      %convert_element_type3A_311 = arith.truncf %broadcast_in_dim3A_1 : vector<16xf32> to vector<16xbf16>
      %swap3A_312 = arith.index_cast %scan3A_286 : i32 to index
      %swap3A_313 = arith.constant 64 : index
      %swap3A_314 = tpu.vector_load %arg9[%swap3A_312, %swap3A_313] {strides = array<i32>} : memref<32x128xbf16, #tpu.memory_space<vmem>>, vector<1x16xbf16>,
      %swap3A_315 = vector.shape_cast %swap3A_314 : vector<1x16xbf16> to vector<16xbf16>
      %swap3A_316 = vector.shape_cast %convert_element_type3A_311 : vector<16xbf16> to vector<1x16xbf16>
      tpu.vector_store %arg9[%swap3A_312, %swap3A_313], %swap3A_316 {strides = array<i32>} : memref<32x128xbf16, #tpu.memory_space<vmem>>, vector<1x16xbf16>,
      %convert_element_type3A_317 = arith.truncf %broadcast_in_dim3A_1 : vector<16xf32> to vector<16xbf16>
      %swap3A_318 = arith.index_cast %scan3A_286 : i32 to index
      %swap3A_319 = arith.constant 80 : index
      %swap3A_320 = tpu.vector_load %arg9[%swap3A_318, %swap3A_319] {strides = array<i32>} : memref<32x128xbf16, #tpu.memory_space<vmem>>, vector<1x16xbf16>,
      %swap3A_321 = vector.shape_cast %swap3A_320 : vector<1x16xbf16> to vector<16xbf16>
      %swap3A_322 = vector.shape_cast %convert_element_type3A_317 : vector<16xbf16> to vector<1x16xbf16>
      tpu.vector_store %arg9[%swap3A_318, %swap3A_319], %swap3A_322 {strides = array<i32>} : memref<32x128xbf16, #tpu.memory_space<vmem>>, vector<1x16xbf16>,
      %convert_element_type3A_323 = arith.truncf %broadcast_in_dim3A_1 : vector<16xf32> to vector<16xbf16>
      %swap3A_324 = arith.index_cast %scan3A_286 : i32 to index
      %swap3A_325 = arith.constant 96 : index
      %swap3A_326 = tpu.vector_load %arg9[%swap3A_324, %swap3A_325] {strides = array<i32>} : memref<32x128xbf16, #tpu.memory_space<vmem>>, vector<1x16xbf16>,
      %swap3A_327 = vector.shape_cast %swap3A_326 : vector<1x16xbf16> to vector<16xbf16>
      %swap3A_328 = vector.shape_cast %convert_element_type3A_323 : vector<16xbf16> to vector<1x16xbf16>
      tpu.vector_store %arg9[%swap3A_324, %swap3A_325], %swap3A_328 {strides = array<i32>} : memref<32x128xbf16, #tpu.memory_space<vmem>>, vector<1x16xbf16>,
      %convert_element_type3A_329 = arith.truncf %broadcast_in_dim3A_1 : vector<16xf32> to vector<16xbf16>
      %swap3A_330 = arith.index_cast %scan3A_286 : i32 to index
      %swap3A_331 = arith.constant 112 : index
      %swap3A_332 = tpu.vector_load %arg9[%swap3A_330, %swap3A_331] {strides = array<i32>} : memref<32x128xbf16, #tpu.memory_space<vmem>>, vector<1x16xbf16>,
      %swap3A_333 = vector.shape_cast %swap3A_332 : vector<1x16xbf16> to vector<16xbf16>
      %swap3A_334 = vector.shape_cast %convert_element_type3A_329 : vector<16xbf16> to vector<1x16xbf16>
      tpu.vector_store %arg9[%swap3A_330, %swap3A_331], %swap3A_334 {strides = array<i32>} : memref<32x128xbf16, #tpu.memory_space<vmem>>, vector<1x16xbf16>,
      %scan3A_335 = arith.constant 2 : i32
      %scan3A_336 = arith.addi %scan3A_238, %scan3A_335 : i32
      %convert_element_type3A_337 = arith.truncf %broadcast_in_dim3A_1 : vector<16xf32> to vector<16xbf16>
      %swap3A_338 = arith.index_cast %scan3A_336 : i32 to index
      %swap3A_339 = arith.constant 0 : index
      %swap3A_340 = tpu.vector_load %arg9[%swap3A_338, %swap3A_339] {strides = array<i32>} : memref<32x128xbf16, #tpu.memory_space<vmem>>, vector<1x16xbf16>,
      %swap3A_341 = vector.shape_cast %swap3A_340 : vector<1x16xbf16> to vector<16xbf16>
      %swap3A_342 = vector.shape_cast %convert_element_type3A_337 : vector<16xbf16> to vector<1x16xbf16>
      tpu.vector_store %arg9[%swap3A_338, %swap3A_339], %swap3A_342 {strides = array<i32>} : memref<32x128xbf16, #tpu.memory_space<vmem>>, vector<1x16xbf16>,
      %convert_element_type3A_343 = arith.truncf %broadcast_in_dim3A_1 : vector<16xf32> to vector<16xbf16>
      %swap3A_344 = arith.index_cast %scan3A_336 : i32 to index
      %swap3A_345 = arith.constant 16 : index
      %swap3A_346 = tpu.vector_load %arg9[%swap3A_344, %swap3A_345] {strides = array<i32>} : memref<32x128xbf16, #tpu.memory_space<vmem>>, vector<1x16xbf16>,
      %swap3A_347 = vector.shape_cast %swap3A_346 : vector<1x16xbf16> to vector<16xbf16>
      %swap3A_348 = vector.shape_cast %convert_element_type3A_343 : vector<16xbf16> to vector<1x16xbf16>
      tpu.vector_store %arg9[%swap3A_344, %swap3A_345], %swap3A_348 {strides = array<i32>} : memref<32x128xbf16, #tpu.memory_space<vmem>>, vector<1x16xbf16>,
      %convert_element_type3A_349 = arith.truncf %broadcast_in_dim3A_1 : vector<16xf32> to vector<16xbf16>
      %swap3A_350 = arith.index_cast %scan3A_336 : i32 to index
      %swap3A_351 = arith.constant 32 : index
      %swap3A_352 = tpu.vector_load %arg9[%swap3A_350, %swap3A_351] {strides = array<i32>} : memref<32x128xbf16, #tpu.memory_space<vmem>>, vector<1x16xbf16>,
      %swap3A_353 = vector.shape_cast %swap3A_352 : vector<1x16xbf16> to vector<16xbf16>
      %swap3A_354 = vector.shape_cast %convert_element_type3A_349 : vector<16xbf16> to vector<1x16xbf16>
      tpu.vector_store %arg9[%swap3A_350, %swap3A_351], %swap3A_354 {strides = array<i32>} : memref<32x128xbf16, #tpu.memory_space<vmem>>, vector<1x16xbf16>,
      %convert_element_type3A_355 = arith.truncf %broadcast_in_dim3A_1 : vector<16xf32> to vector<16xbf16>
      %swap3A_356 = arith.index_cast %scan3A_336 : i32 to index
      %swap3A_357 = arith.constant 48 : index
      %swap3A_358 = tpu.vector_load %arg9[%swap3A_356, %swap3A_357] {strides = array<i32>} : memref<32x128xbf16, #tpu.memory_space<vmem>>, vector<1x16xbf16>,
      %swap3A_359 = vector.shape_cast %swap3A_358 : vector<1x16xbf16> to vector<16xbf16>
      %swap3A_360 = vector.shape_cast %convert_element_type3A_355 : vector<16xbf16> to vector<1x16xbf16>
      tpu.vector_store %arg9[%swap3A_356, %swap3A_357], %swap3A_360 {strides = array<i32>} : memref<32x128xbf16, #tpu.memory_space<vmem>>, vector<1x16xbf16>,
      %convert_element_type3A_361 = arith.truncf %broadcast_in_dim3A_1 : vector<16xf32> to vector<16xbf16>
      %swap3A_362 = arith.index_cast %scan3A_336 : i32 to index
      %swap3A_363 = arith.constant 64 : index
      %swap3A_364 = tpu.vector_load %arg9[%swap3A_362, %swap3A_363] {strides = array<i32>} : memref<32x128xbf16, #tpu.memory_space<vmem>>, vector<1x16xbf16>,
      %swap3A_365 = vector.shape_cast %swap3A_364 : vector<1x16xbf16> to vector<16xbf16>
      %swap3A_366 = vector.shape_cast %convert_element_type3A_361 : vector<16xbf16> to vector<1x16xbf16>
      tpu.vector_store %arg9[%swap3A_362, %swap3A_363], %swap3A_366 {strides = array<i32>} : memref<32x128xbf16, #tpu.memory_space<vmem>>, vector<1x16xbf16>,
      %convert_element_type3A_367 = arith.truncf %broadcast_in_dim3A_1 : vector<16xf32> to vector<16xbf16>
      %swap3A_368 = arith.index_cast %scan3A_336 : i32 to index
      %swap3A_369 = arith.constant 80 : index
      %swap3A_370 = tpu.vector_load %arg9[%swap3A_368, %swap3A_369] {strides = array<i32>} : memref<32x128xbf16, #tpu.memory_space<vmem>>, vector<1x16xbf16>,
      %swap3A_371 = vector.shape_cast %swap3A_370 : vector<1x16xbf16> to vector<16xbf16>
      %swap3A_372 = vector.shape_cast %convert_element_type3A_367 : vector<16xbf16> to vector<1x16xbf16>
      tpu.vector_store %arg9[%swap3A_368, %swap3A_369], %swap3A_372 {strides = array<i32>} : memref<32x128xbf16, #tpu.memory_space<vmem>>, vector<1x16xbf16>,
      %convert_element_type3A_373 = arith.truncf %broadcast_in_dim3A_1 : vector<16xf32> to vector<16xbf16>
      %swap3A_374 = arith.index_cast %scan3A_336 : i32 to index
      %swap3A_375 = arith.constant 96 : index
      %swap3A_376 = tpu.vector_load %arg9[%swap3A_374, %swap3A_375] {strides = array<i32>} : memref<32x128xbf16, #tpu.memory_space<vmem>>, vector<1x16xbf16>,
      %swap3A_377 = vector.shape_cast %swap3A_376 : vector<1x16xbf16> to vector<16xbf16>
      %swap3A_378 = vector.shape_cast %convert_element_type3A_373 : vector<16xbf16> to vector<1x16xbf16>
      tpu.vector_store %arg9[%swap3A_374, %swap3A_375], %swap3A_378 {strides = array<i32>} : memref<32x128xbf16, #tpu.memory_space<vmem>>, vector<1x16xbf16>,
      %convert_element_type3A_379 = arith.truncf %broadcast_in_dim3A_1 : vector<16xf32> to vector<16xbf16>
      %swap3A_380 = arith.index_cast %scan3A_336 : i32 to index
      %swap3A_381 = arith.constant 112 : index
      %swap3A_382 = tpu.vector_load %arg9[%swap3A_380, %swap3A_381] {strides = array<i32>} : memref<32x128xbf16, #tpu.memory_space<vmem>>, vector<1x16xbf16>,
      %swap3A_383 = vector.shape_cast %swap3A_382 : vector<1x16xbf16> to vector<16xbf16>
      %swap3A_384 = vector.shape_cast %convert_element_type3A_379 : vector<16xbf16> to vector<1x16xbf16>
      tpu.vector_store %arg9[%swap3A_380, %swap3A_381], %swap3A_384 {strides = array<i32>} : memref<32x128xbf16, #tpu.memory_space<vmem>>, vector<1x16xbf16>,
      %scan3A_385 = arith.constant 3 : i32
      %scan3A_386 = arith.addi %scan3A_238, %scan3A_385 : i32
      %convert_element_type3A_387 = arith.truncf %broadcast_in_dim3A_1 : vector<16xf32> to vector<16xbf16>
      %swap3A_388 = arith.index_cast %scan3A_386 : i32 to index
      %swap3A_389 = arith.constant 0 : index
      %swap3A_390 = tpu.vector_load %arg9[%swap3A_388, %swap3A_389] {strides = array<i32>} : memref<32x128xbf16, #tpu.memory_space<vmem>>, vector<1x16xbf16>,
      %swap3A_391 = vector.shape_cast %swap3A_390 : vector<1x16xbf16> to vector<16xbf16>
      %swap3A_392 = vector.shape_cast %convert_element_type3A_387 : vector<16xbf16> to vector<1x16xbf16>
      tpu.vector_store %arg9[%swap3A_388, %swap3A_389], %swap3A_392 {strides = array<i32>} : memref<32x128xbf16, #tpu.memory_space<vmem>>, vector<1x16xbf16>,
      %convert_element_type3A_393 = arith.truncf %broadcast_in_dim3A_1 : vector<16xf32> to vector<16xbf16>
      %swap3A_394 = arith.index_cast %scan3A_386 : i32 to index
      %swap3A_395 = arith.constant 16 : index
      %swap3A_396 = tpu.vector_load %arg9[%swap3A_394, %swap3A_395] {strides = array<i32>} : memref<32x128xbf16, #tpu.memory_space<vmem>>, vector<1x16xbf16>,
      %swap3A_397 = vector.shape_cast %swap3A_396 : vector<1x16xbf16> to vector<16xbf16>
      %swap3A_398 = vector.shape_cast %convert_element_type3A_393 : vector<16xbf16> to vector<1x16xbf16>
      tpu.vector_store %arg9[%swap3A_394, %swap3A_395], %swap3A_398 {strides = array<i32>} : memref<32x128xbf16, #tpu.memory_space<vmem>>, vector<1x16xbf16>,
      %convert_element_type3A_399 = arith.truncf %broadcast_in_dim3A_1 : vector<16xf32> to vector<16xbf16>
      %swap3A_400 = arith.index_cast %scan3A_386 : i32 to index
      %swap3A_401 = arith.constant 32 : index
      %swap3A_402 = tpu.vector_load %arg9[%swap3A_400, %swap3A_401] {strides = array<i32>} : memref<32x128xbf16, #tpu.memory_space<vmem>>, vector<1x16xbf16>,
      %swap3A_403 = vector.shape_cast %swap3A_402 : vector<1x16xbf16> to vector<16xbf16>
      %swap3A_404 = vector.shape_cast %convert_element_type3A_399 : vector<16xbf16> to vector<1x16xbf16>
      tpu.vector_store %arg9[%swap3A_400, %swap3A_401], %swap3A_404 {strides = array<i32>} : memref<32x128xbf16, #tpu.memory_space<vmem>>, vector<1x16xbf16>,
      %convert_element_type3A_405 = arith.truncf %broadcast_in_dim3A_1 : vector<16xf32> to vector<16xbf16>
      %swap3A_406 = arith.index_cast %scan3A_386 : i32 to index
      %swap3A_407 = arith.constant 48 : index
      %swap3A_408 = tpu.vector_load %arg9[%swap3A_406, %swap3A_407] {strides = array<i32>} : memref<32x128xbf16, #tpu.memory_space<vmem>>, vector<1x16xbf16>,
      %swap3A_409 = vector.shape_cast %swap3A_408 : vector<1x16xbf16> to vector<16xbf16>
      %swap3A_410 = vector.shape_cast %convert_element_type3A_405 : vector<16xbf16> to vector<1x16xbf16>
      tpu.vector_store %arg9[%swap3A_406, %swap3A_407], %swap3A_410 {strides = array<i32>} : memref<32x128xbf16, #tpu.memory_space<vmem>>, vector<1x16xbf16>,
      %convert_element_type3A_411 = arith.truncf %broadcast_in_dim3A_1 : vector<16xf32> to vector<16xbf16>
      %swap3A_412 = arith.index_cast %scan3A_386 : i32 to index
      %swap3A_413 = arith.constant 64 : index
      %swap3A_414 = tpu.vector_load %arg9[%swap3A_412, %swap3A_413] {strides = array<i32>} : memref<32x128xbf16, #tpu.memory_space<vmem>>, vector<1x16xbf16>,
      %swap3A_415 = vector.shape_cast %swap3A_414 : vector<1x16xbf16> to vector<16xbf16>
      %swap3A_416 = vector.shape_cast %convert_element_type3A_411 : vector<16xbf16> to vector<1x16xbf16>
      tpu.vector_store %arg9[%swap3A_412, %swap3A_413], %swap3A_416 {strides = array<i32>} : memref<32x128xbf16, #tpu.memory_space<vmem>>, vector<1x16xbf16>,
      %convert_element_type3A_417 = arith.truncf %broadcast_in_dim3A_1 : vector<16xf32> to vector<16xbf16>
      %swap3A_418 = arith.index_cast %scan3A_386 : i32 to index
      %swap3A_419 = arith.constant 80 : index
      %swap3A_420 = tpu.vector_load %arg9[%swap3A_418, %swap3A_419] {strides = array<i32>} : memref<32x128xbf16, #tpu.memory_space<vmem>>, vector<1x16xbf16>,
      %swap3A_421 = vector.shape_cast %swap3A_420 : vector<1x16xbf16> to vector<16xbf16>
      %swap3A_422 = vector.shape_cast %convert_element_type3A_417 : vector<16xbf16> to vector<1x16xbf16>
      tpu.vector_store %arg9[%swap3A_418, %swap3A_419], %swap3A_422 {strides = array<i32>} : memref<32x128xbf16, #tpu.memory_space<vmem>>, vector<1x16xbf16>,
      %convert_element_type3A_423 = arith.truncf %broadcast_in_dim3A_1 : vector<16xf32> to vector<16xbf16>
      %swap3A_424 = arith.index_cast %scan3A_386 : i32 to index
      %swap3A_425 = arith.constant 96 : index
      %swap3A_426 = tpu.vector_load %arg9[%swap3A_424, %swap3A_425] {strides = array<i32>} : memref<32x128xbf16, #tpu.memory_space<vmem>>, vector<1x16xbf16>,
      %swap3A_427 = vector.shape_cast %swap3A_426 : vector<1x16xbf16> to vector<16xbf16>
      %swap3A_428 = vector.shape_cast %convert_element_type3A_423 : vector<16xbf16> to vector<1x16xbf16>
      tpu.vector_store %arg9[%swap3A_424, %swap3A_425], %swap3A_428 {strides = array<i32>} : memref<32x128xbf16, #tpu.memory_space<vmem>>, vector<1x16xbf16>,
      %convert_element_type3A_429 = arith.truncf %broadcast_in_dim3A_1 : vector<16xf32> to vector<16xbf16>
      %swap3A_430 = arith.index_cast %scan3A_386 : i32 to index
      %swap3A_431 = arith.constant 112 : index
      %swap3A_432 = tpu.vector_load %arg9[%swap3A_430, %swap3A_431] {strides = array<i32>} : memref<32x128xbf16, #tpu.memory_space<vmem>>, vector<1x16xbf16>,
      %swap3A_433 = vector.shape_cast %swap3A_432 : vector<1x16xbf16> to vector<16xbf16>
      %swap3A_434 = vector.shape_cast %convert_element_type3A_429 : vector<16xbf16> to vector<1x16xbf16>
      tpu.vector_store %arg9[%swap3A_430, %swap3A_431], %swap3A_434 {strides = array<i32>} : memref<32x128xbf16, #tpu.memory_space<vmem>>, vector<1x16xbf16>,
    }
    %scan3A_6 = arith.constant 32 : i32
    %scan3A_7 = arith.constant 0 : i32
    %scan3A_8 = arith.constant 0 : i32
    %scan3A_9 = arith.constant 20 : i32
    %scan3A_10 = arith.addi %scan3A_8, %scan3A_9 : i32
    %scan3A_11 = arith.constant 1 : i32
    scf.for %scan3A_238 = %scan3A_8 to %scan3A_10 step %scan3A_11  : i32 {
      %mul3A_239 = arith.constant 640 : i32
      %mul3A_240 = arith.muli %arg1, %mul3A_239 : i32
      %mul3A_241 = arith.constant 32 : i32
      %mul3A_242 = arith.muli %scan3A_238, %mul3A_241 : i32
      %add3A_243 = arith.addi %mul3A_240, %mul3A_242 : i32
      "tpu.region"() ({
        %run_scoped3A = tpu.sem_alloc : memref<!tpu.dma_semaphore, #tpu.memory_space<semaphore_mem>>
        %dma_start3A_244 = arith.constant 0 : i32
        %dma_start3A_245 = tpu.memref_slice %arg10[%add3A_243, %dma_start3A_244] : memref<10240x128xbf16, #tpu.memory_space<vmem_shared>> -> memref<32x128xbf16, #tpu.memory_space<vmem_shared>>
        %dma_start3A_246 = arith.constant 0 : i32
        %dma_start3A_247 = tpu.memref_slice %arg10[%add3A_243, %dma_start3A_246] : memref<10240x128xbf16, #tpu.memory_space<vmem_shared>> -> memref<32x128xbf16, #tpu.memory_space<vmem_shared>>
        tpu.enqueue_dma source(%arg9 : memref<32x128xbf16, #tpu.memory_space<vmem>>) target(%dma_start3A_247 : memref<32x128xbf16, #tpu.memory_space<vmem_shared>>) target_semaphore(%run_scoped3A : memref<!tpu.dma_semaphore, #tpu.memory_space<semaphore_mem>>)
        %dma_wait3A_248 = arith.constant 0 : i32
        %dma_wait3A_249 = tpu.memref_slice %arg10[%add3A_243, %dma_wait3A_248] : memref<10240x128xbf16, #tpu.memory_space<vmem_shared>> -> memref<32x128xbf16, #tpu.memory_space<vmem_shared>>
        %dma_wait3A_250 = arith.constant 0 : i32
        %dma_wait3A_251 = tpu.memref_slice %arg10[%add3A_243, %dma_wait3A_250] : memref<10240x128xbf16, #tpu.memory_space<vmem_shared>> -> memref<32x128xbf16, #tpu.memory_space<vmem_shared>>
        tpu.wait_dma2 semaphore(%run_scoped3A : memref<!tpu.dma_semaphore, #tpu.memory_space<semaphore_mem>>) src(%arg9 : memref<32x128xbf16, #tpu.memory_space<vmem>>) dst(%dma_wait3A_251 : memref<32x128xbf16, #tpu.memory_space<vmem_shared>>)
        tpu.yield
      }) : () -> ()
    }
    %scan3A_12 = arith.constant 20 : i32
    "tpu.region"() ({
      %run_scoped3A = tpu.sem_alloc : memref<!tpu.dma_semaphore, #tpu.memory_space<semaphore_mem>>
      %dma_start3A_238 = arith.constant 0 : i32
      %dma_start3A_239 = arith.constant 0 : i32
      %dma_start3A_240 = tpu.memref_slice %arg3[%add3A, %dma_start3A_238, %dma_start3A_239] : memref<32x80x125xi32, #tpu.memory_space<hbm>> -> memref<1x80x125xi32, #tpu.memory_space<hbm>>
      %dma_start3A_241 = tpu.memref_squeeze %dma_start3A_240 : memref<1x80x125xi32, #tpu.memory_space<hbm>> -> memref<80x125xi32, #tpu.memory_space<hbm>>
      %dma_start3A_242 = arith.constant 0 : i32
      %dma_start3A_243 = arith.constant 0 : i32
      %dma_start3A_244 = tpu.memref_slice %arg3[%add3A, %dma_start3A_242, %dma_start3A_243] : memref<32x80x125xi32, #tpu.memory_space<hbm>> -> memref<1x80x125xi32, #tpu.memory_space<hbm>>
      %dma_start3A_245 = tpu.memref_squeeze %dma_start3A_244 : memref<1x80x125xi32, #tpu.memory_space<hbm>> -> memref<80x125xi32, #tpu.memory_space<hbm>>
      tpu.enqueue_dma source(%dma_start3A_245 : memref<80x125xi32, #tpu.memory_space<hbm>>) target(%arg6 : memref<80x125xi32, #tpu.memory_space<vmem>>) target_semaphore(%run_scoped3A : memref<!tpu.dma_semaphore, #tpu.memory_space<semaphore_mem>>)
      %dma_wait3A_246 = arith.constant 0 : i32
      %dma_wait3A_247 = arith.constant 0 : i32
      %dma_wait3A_248 = tpu.memref_slice %arg3[%add3A, %dma_wait3A_246, %dma_wait3A_247] : memref<32x80x125xi32, #tpu.memory_space<hbm>> -> memref<1x80x125xi32, #tpu.memory_space<hbm>>
      %dma_wait3A_249 = tpu.memref_squeeze %dma_wait3A_248 : memref<1x80x125xi32, #tpu.memory_space<hbm>> -> memref<80x125xi32, #tpu.memory_space<hbm>>
      %dma_wait3A_250 = arith.constant 0 : i32
      %dma_wait3A_251 = arith.constant 0 : i32
      %dma_wait3A_252 = tpu.memref_slice %arg3[%add3A, %dma_wait3A_250, %dma_wait3A_251] : memref<32x80x125xi32, #tpu.memory_space<hbm>> -> memref<1x80x125xi32, #tpu.memory_space<hbm>>
      %dma_wait3A_253 = tpu.memref_squeeze %dma_wait3A_252 : memref<1x80x125xi32, #tpu.memory_space<hbm>> -> memref<80x125xi32, #tpu.memory_space<hbm>>
      tpu.wait_dma2 semaphore(%run_scoped3A : memref<!tpu.dma_semaphore, #tpu.memory_space<semaphore_mem>>) src(%dma_wait3A_253 : memref<80x125xi32, #tpu.memory_space<hbm>>) dst(%arg6 : memref<80x125xi32, #tpu.memory_space<vmem>>)
      tpu.yield
    }) : () -> ()
    "tpu.region"() ({
      %run_scoped3A = tpu.sem_alloc : memref<!tpu.dma_semaphore, #tpu.memory_space<semaphore_mem>>
      %dma_start3A_238 = arith.constant 0 : i32
      %dma_start3A_239 = arith.constant 0 : i32
      %dma_start3A_240 = tpu.memref_slice %arg4[%add3A, %dma_start3A_238, %dma_start3A_239] : memref<32x80x125xi32, #tpu.memory_space<hbm>> -> memref<1x80x125xi32, #tpu.memory_space<hbm>>
      %dma_start3A_241 = tpu.memref_squeeze %dma_start3A_240 : memref<1x80x125xi32, #tpu.memory_space<hbm>> -> memref<80x125xi32, #tpu.memory_space<hbm>>
      %dma_start3A_242 = arith.constant 0 : i32
      %dma_start3A_243 = arith.constant 0 : i32
      %dma_start3A_244 = tpu.memref_slice %arg4[%add3A, %dma_start3A_242, %dma_start3A_243] : memref<32x80x125xi32, #tpu.memory_space<hbm>> -> memref<1x80x125xi32, #tpu.memory_space<hbm>>
      %dma_start3A_245 = tpu.memref_squeeze %dma_start3A_244 : memref<1x80x125xi32, #tpu.memory_space<hbm>> -> memref<80x125xi32, #tpu.memory_space<hbm>>
      tpu.enqueue_dma source(%dma_start3A_245 : memref<80x125xi32, #tpu.memory_space<hbm>>) target(%arg7 : memref<80x125xi32, #tpu.memory_space<vmem>>) target_semaphore(%run_scoped3A : memref<!tpu.dma_semaphore, #tpu.memory_space<semaphore_mem>>)
      %dma_wait3A_246 = arith.constant 0 : i32
      %dma_wait3A_247 = arith.constant 0 : i32
      %dma_wait3A_248 = tpu.memref_slice %arg4[%add3A, %dma_wait3A_246, %dma_wait3A_247] : memref<32x80x125xi32, #tpu.memory_space<hbm>> -> memref<1x80x125xi32, #tpu.memory_space<hbm>>
      %dma_wait3A_249 = tpu.memref_squeeze %dma_wait3A_248 : memref<1x80x125xi32, #tpu.memory_space<hbm>> -> memref<80x125xi32, #tpu.memory_space<hbm>>
      %dma_wait3A_250 = arith.constant 0 : i32
      %dma_wait3A_251 = arith.constant 0 : i32
      %dma_wait3A_252 = tpu.memref_slice %arg4[%add3A, %dma_wait3A_250, %dma_wait3A_251] : memref<32x80x125xi32, #tpu.memory_space<hbm>> -> memref<1x80x125xi32, #tpu.memory_space<hbm>>
      %dma_wait3A_253 = tpu.memref_squeeze %dma_wait3A_252 : memref<1x80x125xi32, #tpu.memory_space<hbm>> -> memref<80x125xi32, #tpu.memory_space<hbm>>
      tpu.wait_dma2 semaphore(%run_scoped3A : memref<!tpu.dma_semaphore, #tpu.memory_space<semaphore_mem>>) src(%dma_wait3A_253 : memref<80x125xi32, #tpu.memory_space<hbm>>) dst(%arg7 : memref<80x125xi32, #tpu.memory_space<vmem>>)
      tpu.yield
    }) : () -> ()
    %barrier3A = arith.constant 0 : index
    tpu.barrier barrier_id(%barrier3A)
    %dma_start3A = arith.constant 0 : i32
    %dma_start3A_13 = arith.constant 0 : i32
    %dma_start3A_14 = arith.constant 0 : i32
    %dma_start3A_15 = arith.constant 0 : i32
    %dma_start3A_16 = arith.constant 0 : i32
    %dma_start3A_17 = tpu.memref_slice %arg8[%dma_start3A_13, %dma_start3A_15, %dma_start3A_16] : memref<4x125x128xbf16, #tpu.memory_space<vmem>> -> memref<1x125x128xbf16, #tpu.memory_space<vmem>>
    %dma_start3A_18 = tpu.memref_squeeze %dma_start3A_17 : memref<1x125x128xbf16, #tpu.memory_space<vmem>> -> memref<125x128xbf16, #tpu.memory_space<vmem>>
    %dma_start3A_19 = arith.constant 0 : i32
    %dma_start3A_20 = tpu.memref_slice %arg6[%dma_start3A, %dma_start3A_19] : memref<80x125xi32, #tpu.memory_space<vmem>> -> memref<1x125xi32, #tpu.memory_space<vmem>>
    %dma_start3A_21 = tpu.memref_squeeze %dma_start3A_20 : memref<1x125xi32, #tpu.memory_space<vmem>> -> memref<125xi32, #tpu.memory_space<vmem>>
    %dma_start3A_22 = arith.constant 0 : i32
    %dma_start3A_23 = arith.constant 0 : i32
    %dma_start3A_24 = tpu.memref_slice %arg2[%dma_start3A_22, %dma_start3A_23] : memref<10240x128xbf16, #tpu.memory_space<hbm>> -> memref<10240x128xbf16, #tpu.memory_space<hbm>>
    %dma_start3A_25 = tpu.memref_slice %arg11[%dma_start3A_14] : memref<4x!tpu.dma_semaphore, #tpu.memory_space<semaphore_mem>> -> memref<1x!tpu.dma_semaphore, #tpu.memory_space<semaphore_mem>>
    %dma_start3A_26 = tpu.memref_squeeze %dma_start3A_25 : memref<1x!tpu.dma_semaphore, #tpu.memory_space<semaphore_mem>> -> memref<!tpu.dma_semaphore, #tpu.memory_space<semaphore_mem>>
    tpu.enqueue_indirect_dma source(%dma_start3A_24 : memref<10240x128xbf16, #tpu.memory_space<hbm>>) target(%dma_start3A_18 : memref<125x128xbf16, #tpu.memory_space<vmem>>) offsets(%dma_start3A_21 : memref<125xi32, #tpu.memory_space<vmem>>) semaphore(%dma_start3A_26 : memref<!tpu.dma_semaphore, #tpu.memory_space<semaphore_mem>>)
    %dma_start3A_27 = arith.constant 1 : i32
    %dma_start3A_28 = arith.constant 1 : i32
    %dma_start3A_29 = arith.constant 1 : i32
    %dma_start3A_30 = arith.constant 0 : i32
    %dma_start3A_31 = arith.constant 0 : i32
    %dma_start3A_32 = tpu.memref_slice %arg8[%dma_start3A_28, %dma_start3A_30, %dma_start3A_31] : memref<4x125x128xbf16, #tpu.memory_space<vmem>> -> memref<1x125x128xbf16, #tpu.memory_space<vmem>>
    %dma_start3A_33 = tpu.memref_squeeze %dma_start3A_32 : memref<1x125x128xbf16, #tpu.memory_space<vmem>> -> memref<125x128xbf16, #tpu.memory_space<vmem>>
    %dma_start3A_34 = arith.constant 0 : i32
    %dma_start3A_35 = tpu.memref_slice %arg6[%dma_start3A_27, %dma_start3A_34] : memref<80x125xi32, #tpu.memory_space<vmem>> -> memref<1x125xi32, #tpu.memory_space<vmem>>
    %dma_start3A_36 = tpu.memref_squeeze %dma_start3A_35 : memref<1x125xi32, #tpu.memory_space<vmem>> -> memref<125xi32, #tpu.memory_space<vmem>>
    %dma_start3A_37 = arith.constant 0 : i32
    %dma_start3A_38 = arith.constant 0 : i32
    %dma_start3A_39 = tpu.memref_slice %arg2[%dma_start3A_37, %dma_start3A_38] : memref<10240x128xbf16, #tpu.memory_space<hbm>> -> memref<10240x128xbf16, #tpu.memory_space<hbm>>
    %dma_start3A_40 = tpu.memref_slice %arg11[%dma_start3A_29] : memref<4x!tpu.dma_semaphore, #tpu.memory_space<semaphore_mem>> -> memref<1x!tpu.dma_semaphore, #tpu.memory_space<semaphore_mem>>
    %dma_start3A_41 = tpu.memref_squeeze %dma_start3A_40 : memref<1x!tpu.dma_semaphore, #tpu.memory_space<semaphore_mem>> -> memref<!tpu.dma_semaphore, #tpu.memory_space<semaphore_mem>>
    tpu.enqueue_indirect_dma source(%dma_start3A_39 : memref<10240x128xbf16, #tpu.memory_space<hbm>>) target(%dma_start3A_33 : memref<125x128xbf16, #tpu.memory_space<vmem>>) offsets(%dma_start3A_36 : memref<125xi32, #tpu.memory_space<vmem>>) semaphore(%dma_start3A_41 : memref<!tpu.dma_semaphore, #tpu.memory_space<semaphore_mem>>)
    %dma_start3A_42 = arith.constant 2 : i32
    %dma_start3A_43 = arith.constant 2 : i32
    %dma_start3A_44 = arith.constant 2 : i32
    %dma_start3A_45 = arith.constant 0 : i32
    %dma_start3A_46 = arith.constant 0 : i32
    %dma_start3A_47 = tpu.memref_slice %arg8[%dma_start3A_43, %dma_start3A_45, %dma_start3A_46] : memref<4x125x128xbf16, #tpu.memory_space<vmem>> -> memref<1x125x128xbf16, #tpu.memory_space<vmem>>
    %dma_start3A_48 = tpu.memref_squeeze %dma_start3A_47 : memref<1x125x128xbf16, #tpu.memory_space<vmem>> -> memref<125x128xbf16, #tpu.memory_space<vmem>>
    %dma_start3A_49 = arith.constant 0 : i32
    %dma_start3A_50 = tpu.memref_slice %arg6[%dma_start3A_42, %dma_start3A_49] : memref<80x125xi32, #tpu.memory_space<vmem>> -> memref<1x125xi32, #tpu.memory_space<vmem>>
    %dma_start3A_51 = tpu.memref_squeeze %dma_start3A_50 : memref<1x125xi32, #tpu.memory_space<vmem>> -> memref<125xi32, #tpu.memory_space<vmem>>
    %dma_start3A_52 = arith.constant 0 : i32
    %dma_start3A_53 = arith.constant 0 : i32
    %dma_start3A_54 = tpu.memref_slice %arg2[%dma_start3A_52, %dma_start3A_53] : memref<10240x128xbf16, #tpu.memory_space<hbm>> -> memref<10240x128xbf16, #tpu.memory_space<hbm>>
    %dma_start3A_55 = tpu.memref_slice %arg11[%dma_start3A_44] : memref<4x!tpu.dma_semaphore, #tpu.memory_space<semaphore_mem>> -> memref<1x!tpu.dma_semaphore, #tpu.memory_space<semaphore_mem>>
    %dma_start3A_56 = tpu.memref_squeeze %dma_start3A_55 : memref<1x!tpu.dma_semaphore, #tpu.memory_space<semaphore_mem>> -> memref<!tpu.dma_semaphore, #tpu.memory_space<semaphore_mem>>
    tpu.enqueue_indirect_dma source(%dma_start3A_54 : memref<10240x128xbf16, #tpu.memory_space<hbm>>) target(%dma_start3A_48 : memref<125x128xbf16, #tpu.memory_space<vmem>>) offsets(%dma_start3A_51 : memref<125xi32, #tpu.memory_space<vmem>>) semaphore(%dma_start3A_56 : memref<!tpu.dma_semaphore, #tpu.memory_space<semaphore_mem>>)
    %dma_start3A_57 = arith.constant 3 : i32
    %dma_start3A_58 = arith.constant 3 : i32
    %dma_start3A_59 = arith.constant 3 : i32
    %dma_start3A_60 = arith.constant 0 : i32
    %dma_start3A_61 = arith.constant 0 : i32
    %dma_start3A_62 = tpu.memref_slice %arg8[%dma_start3A_58, %dma_start3A_60, %dma_start3A_61] : memref<4x125x128xbf16, #tpu.memory_space<vmem>> -> memref<1x125x128xbf16, #tpu.memory_space<vmem>>
    %dma_start3A_63 = tpu.memref_squeeze %dma_start3A_62 : memref<1x125x128xbf16, #tpu.memory_space<vmem>> -> memref<125x128xbf16, #tpu.memory_space<vmem>>
    %dma_start3A_64 = arith.constant 0 : i32
    %dma_start3A_65 = tpu.memref_slice %arg6[%dma_start3A_57, %dma_start3A_64] : memref<80x125xi32, #tpu.memory_space<vmem>> -> memref<1x125xi32, #tpu.memory_space<vmem>>
    %dma_start3A_66 = tpu.memref_squeeze %dma_start3A_65 : memref<1x125xi32, #tpu.memory_space<vmem>> -> memref<125xi32, #tpu.memory_space<vmem>>
    %dma_start3A_67 = arith.constant 0 : i32
    %dma_start3A_68 = arith.constant 0 : i32
    %dma_start3A_69 = tpu.memref_slice %arg2[%dma_start3A_67, %dma_start3A_68] : memref<10240x128xbf16, #tpu.memory_space<hbm>> -> memref<10240x128xbf16, #tpu.memory_space<hbm>>
    %dma_start3A_70 = tpu.memref_slice %arg11[%dma_start3A_59] : memref<4x!tpu.dma_semaphore, #tpu.memory_space<semaphore_mem>> -> memref<1x!tpu.dma_semaphore, #tpu.memory_space<semaphore_mem>>
    %dma_start3A_71 = tpu.memref_squeeze %dma_start3A_70 : memref<1x!tpu.dma_semaphore, #tpu.memory_space<semaphore_mem>> -> memref<!tpu.dma_semaphore, #tpu.memory_space<semaphore_mem>>
    tpu.enqueue_indirect_dma source(%dma_start3A_69 : memref<10240x128xbf16, #tpu.memory_space<hbm>>) target(%dma_start3A_63 : memref<125x128xbf16, #tpu.memory_space<vmem>>) offsets(%dma_start3A_66 : memref<125xi32, #tpu.memory_space<vmem>>) semaphore(%dma_start3A_71 : memref<!tpu.dma_semaphore, #tpu.memory_space<semaphore_mem>>)
    %dma_wait3A = arith.constant 0 : i32
    %dma_wait3A_72 = arith.constant 0 : i32
    %dma_wait3A_73 = arith.constant 0 : i32
    %dma_wait3A_74 = arith.constant 0 : i32
    %dma_wait3A_75 = arith.constant 0 : i32
    %dma_wait3A_76 = tpu.memref_slice %arg8[%dma_wait3A_72, %dma_wait3A_74, %dma_wait3A_75] : memref<4x125x128xbf16, #tpu.memory_space<vmem>> -> memref<1x125x128xbf16, #tpu.memory_space<vmem>>
    %dma_wait3A_77 = tpu.memref_squeeze %dma_wait3A_76 : memref<1x125x128xbf16, #tpu.memory_space<vmem>> -> memref<125x128xbf16, #tpu.memory_space<vmem>>
    %dma_wait3A_78 = arith.constant 0 : i32
    %dma_wait3A_79 = tpu.memref_slice %arg6[%dma_wait3A, %dma_wait3A_78] : memref<80x125xi32, #tpu.memory_space<vmem>> -> memref<1x125xi32, #tpu.memory_space<vmem>>
    %dma_wait3A_80 = tpu.memref_squeeze %dma_wait3A_79 : memref<1x125xi32, #tpu.memory_space<vmem>> -> memref<125xi32, #tpu.memory_space<vmem>>
    %dma_wait3A_81 = arith.constant 0 : i32
    %dma_wait3A_82 = arith.constant 0 : i32
    %dma_wait3A_83 = tpu.memref_slice %arg2[%dma_wait3A_81, %dma_wait3A_82] : memref<10240x128xbf16, #tpu.memory_space<hbm>> -> memref<10240x128xbf16, #tpu.memory_space<hbm>>
    %dma_wait3A_84 = tpu.memref_slice %arg11[%dma_wait3A_73] : memref<4x!tpu.dma_semaphore, #tpu.memory_space<semaphore_mem>> -> memref<1x!tpu.dma_semaphore, #tpu.memory_space<semaphore_mem>>
    %dma_wait3A_85 = tpu.memref_squeeze %dma_wait3A_84 : memref<1x!tpu.dma_semaphore, #tpu.memory_space<semaphore_mem>> -> memref<!tpu.dma_semaphore, #tpu.memory_space<semaphore_mem>>
    tpu.wait_indirect_dma semaphore(%dma_wait3A_85 : memref<!tpu.dma_semaphore, #tpu.memory_space<semaphore_mem>>) src(%dma_wait3A_83 : memref<10240x128xbf16, #tpu.memory_space<hbm>>) dst(%dma_wait3A_77 : memref<125x128xbf16, #tpu.memory_space<vmem>>)
    %dma_start3A_86 = arith.constant 0 : i32
    %dma_start3A_87 = arith.constant 0 : i32
    %dma_start3A_88 = arith.constant 0 : i32
    %dma_start3A_89 = arith.constant 0 : i32
    %dma_start3A_90 = tpu.memref_slice %arg8[%dma_start3A_86, %dma_start3A_88, %dma_start3A_89] : memref<4x125x128xbf16, #tpu.memory_space<vmem>> -> memref<1x125x128xbf16, #tpu.memory_space<vmem>>
    %dma_start3A_91 = tpu.memref_squeeze %dma_start3A_90 : memref<1x125x128xbf16, #tpu.memory_space<vmem>> -> memref<125x128xbf16, #tpu.memory_space<vmem>>
    %dma_start3A_92 = arith.constant 0 : i32
    %dma_start3A_93 = tpu.memref_slice %arg7[%dma_start3A_87, %dma_start3A_92] : memref<80x125xi32, #tpu.memory_space<vmem>> -> memref<1x125xi32, #tpu.memory_space<vmem>>
    %dma_start3A_94 = tpu.memref_squeeze %dma_start3A_93 : memref<1x125xi32, #tpu.memory_space<vmem>> -> memref<125xi32, #tpu.memory_space<vmem>>
    %dma_start3A_95 = arith.constant 0 : i32
    %dma_start3A_96 = arith.constant 0 : i32
    %dma_start3A_97 = tpu.memref_slice %arg10[%dma_start3A_95, %dma_start3A_96] : memref<10240x128xbf16, #tpu.memory_space<vmem_shared>> -> memref<10240x128xbf16, #tpu.memory_space<vmem_shared>>
    tpu.enqueue_indirect_dma source(%dma_start3A_91 : memref<125x128xbf16, #tpu.memory_space<vmem>>) target(%dma_start3A_97 : memref<10240x128xbf16, #tpu.memory_space<vmem_shared>>) offsets(%dma_start3A_94 : memref<125xi32, #tpu.memory_space<vmem>>) semaphore(%arg12 : memref<!tpu.dma_semaphore, #tpu.memory_space<semaphore_mem>>) {add = true}
    %scan3A_98 = arith.constant 0 : i32
    %scan3A_99 = arith.constant 0 : i32
    %scan3A_100 = arith.constant 19 : i32
    %scan3A_101 = arith.addi %scan3A_99, %scan3A_100 : i32
    %scan3A_102 = arith.constant 1 : i32
    scf.for %scan3A_238 = %scan3A_99 to %scan3A_101 step %scan3A_102  : i32 {
      %mul3A_239 = arith.constant 4 : i32
      %mul3A_240 = arith.muli %scan3A_238, %mul3A_239 : i32
      %add3A_241 = arith.constant 1 : i32
      %add3A_242 = arith.addi %add3A_241, %mul3A_240 : i32
      %add3A_243 = arith.constant 0 : i32
      %add3A_244 = arith.addi %add3A_242, %add3A_243 : i32
      %sub3A = arith.constant 1 : i32
      %sub3A_245 = arith.subi %add3A_244, %sub3A : i32
      %dma_wait3A_246 = arith.constant 0 : i32
      %dma_wait3A_247 = arith.constant 0 : i32
      %dma_wait3A_248 = arith.constant 0 : i32
      %dma_wait3A_249 = tpu.memref_slice %arg8[%dma_wait3A_246, %dma_wait3A_247, %dma_wait3A_248] : memref<4x125x128xbf16, #tpu.memory_space<vmem>> -> memref<1x125x128xbf16, #tpu.memory_space<vmem>>
      %dma_wait3A_250 = tpu.memref_squeeze %dma_wait3A_249 : memref<1x125x128xbf16, #tpu.memory_space<vmem>> -> memref<125x128xbf16, #tpu.memory_space<vmem>>
      %dma_wait3A_251 = arith.constant 0 : i32
      %dma_wait3A_252 = tpu.memref_slice %arg7[%sub3A_245, %dma_wait3A_251] : memref<80x125xi32, #tpu.memory_space<vmem>> -> memref<1x125xi32, #tpu.memory_space<vmem>>
      %dma_wait3A_253 = tpu.memref_squeeze %dma_wait3A_252 : memref<1x125xi32, #tpu.memory_space<vmem>> -> memref<125xi32, #tpu.memory_space<vmem>>
      %dma_wait3A_254 = arith.constant 0 : i32
      %dma_wait3A_255 = arith.constant 0 : i32
      %dma_wait3A_256 = tpu.memref_slice %arg10[%dma_wait3A_254, %dma_wait3A_255] : memref<10240x128xbf16, #tpu.memory_space<vmem_shared>> -> memref<10240x128xbf16, #tpu.memory_space<vmem_shared>>
      tpu.wait_indirect_dma semaphore(%arg12 : memref<!tpu.dma_semaphore, #tpu.memory_space<semaphore_mem>>) src(%dma_wait3A_250 : memref<125x128xbf16, #tpu.memory_space<vmem>>) dst(%dma_wait3A_256 : memref<10240x128xbf16, #tpu.memory_space<vmem_shared>>)
      %add3A_257 = arith.constant 4 : i32
      %add3A_258 = arith.addi %add3A_244, %add3A_257 : i32
      %sub3A_259 = arith.constant 1 : i32
      %sub3A_260 = arith.subi %add3A_258, %sub3A_259 : i32
      %dma_start3A_261 = arith.constant 0 : i32
      %dma_start3A_262 = arith.constant 0 : i32
      %dma_start3A_263 = arith.constant 0 : i32
      %dma_start3A_264 = arith.constant 0 : i32
      %dma_start3A_265 = tpu.memref_slice %arg8[%dma_start3A_261, %dma_start3A_263, %dma_start3A_264] : memref<4x125x128xbf16, #tpu.memory_space<vmem>> -> memref<1x125x128xbf16, #tpu.memory_space<vmem>>
      %dma_start3A_266 = tpu.memref_squeeze %dma_start3A_265 : memref<1x125x128xbf16, #tpu.memory_space<vmem>> -> memref<125x128xbf16, #tpu.memory_space<vmem>>
      %dma_start3A_267 = arith.constant 0 : i32
      %dma_start3A_268 = tpu.memref_slice %arg6[%sub3A_260, %dma_start3A_267] : memref<80x125xi32, #tpu.memory_space<vmem>> -> memref<1x125xi32, #tpu.memory_space<vmem>>
      %dma_start3A_269 = tpu.memref_squeeze %dma_start3A_268 : memref<1x125xi32, #tpu.memory_space<vmem>> -> memref<125xi32, #tpu.memory_space<vmem>>
      %dma_start3A_270 = arith.constant 0 : i32
      %dma_start3A_271 = arith.constant 0 : i32
      %dma_start3A_272 = tpu.memref_slice %arg2[%dma_start3A_270, %dma_start3A_271] : memref<10240x128xbf16, #tpu.memory_space<hbm>> -> memref<10240x128xbf16, #tpu.memory_space<hbm>>
      %dma_start3A_273 = tpu.memref_slice %arg11[%dma_start3A_262] : memref<4x!tpu.dma_semaphore, #tpu.memory_space<semaphore_mem>> -> memref<1x!tpu.dma_semaphore, #tpu.memory_space<semaphore_mem>>
      %dma_start3A_274 = tpu.memref_squeeze %dma_start3A_273 : memref<1x!tpu.dma_semaphore, #tpu.memory_space<semaphore_mem>> -> memref<!tpu.dma_semaphore, #tpu.memory_space<semaphore_mem>>
      tpu.enqueue_indirect_dma source(%dma_start3A_272 : memref<10240x128xbf16, #tpu.memory_space<hbm>>) target(%dma_start3A_266 : memref<125x128xbf16, #tpu.memory_space<vmem>>) offsets(%dma_start3A_269 : memref<125xi32, #tpu.memory_space<vmem>>) semaphore(%dma_start3A_274 : memref<!tpu.dma_semaphore, #tpu.memory_space<semaphore_mem>>)
      %dma_wait3A_275 = arith.constant 1 : i32
      %dma_wait3A_276 = arith.constant 1 : i32
      %dma_wait3A_277 = arith.constant 0 : i32
      %dma_wait3A_278 = arith.constant 0 : i32
      %dma_wait3A_279 = tpu.memref_slice %arg8[%dma_wait3A_275, %dma_wait3A_277, %dma_wait3A_278] : memref<4x125x128xbf16, #tpu.memory_space<vmem>> -> memref<1x125x128xbf16, #tpu.memory_space<vmem>>
      %dma_wait3A_280 = tpu.memref_squeeze %dma_wait3A_279 : memref<1x125x128xbf16, #tpu.memory_space<vmem>> -> memref<125x128xbf16, #tpu.memory_space<vmem>>
      %dma_wait3A_281 = arith.constant 0 : i32
      %dma_wait3A_282 = tpu.memref_slice %arg6[%add3A_244, %dma_wait3A_281] : memref<80x125xi32, #tpu.memory_space<vmem>> -> memref<1x125xi32, #tpu.memory_space<vmem>>
      %dma_wait3A_283 = tpu.memref_squeeze %dma_wait3A_282 : memref<1x125xi32, #tpu.memory_space<vmem>> -> memref<125xi32, #tpu.memory_space<vmem>>
      %dma_wait3A_284 = arith.constant 0 : i32
      %dma_wait3A_285 = arith.constant 0 : i32
      %dma_wait3A_286 = tpu.memref_slice %arg2[%dma_wait3A_284, %dma_wait3A_285] : memref<10240x128xbf16, #tpu.memory_space<hbm>> -> memref<10240x128xbf16, #tpu.memory_space<hbm>>
      %dma_wait3A_287 = tpu.memref_slice %arg11[%dma_wait3A_276] : memref<4x!tpu.dma_semaphore, #tpu.memory_space<semaphore_mem>> -> memref<1x!tpu.dma_semaphore, #tpu.memory_space<semaphore_mem>>
      %dma_wait3A_288 = tpu.memref_squeeze %dma_wait3A_287 : memref<1x!tpu.dma_semaphore, #tpu.memory_space<semaphore_mem>> -> memref<!tpu.dma_semaphore, #tpu.memory_space<semaphore_mem>>
      tpu.wait_indirect_dma semaphore(%dma_wait3A_288 : memref<!tpu.dma_semaphore, #tpu.memory_space<semaphore_mem>>) src(%dma_wait3A_286 : memref<10240x128xbf16, #tpu.memory_space<hbm>>) dst(%dma_wait3A_280 : memref<125x128xbf16, #tpu.memory_space<vmem>>)
      %dma_start3A_289 = arith.constant 1 : i32
      %dma_start3A_290 = arith.constant 0 : i32
      %dma_start3A_291 = arith.constant 0 : i32
      %dma_start3A_292 = tpu.memref_slice %arg8[%dma_start3A_289, %dma_start3A_290, %dma_start3A_291] : memref<4x125x128xbf16, #tpu.memory_space<vmem>> -> memref<1x125x128xbf16, #tpu.memory_space<vmem>>
      %dma_start3A_293 = tpu.memref_squeeze %dma_start3A_292 : memref<1x125x128xbf16, #tpu.memory_space<vmem>> -> memref<125x128xbf16, #tpu.memory_space<vmem>>
      %dma_start3A_294 = arith.constant 0 : i32
      %dma_start3A_295 = tpu.memref_slice %arg7[%add3A_244, %dma_start3A_294] : memref<80x125xi32, #tpu.memory_space<vmem>> -> memref<1x125xi32, #tpu.memory_space<vmem>>
      %dma_start3A_296 = tpu.memref_squeeze %dma_start3A_295 : memref<1x125xi32, #tpu.memory_space<vmem>> -> memref<125xi32, #tpu.memory_space<vmem>>
      %dma_start3A_297 = arith.constant 0 : i32
      %dma_start3A_298 = arith.constant 0 : i32
      %dma_start3A_299 = tpu.memref_slice %arg10[%dma_start3A_297, %dma_start3A_298] : memref<10240x128xbf16, #tpu.memory_space<vmem_shared>> -> memref<10240x128xbf16, #tpu.memory_space<vmem_shared>>
      tpu.enqueue_indirect_dma source(%dma_start3A_293 : memref<125x128xbf16, #tpu.memory_space<vmem>>) target(%dma_start3A_299 : memref<10240x128xbf16, #tpu.memory_space<vmem_shared>>) offsets(%dma_start3A_296 : memref<125xi32, #tpu.memory_space<vmem>>) semaphore(%arg12 : memref<!tpu.dma_semaphore, #tpu.memory_space<semaphore_mem>>) {add = true}
      %mul3A_300 = arith.constant 4 : i32
      %mul3A_301 = arith.muli %scan3A_238, %mul3A_300 : i32
      %add3A_302 = arith.constant 1 : i32
      %add3A_303 = arith.addi %add3A_302, %mul3A_301 : i32
      %add3A_304 = arith.constant 1 : i32
      %add3A_305 = arith.addi %add3A_303, %add3A_304 : i32
      %sub3A_306 = arith.constant 1 : i32
      %sub3A_307 = arith.subi %add3A_305, %sub3A_306 : i32
      %dma_wait3A_308 = arith.constant 1 : i32
      %dma_wait3A_309 = arith.constant 0 : i32
      %dma_wait3A_310 = arith.constant 0 : i32
      %dma_wait3A_311 = tpu.memref_slice %arg8[%dma_wait3A_308, %dma_wait3A_309, %dma_wait3A_310] : memref<4x125x128xbf16, #tpu.memory_space<vmem>> -> memref<1x125x128xbf16, #tpu.memory_space<vmem>>
      %dma_wait3A_312 = tpu.memref_squeeze %dma_wait3A_311 : memref<1x125x128xbf16, #tpu.memory_space<vmem>> -> memref<125x128xbf16, #tpu.memory_space<vmem>>
      %dma_wait3A_313 = arith.constant 0 : i32
      %dma_wait3A_314 = tpu.memref_slice %arg7[%sub3A_307, %dma_wait3A_313] : memref<80x125xi32, #tpu.memory_space<vmem>> -> memref<1x125xi32, #tpu.memory_space<vmem>>
      %dma_wait3A_315 = tpu.memref_squeeze %dma_wait3A_314 : memref<1x125xi32, #tpu.memory_space<vmem>> -> memref<125xi32, #tpu.memory_space<vmem>>
      %dma_wait3A_316 = arith.constant 0 : i32
      %dma_wait3A_317 = arith.constant 0 : i32
      %dma_wait3A_318 = tpu.memref_slice %arg10[%dma_wait3A_316, %dma_wait3A_317] : memref<10240x128xbf16, #tpu.memory_space<vmem_shared>> -> memref<10240x128xbf16, #tpu.memory_space<vmem_shared>>
      tpu.wait_indirect_dma semaphore(%arg12 : memref<!tpu.dma_semaphore, #tpu.memory_space<semaphore_mem>>) src(%dma_wait3A_312 : memref<125x128xbf16, #tpu.memory_space<vmem>>) dst(%dma_wait3A_318 : memref<10240x128xbf16, #tpu.memory_space<vmem_shared>>)
      %add3A_319 = arith.constant 4 : i32
      %add3A_320 = arith.addi %add3A_305, %add3A_319 : i32
      %sub3A_321 = arith.constant 1 : i32
      %sub3A_322 = arith.subi %add3A_320, %sub3A_321 : i32
      %dma_start3A_323 = arith.constant 1 : i32
      %dma_start3A_324 = arith.constant 1 : i32
      %dma_start3A_325 = arith.constant 0 : i32
      %dma_start3A_326 = arith.constant 0 : i32
      %dma_start3A_327 = tpu.memref_slice %arg8[%dma_start3A_323, %dma_start3A_325, %dma_start3A_326] : memref<4x125x128xbf16, #tpu.memory_space<vmem>> -> memref<1x125x128xbf16, #tpu.memory_space<vmem>>
      %dma_start3A_328 = tpu.memref_squeeze %dma_start3A_327 : memref<1x125x128xbf16, #tpu.memory_space<vmem>> -> memref<125x128xbf16, #tpu.memory_space<vmem>>
      %dma_start3A_329 = arith.constant 0 : i32
      %dma_start3A_330 = tpu.memref_slice %arg6[%sub3A_322, %dma_start3A_329] : memref<80x125xi32, #tpu.memory_space<vmem>> -> memref<1x125xi32, #tpu.memory_space<vmem>>
      %dma_start3A_331 = tpu.memref_squeeze %dma_start3A_330 : memref<1x125xi32, #tpu.memory_space<vmem>> -> memref<125xi32, #tpu.memory_space<vmem>>
      %dma_start3A_332 = arith.constant 0 : i32
      %dma_start3A_333 = arith.constant 0 : i32
      %dma_start3A_334 = tpu.memref_slice %arg2[%dma_start3A_332, %dma_start3A_333] : memref<10240x128xbf16, #tpu.memory_space<hbm>> -> memref<10240x128xbf16, #tpu.memory_space<hbm>>
      %dma_start3A_335 = tpu.memref_slice %arg11[%dma_start3A_324] : memref<4x!tpu.dma_semaphore, #tpu.memory_space<semaphore_mem>> -> memref<1x!tpu.dma_semaphore, #tpu.memory_space<semaphore_mem>>
      %dma_start3A_336 = tpu.memref_squeeze %dma_start3A_335 : memref<1x!tpu.dma_semaphore, #tpu.memory_space<semaphore_mem>> -> memref<!tpu.dma_semaphore, #tpu.memory_space<semaphore_mem>>
      tpu.enqueue_indirect_dma source(%dma_start3A_334 : memref<10240x128xbf16, #tpu.memory_space<hbm>>) target(%dma_start3A_328 : memref<125x128xbf16, #tpu.memory_space<vmem>>) offsets(%dma_start3A_331 : memref<125xi32, #tpu.memory_space<vmem>>) semaphore(%dma_start3A_336 : memref<!tpu.dma_semaphore, #tpu.memory_space<semaphore_mem>>)
      %dma_wait3A_337 = arith.constant 2 : i32
      %dma_wait3A_338 = arith.constant 2 : i32
      %dma_wait3A_339 = arith.constant 0 : i32
      %dma_wait3A_340 = arith.constant 0 : i32
      %dma_wait3A_341 = tpu.memref_slice %arg8[%dma_wait3A_337, %dma_wait3A_339, %dma_wait3A_340] : memref<4x125x128xbf16, #tpu.memory_space<vmem>> -> memref<1x125x128xbf16, #tpu.memory_space<vmem>>
      %dma_wait3A_342 = tpu.memref_squeeze %dma_wait3A_341 : memref<1x125x128xbf16, #tpu.memory_space<vmem>> -> memref<125x128xbf16, #tpu.memory_space<vmem>>
      %dma_wait3A_343 = arith.constant 0 : i32
      %dma_wait3A_344 = tpu.memref_slice %arg6[%add3A_305, %dma_wait3A_343] : memref<80x125xi32, #tpu.memory_space<vmem>> -> memref<1x125xi32, #tpu.memory_space<vmem>>
      %dma_wait3A_345 = tpu.memref_squeeze %dma_wait3A_344 : memref<1x125xi32, #tpu.memory_space<vmem>> -> memref<125xi32, #tpu.memory_space<vmem>>
      %dma_wait3A_346 = arith.constant 0 : i32
      %dma_wait3A_347 = arith.constant 0 : i32
      %dma_wait3A_348 = tpu.memref_slice %arg2[%dma_wait3A_346, %dma_wait3A_347] : memref<10240x128xbf16, #tpu.memory_space<hbm>> -> memref<10240x128xbf16, #tpu.memory_space<hbm>>
      %dma_wait3A_349 = tpu.memref_slice %arg11[%dma_wait3A_338] : memref<4x!tpu.dma_semaphore, #tpu.memory_space<semaphore_mem>> -> memref<1x!tpu.dma_semaphore, #tpu.memory_space<semaphore_mem>>
      %dma_wait3A_350 = tpu.memref_squeeze %dma_wait3A_349 : memref<1x!tpu.dma_semaphore, #tpu.memory_space<semaphore_mem>> -> memref<!tpu.dma_semaphore, #tpu.memory_space<semaphore_mem>>
      tpu.wait_indirect_dma semaphore(%dma_wait3A_350 : memref<!tpu.dma_semaphore, #tpu.memory_space<semaphore_mem>>) src(%dma_wait3A_348 : memref<10240x128xbf16, #tpu.memory_space<hbm>>) dst(%dma_wait3A_342 : memref<125x128xbf16, #tpu.memory_space<vmem>>)
      %dma_start3A_351 = arith.constant 2 : i32
      %dma_start3A_352 = arith.constant 0 : i32
      %dma_start3A_353 = arith.constant 0 : i32
      %dma_start3A_354 = tpu.memref_slice %arg8[%dma_start3A_351, %dma_start3A_352, %dma_start3A_353] : memref<4x125x128xbf16, #tpu.memory_space<vmem>> -> memref<1x125x128xbf16, #tpu.memory_space<vmem>>
      %dma_start3A_355 = tpu.memref_squeeze %dma_start3A_354 : memref<1x125x128xbf16, #tpu.memory_space<vmem>> -> memref<125x128xbf16, #tpu.memory_space<vmem>>
      %dma_start3A_356 = arith.constant 0 : i32
      %dma_start3A_357 = tpu.memref_slice %arg7[%add3A_305, %dma_start3A_356] : memref<80x125xi32, #tpu.memory_space<vmem>> -> memref<1x125xi32, #tpu.memory_space<vmem>>
      %dma_start3A_358 = tpu.memref_squeeze %dma_start3A_357 : memref<1x125xi32, #tpu.memory_space<vmem>> -> memref<125xi32, #tpu.memory_space<vmem>>
      %dma_start3A_359 = arith.constant 0 : i32
      %dma_start3A_360 = arith.constant 0 : i32
      %dma_start3A_361 = tpu.memref_slice %arg10[%dma_start3A_359, %dma_start3A_360] : memref<10240x128xbf16, #tpu.memory_space<vmem_shared>> -> memref<10240x128xbf16, #tpu.memory_space<vmem_shared>>
      tpu.enqueue_indirect_dma source(%dma_start3A_355 : memref<125x128xbf16, #tpu.memory_space<vmem>>) target(%dma_start3A_361 : memref<10240x128xbf16, #tpu.memory_space<vmem_shared>>) offsets(%dma_start3A_358 : memref<125xi32, #tpu.memory_space<vmem>>) semaphore(%arg12 : memref<!tpu.dma_semaphore, #tpu.memory_space<semaphore_mem>>) {add = true}
      %mul3A_362 = arith.constant 4 : i32
      %mul3A_363 = arith.muli %scan3A_238, %mul3A_362 : i32
      %add3A_364 = arith.constant 1 : i32
      %add3A_365 = arith.addi %add3A_364, %mul3A_363 : i32
      %add3A_366 = arith.constant 2 : i32
      %add3A_367 = arith.addi %add3A_365, %add3A_366 : i32
      %sub3A_368 = arith.constant 1 : i32
      %sub3A_369 = arith.subi %add3A_367, %sub3A_368 : i32
      %dma_wait3A_370 = arith.constant 2 : i32
      %dma_wait3A_371 = arith.constant 0 : i32
      %dma_wait3A_372 = arith.constant 0 : i32
      %dma_wait3A_373 = tpu.memref_slice %arg8[%dma_wait3A_370, %dma_wait3A_371, %dma_wait3A_372] : memref<4x125x128xbf16, #tpu.memory_space<vmem>> -> memref<1x125x128xbf16, #tpu.memory_space<vmem>>
      %dma_wait3A_374 = tpu.memref_squeeze %dma_wait3A_373 : memref<1x125x128xbf16, #tpu.memory_space<vmem>> -> memref<125x128xbf16, #tpu.memory_space<vmem>>
      %dma_wait3A_375 = arith.constant 0 : i32
      %dma_wait3A_376 = tpu.memref_slice %arg7[%sub3A_369, %dma_wait3A_375] : memref<80x125xi32, #tpu.memory_space<vmem>> -> memref<1x125xi32, #tpu.memory_space<vmem>>
      %dma_wait3A_377 = tpu.memref_squeeze %dma_wait3A_376 : memref<1x125xi32, #tpu.memory_space<vmem>> -> memref<125xi32, #tpu.memory_space<vmem>>
      %dma_wait3A_378 = arith.constant 0 : i32
      %dma_wait3A_379 = arith.constant 0 : i32
      %dma_wait3A_380 = tpu.memref_slice %arg10[%dma_wait3A_378, %dma_wait3A_379] : memref<10240x128xbf16, #tpu.memory_space<vmem_shared>> -> memref<10240x128xbf16, #tpu.memory_space<vmem_shared>>
      tpu.wait_indirect_dma semaphore(%arg12 : memref<!tpu.dma_semaphore, #tpu.memory_space<semaphore_mem>>) src(%dma_wait3A_374 : memref<125x128xbf16, #tpu.memory_space<vmem>>) dst(%dma_wait3A_380 : memref<10240x128xbf16, #tpu.memory_space<vmem_shared>>)
      %add3A_381 = arith.constant 4 : i32
      %add3A_382 = arith.addi %add3A_367, %add3A_381 : i32
      %sub3A_383 = arith.constant 1 : i32
      %sub3A_384 = arith.subi %add3A_382, %sub3A_383 : i32
      %dma_start3A_385 = arith.constant 2 : i32
      %dma_start3A_386 = arith.constant 2 : i32
      %dma_start3A_387 = arith.constant 0 : i32
      %dma_start3A_388 = arith.constant 0 : i32
      %dma_start3A_389 = tpu.memref_slice %arg8[%dma_start3A_385, %dma_start3A_387, %dma_start3A_388] : memref<4x125x128xbf16, #tpu.memory_space<vmem>> -> memref<1x125x128xbf16, #tpu.memory_space<vmem>>
      %dma_start3A_390 = tpu.memref_squeeze %dma_start3A_389 : memref<1x125x128xbf16, #tpu.memory_space<vmem>> -> memref<125x128xbf16, #tpu.memory_space<vmem>>
      %dma_start3A_391 = arith.constant 0 : i32
      %dma_start3A_392 = tpu.memref_slice %arg6[%sub3A_384, %dma_start3A_391] : memref<80x125xi32, #tpu.memory_space<vmem>> -> memref<1x125xi32, #tpu.memory_space<vmem>>
      %dma_start3A_393 = tpu.memref_squeeze %dma_start3A_392 : memref<1x125xi32, #tpu.memory_space<vmem>> -> memref<125xi32, #tpu.memory_space<vmem>>
      %dma_start3A_394 = arith.constant 0 : i32
      %dma_start3A_395 = arith.constant 0 : i32
      %dma_start3A_396 = tpu.memref_slice %arg2[%dma_start3A_394, %dma_start3A_395] : memref<10240x128xbf16, #tpu.memory_space<hbm>> -> memref<10240x128xbf16, #tpu.memory_space<hbm>>
      %dma_start3A_397 = tpu.memref_slice %arg11[%dma_start3A_386] : memref<4x!tpu.dma_semaphore, #tpu.memory_space<semaphore_mem>> -> memref<1x!tpu.dma_semaphore, #tpu.memory_space<semaphore_mem>>
      %dma_start3A_398 = tpu.memref_squeeze %dma_start3A_397 : memref<1x!tpu.dma_semaphore, #tpu.memory_space<semaphore_mem>> -> memref<!tpu.dma_semaphore, #tpu.memory_space<semaphore_mem>>
      tpu.enqueue_indirect_dma source(%dma_start3A_396 : memref<10240x128xbf16, #tpu.memory_space<hbm>>) target(%dma_start3A_390 : memref<125x128xbf16, #tpu.memory_space<vmem>>) offsets(%dma_start3A_393 : memref<125xi32, #tpu.memory_space<vmem>>) semaphore(%dma_start3A_398 : memref<!tpu.dma_semaphore, #tpu.memory_space<semaphore_mem>>)
      %dma_wait3A_399 = arith.constant 3 : i32
      %dma_wait3A_400 = arith.constant 3 : i32
      %dma_wait3A_401 = arith.constant 0 : i32
      %dma_wait3A_402 = arith.constant 0 : i32
      %dma_wait3A_403 = tpu.memref_slice %arg8[%dma_wait3A_399, %dma_wait3A_401, %dma_wait3A_402] : memref<4x125x128xbf16, #tpu.memory_space<vmem>> -> memref<1x125x128xbf16, #tpu.memory_space<vmem>>
      %dma_wait3A_404 = tpu.memref_squeeze %dma_wait3A_403 : memref<1x125x128xbf16, #tpu.memory_space<vmem>> -> memref<125x128xbf16, #tpu.memory_space<vmem>>
      %dma_wait3A_405 = arith.constant 0 : i32
      %dma_wait3A_406 = tpu.memref_slice %arg6[%add3A_367, %dma_wait3A_405] : memref<80x125xi32, #tpu.memory_space<vmem>> -> memref<1x125xi32, #tpu.memory_space<vmem>>
      %dma_wait3A_407 = tpu.memref_squeeze %dma_wait3A_406 : memref<1x125xi32, #tpu.memory_space<vmem>> -> memref<125xi32, #tpu.memory_space<vmem>>
      %dma_wait3A_408 = arith.constant 0 : i32
      %dma_wait3A_409 = arith.constant 0 : i32
      %dma_wait3A_410 = tpu.memref_slice %arg2[%dma_wait3A_408, %dma_wait3A_409] : memref<10240x128xbf16, #tpu.memory_space<hbm>> -> memref<10240x128xbf16, #tpu.memory_space<hbm>>
      %dma_wait3A_411 = tpu.memref_slice %arg11[%dma_wait3A_400] : memref<4x!tpu.dma_semaphore, #tpu.memory_space<semaphore_mem>> -> memref<1x!tpu.dma_semaphore, #tpu.memory_space<semaphore_mem>>
      %dma_wait3A_412 = tpu.memref_squeeze %dma_wait3A_411 : memref<1x!tpu.dma_semaphore, #tpu.memory_space<semaphore_mem>> -> memref<!tpu.dma_semaphore, #tpu.memory_space<semaphore_mem>>
      tpu.wait_indirect_dma semaphore(%dma_wait3A_412 : memref<!tpu.dma_semaphore, #tpu.memory_space<semaphore_mem>>) src(%dma_wait3A_410 : memref<10240x128xbf16, #tpu.memory_space<hbm>>) dst(%dma_wait3A_404 : memref<125x128xbf16, #tpu.memory_space<vmem>>)
      %dma_start3A_413 = arith.constant 3 : i32
      %dma_start3A_414 = arith.constant 0 : i32
      %dma_start3A_415 = arith.constant 0 : i32
      %dma_start3A_416 = tpu.memref_slice %arg8[%dma_start3A_413, %dma_start3A_414, %dma_start3A_415] : memref<4x125x128xbf16, #tpu.memory_space<vmem>> -> memref<1x125x128xbf16, #tpu.memory_space<vmem>>
      %dma_start3A_417 = tpu.memref_squeeze %dma_start3A_416 : memref<1x125x128xbf16, #tpu.memory_space<vmem>> -> memref<125x128xbf16, #tpu.memory_space<vmem>>
      %dma_start3A_418 = arith.constant 0 : i32
      %dma_start3A_419 = tpu.memref_slice %arg7[%add3A_367, %dma_start3A_418] : memref<80x125xi32, #tpu.memory_space<vmem>> -> memref<1x125xi32, #tpu.memory_space<vmem>>
      %dma_start3A_420 = tpu.memref_squeeze %dma_start3A_419 : memref<1x125xi32, #tpu.memory_space<vmem>> -> memref<125xi32, #tpu.memory_space<vmem>>
      %dma_start3A_421 = arith.constant 0 : i32
      %dma_start3A_422 = arith.constant 0 : i32
      %dma_start3A_423 = tpu.memref_slice %arg10[%dma_start3A_421, %dma_start3A_422] : memref<10240x128xbf16, #tpu.memory_space<vmem_shared>> -> memref<10240x128xbf16, #tpu.memory_space<vmem_shared>>
      tpu.enqueue_indirect_dma source(%dma_start3A_417 : memref<125x128xbf16, #tpu.memory_space<vmem>>) target(%dma_start3A_423 : memref<10240x128xbf16, #tpu.memory_space<vmem_shared>>) offsets(%dma_start3A_420 : memref<125xi32, #tpu.memory_space<vmem>>) semaphore(%arg12 : memref<!tpu.dma_semaphore, #tpu.memory_space<semaphore_mem>>) {add = true}
      %mul3A_424 = arith.constant 4 : i32
      %mul3A_425 = arith.muli %scan3A_238, %mul3A_424 : i32
      %add3A_426 = arith.constant 1 : i32
      %add3A_427 = arith.addi %add3A_426, %mul3A_425 : i32
      %add3A_428 = arith.constant 3 : i32
      %add3A_429 = arith.addi %add3A_427, %add3A_428 : i32
      %sub3A_430 = arith.constant 1 : i32
      %sub3A_431 = arith.subi %add3A_429, %sub3A_430 : i32
      %dma_wait3A_432 = arith.constant 3 : i32
      %dma_wait3A_433 = arith.constant 0 : i32
      %dma_wait3A_434 = arith.constant 0 : i32
      %dma_wait3A_435 = tpu.memref_slice %arg8[%dma_wait3A_432, %dma_wait3A_433, %dma_wait3A_434] : memref<4x125x128xbf16, #tpu.memory_space<vmem>> -> memref<1x125x128xbf16, #tpu.memory_space<vmem>>
      %dma_wait3A_436 = tpu.memref_squeeze %dma_wait3A_435 : memref<1x125x128xbf16, #tpu.memory_space<vmem>> -> memref<125x128xbf16, #tpu.memory_space<vmem>>
      %dma_wait3A_437 = arith.constant 0 : i32
      %dma_wait3A_438 = tpu.memref_slice %arg7[%sub3A_431, %dma_wait3A_437] : memref<80x125xi32, #tpu.memory_space<vmem>> -> memref<1x125xi32, #tpu.memory_space<vmem>>
      %dma_wait3A_439 = tpu.memref_squeeze %dma_wait3A_438 : memref<1x125xi32, #tpu.memory_space<vmem>> -> memref<125xi32, #tpu.memory_space<vmem>>
      %dma_wait3A_440 = arith.constant 0 : i32
      %dma_wait3A_441 = arith.constant 0 : i32
      %dma_wait3A_442 = tpu.memref_slice %arg10[%dma_wait3A_440, %dma_wait3A_441] : memref<10240x128xbf16, #tpu.memory_space<vmem_shared>> -> memref<10240x128xbf16, #tpu.memory_space<vmem_shared>>
      tpu.wait_indirect_dma semaphore(%arg12 : memref<!tpu.dma_semaphore, #tpu.memory_space<semaphore_mem>>) src(%dma_wait3A_436 : memref<125x128xbf16, #tpu.memory_space<vmem>>) dst(%dma_wait3A_442 : memref<10240x128xbf16, #tpu.memory_space<vmem_shared>>)
      %add3A_443 = arith.constant 4 : i32
      %add3A_444 = arith.addi %add3A_429, %add3A_443 : i32
      %sub3A_445 = arith.constant 1 : i32
      %sub3A_446 = arith.subi %add3A_444, %sub3A_445 : i32
      %dma_start3A_447 = arith.constant 3 : i32
      %dma_start3A_448 = arith.constant 3 : i32
      %dma_start3A_449 = arith.constant 0 : i32
      %dma_start3A_450 = arith.constant 0 : i32
      %dma_start3A_451 = tpu.memref_slice %arg8[%dma_start3A_447, %dma_start3A_449, %dma_start3A_450] : memref<4x125x128xbf16, #tpu.memory_space<vmem>> -> memref<1x125x128xbf16, #tpu.memory_space<vmem>>
      %dma_start3A_452 = tpu.memref_squeeze %dma_start3A_451 : memref<1x125x128xbf16, #tpu.memory_space<vmem>> -> memref<125x128xbf16, #tpu.memory_space<vmem>>
      %dma_start3A_453 = arith.constant 0 : i32
      %dma_start3A_454 = tpu.memref_slice %arg6[%sub3A_446, %dma_start3A_453] : memref<80x125xi32, #tpu.memory_space<vmem>> -> memref<1x125xi32, #tpu.memory_space<vmem>>
      %dma_start3A_455 = tpu.memref_squeeze %dma_start3A_454 : memref<1x125xi32, #tpu.memory_space<vmem>> -> memref<125xi32, #tpu.memory_space<vmem>>
      %dma_start3A_456 = arith.constant 0 : i32
      %dma_start3A_457 = arith.constant 0 : i32
      %dma_start3A_458 = tpu.memref_slice %arg2[%dma_start3A_456, %dma_start3A_457] : memref<10240x128xbf16, #tpu.memory_space<hbm>> -> memref<10240x128xbf16, #tpu.memory_space<hbm>>
      %dma_start3A_459 = tpu.memref_slice %arg11[%dma_start3A_448] : memref<4x!tpu.dma_semaphore, #tpu.memory_space<semaphore_mem>> -> memref<1x!tpu.dma_semaphore, #tpu.memory_space<semaphore_mem>>
      %dma_start3A_460 = tpu.memref_squeeze %dma_start3A_459 : memref<1x!tpu.dma_semaphore, #tpu.memory_space<semaphore_mem>> -> memref<!tpu.dma_semaphore, #tpu.memory_space<semaphore_mem>>
      tpu.enqueue_indirect_dma source(%dma_start3A_458 : memref<10240x128xbf16, #tpu.memory_space<hbm>>) target(%dma_start3A_452 : memref<125x128xbf16, #tpu.memory_space<vmem>>) offsets(%dma_start3A_455 : memref<125xi32, #tpu.memory_space<vmem>>) semaphore(%dma_start3A_460 : memref<!tpu.dma_semaphore, #tpu.memory_space<semaphore_mem>>)
      %dma_wait3A_461 = arith.constant 0 : i32
      %dma_wait3A_462 = arith.constant 0 : i32
      %dma_wait3A_463 = arith.constant 0 : i32
      %dma_wait3A_464 = arith.constant 0 : i32
      %dma_wait3A_465 = tpu.memref_slice %arg8[%dma_wait3A_461, %dma_wait3A_463, %dma_wait3A_464] : memref<4x125x128xbf16, #tpu.memory_space<vmem>> -> memref<1x125x128xbf16, #tpu.memory_space<vmem>>
      %dma_wait3A_466 = tpu.memref_squeeze %dma_wait3A_465 : memref<1x125x128xbf16, #tpu.memory_space<vmem>> -> memref<125x128xbf16, #tpu.memory_space<vmem>>
      %dma_wait3A_467 = arith.constant 0 : i32
      %dma_wait3A_468 = tpu.memref_slice %arg6[%add3A_429, %dma_wait3A_467] : memref<80x125xi32, #tpu.memory_space<vmem>> -> memref<1x125xi32, #tpu.memory_space<vmem>>
      %dma_wait3A_469 = tpu.memref_squeeze %dma_wait3A_468 : memref<1x125xi32, #tpu.memory_space<vmem>> -> memref<125xi32, #tpu.memory_space<vmem>>
      %dma_wait3A_470 = arith.constant 0 : i32
      %dma_wait3A_471 = arith.constant 0 : i32
      %dma_wait3A_472 = tpu.memref_slice %arg2[%dma_wait3A_470, %dma_wait3A_471] : memref<10240x128xbf16, #tpu.memory_space<hbm>> -> memref<10240x128xbf16, #tpu.memory_space<hbm>>
      %dma_wait3A_473 = tpu.memref_slice %arg11[%dma_wait3A_462] : memref<4x!tpu.dma_semaphore, #tpu.memory_space<semaphore_mem>> -> memref<1x!tpu.dma_semaphore, #tpu.memory_space<semaphore_mem>>
      %dma_wait3A_474 = tpu.memref_squeeze %dma_wait3A_473 : memref<1x!tpu.dma_semaphore, #tpu.memory_space<semaphore_mem>> -> memref<!tpu.dma_semaphore, #tpu.memory_space<semaphore_mem>>
      tpu.wait_indirect_dma semaphore(%dma_wait3A_474 : memref<!tpu.dma_semaphore, #tpu.memory_space<semaphore_mem>>) src(%dma_wait3A_472 : memref<10240x128xbf16, #tpu.memory_space<hbm>>) dst(%dma_wait3A_466 : memref<125x128xbf16, #tpu.memory_space<vmem>>)
      %dma_start3A_475 = arith.constant 0 : i32
      %dma_start3A_476 = arith.constant 0 : i32
      %dma_start3A_477 = arith.constant 0 : i32
      %dma_start3A_478 = tpu.memref_slice %arg8[%dma_start3A_475, %dma_start3A_476, %dma_start3A_477] : memref<4x125x128xbf16, #tpu.memory_space<vmem>> -> memref<1x125x128xbf16, #tpu.memory_space<vmem>>
      %dma_start3A_479 = tpu.memref_squeeze %dma_start3A_478 : memref<1x125x128xbf16, #tpu.memory_space<vmem>> -> memref<125x128xbf16, #tpu.memory_space<vmem>>
      %dma_start3A_480 = arith.constant 0 : i32
      %dma_start3A_481 = tpu.memref_slice %arg7[%add3A_429, %dma_start3A_480] : memref<80x125xi32, #tpu.memory_space<vmem>> -> memref<1x125xi32, #tpu.memory_space<vmem>>
      %dma_start3A_482 = tpu.memref_squeeze %dma_start3A_481 : memref<1x125xi32, #tpu.memory_space<vmem>> -> memref<125xi32, #tpu.memory_space<vmem>>
      %dma_start3A_483 = arith.constant 0 : i32
      %dma_start3A_484 = arith.constant 0 : i32
      %dma_start3A_485 = tpu.memref_slice %arg10[%dma_start3A_483, %dma_start3A_484] : memref<10240x128xbf16, #tpu.memory_space<vmem_shared>> -> memref<10240x128xbf16, #tpu.memory_space<vmem_shared>>
      tpu.enqueue_indirect_dma source(%dma_start3A_479 : memref<125x128xbf16, #tpu.memory_space<vmem>>) target(%dma_start3A_485 : memref<10240x128xbf16, #tpu.memory_space<vmem_shared>>) offsets(%dma_start3A_482 : memref<125xi32, #tpu.memory_space<vmem>>) semaphore(%arg12 : memref<!tpu.dma_semaphore, #tpu.memory_space<semaphore_mem>>) {add = true}
    }
    %scan3A_103 = arith.constant 19 : i32
    %dma_wait3A_104 = arith.constant 0 : i32
    %dma_wait3A_105 = arith.constant 76 : i32
    %dma_wait3A_106 = arith.constant 0 : i32
    %dma_wait3A_107 = arith.constant 0 : i32
    %dma_wait3A_108 = tpu.memref_slice %arg8[%dma_wait3A_104, %dma_wait3A_106, %dma_wait3A_107] : memref<4x125x128xbf16, #tpu.memory_space<vmem>> -> memref<1x125x128xbf16, #tpu.memory_space<vmem>>
    %dma_wait3A_109 = tpu.memref_squeeze %dma_wait3A_108 : memref<1x125x128xbf16, #tpu.memory_space<vmem>> -> memref<125x128xbf16, #tpu.memory_space<vmem>>
    %dma_wait3A_110 = arith.constant 0 : i32
    %dma_wait3A_111 = tpu.memref_slice %arg7[%dma_wait3A_105, %dma_wait3A_110] : memref<80x125xi32, #tpu.memory_space<vmem>> -> memref<1x125xi32, #tpu.memory_space<vmem>>
    %dma_wait3A_112 = tpu.memref_squeeze %dma_wait3A_111 : memref<1x125xi32, #tpu.memory_space<vmem>> -> memref<125xi32, #tpu.memory_space<vmem>>
    %dma_wait3A_113 = arith.constant 0 : i32
    %dma_wait3A_114 = arith.constant 0 : i32
    %dma_wait3A_115 = tpu.memref_slice %arg10[%dma_wait3A_113, %dma_wait3A_114] : memref<10240x128xbf16, #tpu.memory_space<vmem_shared>> -> memref<10240x128xbf16, #tpu.memory_space<vmem_shared>>
    tpu.wait_indirect_dma semaphore(%arg12 : memref<!tpu.dma_semaphore, #tpu.memory_space<semaphore_mem>>) src(%dma_wait3A_109 : memref<125x128xbf16, #tpu.memory_space<vmem>>) dst(%dma_wait3A_115 : memref<10240x128xbf16, #tpu.memory_space<vmem_shared>>)
    %dma_wait3A_116 = arith.constant 77 : i32
    %dma_wait3A_117 = arith.constant 1 : i32
    %dma_wait3A_118 = arith.constant 1 : i32
    %dma_wait3A_119 = arith.constant 0 : i32
    %dma_wait3A_120 = arith.constant 0 : i32
    %dma_wait3A_121 = tpu.memref_slice %arg8[%dma_wait3A_117, %dma_wait3A_119, %dma_wait3A_120] : memref<4x125x128xbf16, #tpu.memory_space<vmem>> -> memref<1x125x128xbf16, #tpu.memory_space<vmem>>
    %dma_wait3A_122 = tpu.memref_squeeze %dma_wait3A_121 : memref<1x125x128xbf16, #tpu.memory_space<vmem>> -> memref<125x128xbf16, #tpu.memory_space<vmem>>
    %dma_wait3A_123 = arith.constant 0 : i32
    %dma_wait3A_124 = tpu.memref_slice %arg6[%dma_wait3A_116, %dma_wait3A_123] : memref<80x125xi32, #tpu.memory_space<vmem>> -> memref<1x125xi32, #tpu.memory_space<vmem>>
    %dma_wait3A_125 = tpu.memref_squeeze %dma_wait3A_124 : memref<1x125xi32, #tpu.memory_space<vmem>> -> memref<125xi32, #tpu.memory_space<vmem>>
    %dma_wait3A_126 = arith.constant 0 : i32
    %dma_wait3A_127 = arith.constant 0 : i32
    %dma_wait3A_128 = tpu.memref_slice %arg2[%dma_wait3A_126, %dma_wait3A_127] : memref<10240x128xbf16, #tpu.memory_space<hbm>> -> memref<10240x128xbf16, #tpu.memory_space<hbm>>
    %dma_wait3A_129 = tpu.memref_slice %arg11[%dma_wait3A_118] : memref<4x!tpu.dma_semaphore, #tpu.memory_space<semaphore_mem>> -> memref<1x!tpu.dma_semaphore, #tpu.memory_space<semaphore_mem>>
    %dma_wait3A_130 = tpu.memref_squeeze %dma_wait3A_129 : memref<1x!tpu.dma_semaphore, #tpu.memory_space<semaphore_mem>> -> memref<!tpu.dma_semaphore, #tpu.memory_space<semaphore_mem>>
    tpu.wait_indirect_dma semaphore(%dma_wait3A_130 : memref<!tpu.dma_semaphore, #tpu.memory_space<semaphore_mem>>) src(%dma_wait3A_128 : memref<10240x128xbf16, #tpu.memory_space<hbm>>) dst(%dma_wait3A_122 : memref<125x128xbf16, #tpu.memory_space<vmem>>)
    %dma_start3A_131 = arith.constant 1 : i32
    %dma_start3A_132 = arith.constant 77 : i32
    %dma_start3A_133 = arith.constant 0 : i32
    %dma_start3A_134 = arith.constant 0 : i32
    %dma_start3A_135 = tpu.memref_slice %arg8[%dma_start3A_131, %dma_start3A_133, %dma_start3A_134] : memref<4x125x128xbf16, #tpu.memory_space<vmem>> -> memref<1x125x128xbf16, #tpu.memory_space<vmem>>
    %dma_start3A_136 = tpu.memref_squeeze %dma_start3A_135 : memref<1x125x128xbf16, #tpu.memory_space<vmem>> -> memref<125x128xbf16, #tpu.memory_space<vmem>>
    %dma_start3A_137 = arith.constant 0 : i32
    %dma_start3A_138 = tpu.memref_slice %arg7[%dma_start3A_132, %dma_start3A_137] : memref<80x125xi32, #tpu.memory_space<vmem>> -> memref<1x125xi32, #tpu.memory_space<vmem>>
    %dma_start3A_139 = tpu.memref_squeeze %dma_start3A_138 : memref<1x125xi32, #tpu.memory_space<vmem>> -> memref<125xi32, #tpu.memory_space<vmem>>
    %dma_start3A_140 = arith.constant 0 : i32
    %dma_start3A_141 = arith.constant 0 : i32
    %dma_start3A_142 = tpu.memref_slice %arg10[%dma_start3A_140, %dma_start3A_141] : memref<10240x128xbf16, #tpu.memory_space<vmem_shared>> -> memref<10240x128xbf16, #tpu.memory_space<vmem_shared>>
    tpu.enqueue_indirect_dma source(%dma_start3A_136 : memref<125x128xbf16, #tpu.memory_space<vmem>>) target(%dma_start3A_142 : memref<10240x128xbf16, #tpu.memory_space<vmem_shared>>) offsets(%dma_start3A_139 : memref<125xi32, #tpu.memory_space<vmem>>) semaphore(%arg12 : memref<!tpu.dma_semaphore, #tpu.memory_space<semaphore_mem>>) {add = true}
    %dma_wait3A_143 = arith.constant 1 : i32
    %dma_wait3A_144 = arith.constant 77 : i32
    %dma_wait3A_145 = arith.constant 0 : i32
    %dma_wait3A_146 = arith.constant 0 : i32
    %dma_wait3A_147 = tpu.memref_slice %arg8[%dma_wait3A_143, %dma_wait3A_145, %dma_wait3A_146] : memref<4x125x128xbf16, #tpu.memory_space<vmem>> -> memref<1x125x128xbf16, #tpu.memory_space<vmem>>
    %dma_wait3A_148 = tpu.memref_squeeze %dma_wait3A_147 : memref<1x125x128xbf16, #tpu.memory_space<vmem>> -> memref<125x128xbf16, #tpu.memory_space<vmem>>
    %dma_wait3A_149 = arith.constant 0 : i32
    %dma_wait3A_150 = tpu.memref_slice %arg7[%dma_wait3A_144, %dma_wait3A_149] : memref<80x125xi32, #tpu.memory_space<vmem>> -> memref<1x125xi32, #tpu.memory_space<vmem>>
    %dma_wait3A_151 = tpu.memref_squeeze %dma_wait3A_150 : memref<1x125xi32, #tpu.memory_space<vmem>> -> memref<125xi32, #tpu.memory_space<vmem>>
    %dma_wait3A_152 = arith.constant 0 : i32
    %dma_wait3A_153 = arith.constant 0 : i32
    %dma_wait3A_154 = tpu.memref_slice %arg10[%dma_wait3A_152, %dma_wait3A_153] : memref<10240x128xbf16, #tpu.memory_space<vmem_shared>> -> memref<10240x128xbf16, #tpu.memory_space<vmem_shared>>
    tpu.wait_indirect_dma semaphore(%arg12 : memref<!tpu.dma_semaphore, #tpu.memory_space<semaphore_mem>>) src(%dma_wait3A_148 : memref<125x128xbf16, #tpu.memory_space<vmem>>) dst(%dma_wait3A_154 : memref<10240x128xbf16, #tpu.memory_space<vmem_shared>>)
    %dma_wait3A_155 = arith.constant 78 : i32
    %dma_wait3A_156 = arith.constant 2 : i32
    %dma_wait3A_157 = arith.constant 2 : i32
    %dma_wait3A_158 = arith.constant 0 : i32
    %dma_wait3A_159 = arith.constant 0 : i32
    %dma_wait3A_160 = tpu.memref_slice %arg8[%dma_wait3A_156, %dma_wait3A_158, %dma_wait3A_159] : memref<4x125x128xbf16, #tpu.memory_space<vmem>> -> memref<1x125x128xbf16, #tpu.memory_space<vmem>>
    %dma_wait3A_161 = tpu.memref_squeeze %dma_wait3A_160 : memref<1x125x128xbf16, #tpu.memory_space<vmem>> -> memref<125x128xbf16, #tpu.memory_space<vmem>>
    %dma_wait3A_162 = arith.constant 0 : i32
    %dma_wait3A_163 = tpu.memref_slice %arg6[%dma_wait3A_155, %dma_wait3A_162] : memref<80x125xi32, #tpu.memory_space<vmem>> -> memref<1x125xi32, #tpu.memory_space<vmem>>
    %dma_wait3A_164 = tpu.memref_squeeze %dma_wait3A_163 : memref<1x125xi32, #tpu.memory_space<vmem>> -> memref<125xi32, #tpu.memory_space<vmem>>
    %dma_wait3A_165 = arith.constant 0 : i32
    %dma_wait3A_166 = arith.constant 0 : i32
    %dma_wait3A_167 = tpu.memref_slice %arg2[%dma_wait3A_165, %dma_wait3A_166] : memref<10240x128xbf16, #tpu.memory_space<hbm>> -> memref<10240x128xbf16, #tpu.memory_space<hbm>>
    %dma_wait3A_168 = tpu.memref_slice %arg11[%dma_wait3A_157] : memref<4x!tpu.dma_semaphore, #tpu.memory_space<semaphore_mem>> -> memref<1x!tpu.dma_semaphore, #tpu.memory_space<semaphore_mem>>
    %dma_wait3A_169 = tpu.memref_squeeze %dma_wait3A_168 : memref<1x!tpu.dma_semaphore, #tpu.memory_space<semaphore_mem>> -> memref<!tpu.dma_semaphore, #tpu.memory_space<semaphore_mem>>
    tpu.wait_indirect_dma semaphore(%dma_wait3A_169 : memref<!tpu.dma_semaphore, #tpu.memory_space<semaphore_mem>>) src(%dma_wait3A_167 : memref<10240x128xbf16, #tpu.memory_space<hbm>>) dst(%dma_wait3A_161 : memref<125x128xbf16, #tpu.memory_space<vmem>>)
    %dma_start3A_170 = arith.constant 2 : i32
    %dma_start3A_171 = arith.constant 78 : i32
    %dma_start3A_172 = arith.constant 0 : i32
    %dma_start3A_173 = arith.constant 0 : i32
    %dma_start3A_174 = tpu.memref_slice %arg8[%dma_start3A_170, %dma_start3A_172, %dma_start3A_173] : memref<4x125x128xbf16, #tpu.memory_space<vmem>> -> memref<1x125x128xbf16, #tpu.memory_space<vmem>>
    %dma_start3A_175 = tpu.memref_squeeze %dma_start3A_174 : memref<1x125x128xbf16, #tpu.memory_space<vmem>> -> memref<125x128xbf16, #tpu.memory_space<vmem>>
    %dma_start3A_176 = arith.constant 0 : i32
    %dma_start3A_177 = tpu.memref_slice %arg7[%dma_start3A_171, %dma_start3A_176] : memref<80x125xi32, #tpu.memory_space<vmem>> -> memref<1x125xi32, #tpu.memory_space<vmem>>
    %dma_start3A_178 = tpu.memref_squeeze %dma_start3A_177 : memref<1x125xi32, #tpu.memory_space<vmem>> -> memref<125xi32, #tpu.memory_space<vmem>>
    %dma_start3A_179 = arith.constant 0 : i32
    %dma_start3A_180 = arith.constant 0 : i32
    %dma_start3A_181 = tpu.memref_slice %arg10[%dma_start3A_179, %dma_start3A_180] : memref<10240x128xbf16, #tpu.memory_space<vmem_shared>> -> memref<10240x128xbf16, #tpu.memory_space<vmem_shared>>
    tpu.enqueue_indirect_dma source(%dma_start3A_175 : memref<125x128xbf16, #tpu.memory_space<vmem>>) target(%dma_start3A_181 : memref<10240x128xbf16, #tpu.memory_space<vmem_shared>>) offsets(%dma_start3A_178 : memref<125xi32, #tpu.memory_space<vmem>>) semaphore(%arg12 : memref<!tpu.dma_semaphore, #tpu.memory_space<semaphore_mem>>) {add = true}
    %dma_wait3A_182 = arith.constant 2 : i32
    %dma_wait3A_183 = arith.constant 78 : i32
    %dma_wait3A_184 = arith.constant 0 : i32
    %dma_wait3A_185 = arith.constant 0 : i32
    %dma_wait3A_186 = tpu.memref_slice %arg8[%dma_wait3A_182, %dma_wait3A_184, %dma_wait3A_185] : memref<4x125x128xbf16, #tpu.memory_space<vmem>> -> memref<1x125x128xbf16, #tpu.memory_space<vmem>>
    %dma_wait3A_187 = tpu.memref_squeeze %dma_wait3A_186 : memref<1x125x128xbf16, #tpu.memory_space<vmem>> -> memref<125x128xbf16, #tpu.memory_space<vmem>>
    %dma_wait3A_188 = arith.constant 0 : i32
    %dma_wait3A_189 = tpu.memref_slice %arg7[%dma_wait3A_183, %dma_wait3A_188] : memref<80x125xi32, #tpu.memory_space<vmem>> -> memref<1x125xi32, #tpu.memory_space<vmem>>
    %dma_wait3A_190 = tpu.memref_squeeze %dma_wait3A_189 : memref<1x125xi32, #tpu.memory_space<vmem>> -> memref<125xi32, #tpu.memory_space<vmem>>
    %dma_wait3A_191 = arith.constant 0 : i32
    %dma_wait3A_192 = arith.constant 0 : i32
    %dma_wait3A_193 = tpu.memref_slice %arg10[%dma_wait3A_191, %dma_wait3A_192] : memref<10240x128xbf16, #tpu.memory_space<vmem_shared>> -> memref<10240x128xbf16, #tpu.memory_space<vmem_shared>>
    tpu.wait_indirect_dma semaphore(%arg12 : memref<!tpu.dma_semaphore, #tpu.memory_space<semaphore_mem>>) src(%dma_wait3A_187 : memref<125x128xbf16, #tpu.memory_space<vmem>>) dst(%dma_wait3A_193 : memref<10240x128xbf16, #tpu.memory_space<vmem_shared>>)
    %dma_wait3A_194 = arith.constant 79 : i32
    %dma_wait3A_195 = arith.constant 3 : i32
    %dma_wait3A_196 = arith.constant 3 : i32
    %dma_wait3A_197 = arith.constant 0 : i32
    %dma_wait3A_198 = arith.constant 0 : i32
    %dma_wait3A_199 = tpu.memref_slice %arg8[%dma_wait3A_195, %dma_wait3A_197, %dma_wait3A_198] : memref<4x125x128xbf16, #tpu.memory_space<vmem>> -> memref<1x125x128xbf16, #tpu.memory_space<vmem>>
    %dma_wait3A_200 = tpu.memref_squeeze %dma_wait3A_199 : memref<1x125x128xbf16, #tpu.memory_space<vmem>> -> memref<125x128xbf16, #tpu.memory_space<vmem>>
    %dma_wait3A_201 = arith.constant 0 : i32
    %dma_wait3A_202 = tpu.memref_slice %arg6[%dma_wait3A_194, %dma_wait3A_201] : memref<80x125xi32, #tpu.memory_space<vmem>> -> memref<1x125xi32, #tpu.memory_space<vmem>>
    %dma_wait3A_203 = tpu.memref_squeeze %dma_wait3A_202 : memref<1x125xi32, #tpu.memory_space<vmem>> -> memref<125xi32, #tpu.memory_space<vmem>>
    %dma_wait3A_204 = arith.constant 0 : i32
    %dma_wait3A_205 = arith.constant 0 : i32
    %dma_wait3A_206 = tpu.memref_slice %arg2[%dma_wait3A_204, %dma_wait3A_205] : memref<10240x128xbf16, #tpu.memory_space<hbm>> -> memref<10240x128xbf16, #tpu.memory_space<hbm>>
    %dma_wait3A_207 = tpu.memref_slice %arg11[%dma_wait3A_196] : memref<4x!tpu.dma_semaphore, #tpu.memory_space<semaphore_mem>> -> memref<1x!tpu.dma_semaphore, #tpu.memory_space<semaphore_mem>>
    %dma_wait3A_208 = tpu.memref_squeeze %dma_wait3A_207 : memref<1x!tpu.dma_semaphore, #tpu.memory_space<semaphore_mem>> -> memref<!tpu.dma_semaphore, #tpu.memory_space<semaphore_mem>>
    tpu.wait_indirect_dma semaphore(%dma_wait3A_208 : memref<!tpu.dma_semaphore, #tpu.memory_space<semaphore_mem>>) src(%dma_wait3A_206 : memref<10240x128xbf16, #tpu.memory_space<hbm>>) dst(%dma_wait3A_200 : memref<125x128xbf16, #tpu.memory_space<vmem>>)
    %dma_start3A_209 = arith.constant 3 : i32
    %dma_start3A_210 = arith.constant 79 : i32
    %dma_start3A_211 = arith.constant 0 : i32
    %dma_start3A_212 = arith.constant 0 : i32
    %dma_start3A_213 = tpu.memref_slice %arg8[%dma_start3A_209, %dma_start3A_211, %dma_start3A_212] : memref<4x125x128xbf16, #tpu.memory_space<vmem>> -> memref<1x125x128xbf16, #tpu.memory_space<vmem>>
    %dma_start3A_214 = tpu.memref_squeeze %dma_start3A_213 : memref<1x125x128xbf16, #tpu.memory_space<vmem>> -> memref<125x128xbf16, #tpu.memory_space<vmem>>
    %dma_start3A_215 = arith.constant 0 : i32
    %dma_start3A_216 = tpu.memref_slice %arg7[%dma_start3A_210, %dma_start3A_215] : memref<80x125xi32, #tpu.memory_space<vmem>> -> memref<1x125xi32, #tpu.memory_space<vmem>>
    %dma_start3A_217 = tpu.memref_squeeze %dma_start3A_216 : memref<1x125xi32, #tpu.memory_space<vmem>> -> memref<125xi32, #tpu.memory_space<vmem>>
    %dma_start3A_218 = arith.constant 0 : i32
    %dma_start3A_219 = arith.constant 0 : i32
    %dma_start3A_220 = tpu.memref_slice %arg10[%dma_start3A_218, %dma_start3A_219] : memref<10240x128xbf16, #tpu.memory_space<vmem_shared>> -> memref<10240x128xbf16, #tpu.memory_space<vmem_shared>>
    tpu.enqueue_indirect_dma source(%dma_start3A_214 : memref<125x128xbf16, #tpu.memory_space<vmem>>) target(%dma_start3A_220 : memref<10240x128xbf16, #tpu.memory_space<vmem_shared>>) offsets(%dma_start3A_217 : memref<125xi32, #tpu.memory_space<vmem>>) semaphore(%arg12 : memref<!tpu.dma_semaphore, #tpu.memory_space<semaphore_mem>>) {add = true}
    %dma_wait3A_221 = arith.constant 3 : i32
    %dma_wait3A_222 = arith.constant 79 : i32
    %dma_wait3A_223 = arith.constant 0 : i32
    %dma_wait3A_224 = arith.constant 0 : i32
    %dma_wait3A_225 = tpu.memref_slice %arg8[%dma_wait3A_221, %dma_wait3A_223, %dma_wait3A_224] : memref<4x125x128xbf16, #tpu.memory_space<vmem>> -> memref<1x125x128xbf16, #tpu.memory_space<vmem>>
    %dma_wait3A_226 = tpu.memref_squeeze %dma_wait3A_225 : memref<1x125x128xbf16, #tpu.memory_space<vmem>> -> memref<125x128xbf16, #tpu.memory_space<vmem>>
    %dma_wait3A_227 = arith.constant 0 : i32
    %dma_wait3A_228 = tpu.memref_slice %arg7[%dma_wait3A_222, %dma_wait3A_227] : memref<80x125xi32, #tpu.memory_space<vmem>> -> memref<1x125xi32, #tpu.memory_space<vmem>>
    %dma_wait3A_229 = tpu.memref_squeeze %dma_wait3A_228 : memref<1x125xi32, #tpu.memory_space<vmem>> -> memref<125xi32, #tpu.memory_space<vmem>>
    %dma_wait3A_230 = arith.constant 0 : i32
    %dma_wait3A_231 = arith.constant 0 : i32
    %dma_wait3A_232 = tpu.memref_slice %arg10[%dma_wait3A_230, %dma_wait3A_231] : memref<10240x128xbf16, #tpu.memory_space<vmem_shared>> -> memref<10240x128xbf16, #tpu.memory_space<vmem_shared>>
    tpu.wait_indirect_dma semaphore(%arg12 : memref<!tpu.dma_semaphore, #tpu.memory_space<semaphore_mem>>) src(%dma_wait3A_226 : memref<125x128xbf16, #tpu.memory_space<vmem>>) dst(%dma_wait3A_232 : memref<10240x128xbf16, #tpu.memory_space<vmem_shared>>)
    %barrier3A_233 = arith.constant 0 : index
    tpu.barrier barrier_id(%barrier3A_233)
    %mul3A_234 = arith.constant 640 : i32
    %mul3A_235 = arith.muli %arg1, %mul3A_234 : i32
    %mul3A_236 = arith.constant 640 : i32
    %mul3A_237 = arith.muli %arg1, %mul3A_236 : i32
    "tpu.region"() ({
      %run_scoped3A = tpu.sem_alloc : memref<!tpu.dma_semaphore, #tpu.memory_space<semaphore_mem>>
      %dma_start3A_238 = arith.constant 0 : i32
      %dma_start3A_239 = tpu.memref_slice %arg5[%arg0, %mul3A_237, %dma_start3A_238] : memref<2x10240x128xbf16, #tpu.memory_space<hbm>> -> memref<1x640x128xbf16, #tpu.memory_space<hbm>>
      %dma_start3A_240 = tpu.memref_squeeze %dma_start3A_239 : memref<1x640x128xbf16, #tpu.memory_space<hbm>> -> memref<640x128xbf16, #tpu.memory_space<hbm>>
      %dma_start3A_241 = arith.constant 0 : i32
      %dma_start3A_242 = tpu.memref_slice %arg10[%mul3A_235, %dma_start3A_241] : memref<10240x128xbf16, #tpu.memory_space<vmem_shared>> -> memref<640x128xbf16, #tpu.memory_space<vmem_shared>>
      tpu.enqueue_dma source(%dma_start3A_242 : memref<640x128xbf16, #tpu.memory_space<vmem_shared>>) target(%dma_start3A_240 : memref<640x128xbf16, #tpu.memory_space<hbm>>) target_semaphore(%run_scoped3A : memref<!tpu.dma_semaphore, #tpu.memory_space<semaphore_mem>>)
      %dma_wait3A_243 = arith.constant 0 : i32
      %dma_wait3A_244 = tpu.memref_slice %arg5[%arg0, %mul3A_237, %dma_wait3A_243] : memref<2x10240x128xbf16, #tpu.memory_space<hbm>> -> memref<1x640x128xbf16, #tpu.memory_space<hbm>>
      %dma_wait3A_245 = tpu.memref_squeeze %dma_wait3A_244 : memref<1x640x128xbf16, #tpu.memory_space<hbm>> -> memref<640x128xbf16, #tpu.memory_space<hbm>>
      %dma_wait3A_246 = arith.constant 0 : i32
      %dma_wait3A_247 = tpu.memref_slice %arg10[%mul3A_235, %dma_wait3A_246] : memref<10240x128xbf16, #tpu.memory_space<vmem_shared>> -> memref<640x128xbf16, #tpu.memory_space<vmem_shared>>
      tpu.wait_dma2 semaphore(%run_scoped3A : memref<!tpu.dma_semaphore, #tpu.memory_space<semaphore_mem>>) src(%dma_wait3A_247 : memref<640x128xbf16, #tpu.memory_space<vmem_shared>>) dst(%dma_wait3A_245 : memref<640x128xbf16, #tpu.memory_space<hbm>>)
      tpu.yield
    }) : () -> ()
    return
  }
}

module attributes {stable_mosaic.version = 14 : i64} {
  func.func @_tc1_body(%arg0: i32, %arg1: memref<32x2048xf32, #tpu.memory_space<vmem>>, %arg2: memref<2048x128xf32, #tpu.memory_space<vmem>>, %arg3: memref<2048x128xbf16, #tpu.memory_space<vmem>>, %arg4: memref<2048x1xf32, #tpu.memory_space<vmem>>) attributes {dimension_semantics = [#tpu.dimension_semantics<arbitrary>], iteration_bounds = array<i64: 5>, scalar_prefetch = 0 : i64, scratch_operands = 0 : i64, tpu.core_type = #tpu.core_type<tc>, window_params = [{transform_indices = @transform_0, window_bounds = array<i64: 32, 2048>}, {transform_indices = @transform_1, window_bounds = array<i64: 2048, 128>}, {transform_indices = @transform_2, window_bounds = array<i64: 2048, 128>}, {transform_indices = @transform_3, window_bounds = array<i64: 2048, 1>}]} {
    %get3A = arith.constant 0 : index
    %get3A_0 = arith.constant 0 : index
    %get3A_1 = vector.load %arg1[%get3A, %get3A_0] : memref<32x2048xf32, #tpu.memory_space<vmem>>, vector<32x2048xf32>
    %broadcast_in_dim3A = arith.constant 1.000000e+00 : f32
    %broadcast_in_dim3A_2 = vector.broadcast %broadcast_in_dim3A : f32 to vector<32x1xf32>
    %dot_general3A = arith.constant dense<0.000000e+00> : vector<2048x1xf32>
    %dot_general3A_3 = tpu.matmul %get3A_1, %broadcast_in_dim3A_2, %dot_general3A {dimension_numbers = #tpu.dot_dimension_numbers<[0], [0], [1], [1], [0, 1, 1, 1], [], []>, transpose_lhs_hint = false} : vector<32x2048xf32>, vector<32x1xf32>, vector<2048x1xf32> -> vector<2048x1xf32>
    %add3A = arith.constant 1.000000e+00 : f32
    %add3A_4 = vector.broadcast %add3A : f32 to vector<2048x1xf32>
    %add3A_5 = arith.addf %dot_general3A_3, %add3A_4 : vector<2048x1xf32>
    %rsqrt3A = math.rsqrt %add3A_5 : vector<2048x1xf32>
    %swap3A = arith.constant 0 : index
    %swap3A_6 = arith.constant 0 : index
    %swap3A_7 = vector.load %arg4[%swap3A, %swap3A_6] : memref<2048x1xf32, #tpu.memory_space<vmem>>, vector<2048x1xf32>
    tpu.vector_store %arg4[%swap3A, %swap3A_6], %rsqrt3A {strides = array<i32>} : memref<2048x1xf32, #tpu.memory_space<vmem>>, vector<2048x1xf32>,
    %get3A_8 = arith.constant 0 : index
    %get3A_9 = arith.constant 0 : index
    %get3A_10 = vector.load %arg2[%get3A_8, %get3A_9] : memref<2048x128xf32, #tpu.memory_space<vmem>>, vector<2048x128xf32>
    %mul3A = vector.broadcast %rsqrt3A : vector<2048x1xf32> to vector<2048x128xf32>
    %mul3A_11 = arith.mulf %mul3A, %get3A_10 : vector<2048x128xf32>
    %convert_element_type3A = arith.truncf %mul3A_11 : vector<2048x128xf32> to vector<2048x128xbf16>
    %swap3A_12 = arith.constant 0 : index
    %swap3A_13 = arith.constant 0 : index
    %swap3A_14 = vector.load %arg3[%swap3A_12, %swap3A_13] : memref<2048x128xbf16, #tpu.memory_space<vmem>>, vector<2048x128xbf16>
    tpu.vector_store %arg3[%swap3A_12, %swap3A_13], %convert_element_type3A {strides = array<i32>} : memref<2048x128xbf16, #tpu.memory_space<vmem>>, vector<2048x128xbf16>,
    return
  }
  func.func @transform_0(%arg0: i32) -> (i32, i32) {
    %c0_i32 = arith.constant 0 : i32
    %c0_i32_0 = arith.constant 0 : i32
    return %c0_i32, %arg0 : i32, i32
  }
  func.func @transform_1(%arg0: i32) -> (i32, i32) {
    %c0_i32 = arith.constant 0 : i32
    %c0_i32_0 = arith.constant 0 : i32
    return %arg0, %c0_i32 : i32, i32
  }
  func.func @transform_2(%arg0: i32) -> (i32, i32) {
    %c0_i32 = arith.constant 0 : i32
    %c0_i32_0 = arith.constant 0 : i32
    return %arg0, %c0_i32 : i32, i32
  }
  func.func @transform_3(%arg0: i32) -> (i32, i32) {
    %c0_i32 = arith.constant 0 : i32
    %c0_i32_0 = arith.constant 0 : i32
    return %arg0, %c0_i32 : i32, i32
  }
}

module attributes {stable_mosaic.version = 14 : i64} {
  func.func @_tc2_body(%arg0: i32, %arg1: memref<2x2048x128xbf16, #tpu.memory_space<vmem>>, %arg2: memref<2048x128xbf16, #tpu.memory_space<vmem>>, %arg3: memref<2048x1xf32, #tpu.memory_space<vmem>>, %arg4: memref<128x256xbf16, #tpu.memory_space<vmem>>, %arg5: memref<1x256xf32, #tpu.memory_space<vmem>>, %arg6: memref<256x128xbf16, #tpu.memory_space<vmem>>, %arg7: memref<2048x128xbf16, #tpu.memory_space<vmem>>) attributes {dimension_semantics = [#tpu.dimension_semantics<arbitrary>], iteration_bounds = array<i64: 5>, scalar_prefetch = 0 : i64, scratch_operands = 0 : i64, tpu.core_type = #tpu.core_type<tc>, window_params = [{transform_indices = @transform_0, window_bounds = array<i64: 2, 2048, 128>}, {transform_indices = @transform_1, window_bounds = array<i64: 2048, 128>}, {transform_indices = @transform_2, window_bounds = array<i64: 2048, 1>}, {pipeline_mode = #tpu.pipeline_mode<synchronous>, transform_indices = @transform_3, window_bounds = array<i64: 128, 256>}, {pipeline_mode = #tpu.pipeline_mode<synchronous>, transform_indices = @transform_4, window_bounds = array<i64: 1, 256>}, {pipeline_mode = #tpu.pipeline_mode<synchronous>, transform_indices = @transform_5, window_bounds = array<i64: 256, 128>}, {transform_indices = @transform_6, window_bounds = array<i64: 2048, 128>}]} {
    %get3A = arith.constant 0 : index
    %get3A_0 = arith.constant 0 : index
    %get3A_1 = vector.load %arg3[%get3A, %get3A_0] : memref<2048x1xf32, #tpu.memory_space<vmem>>, vector<2048x1xf32>
    %get3A_2 = arith.constant 0 : index
    %get3A_3 = arith.constant 0 : index
    %get3A_4 = arith.constant 0 : index
    %get3A_5 = vector.load %arg1[%get3A_2, %get3A_3, %get3A_4] : memref<2x2048x128xbf16, #tpu.memory_space<vmem>>, vector<1x2048x128xbf16>
    %get3A_6 = vector.shape_cast %get3A_5 : vector<1x2048x128xbf16> to vector<2048x128xbf16>
    %convert_element_type3A = arith.extf %get3A_6 : vector<2048x128xbf16> to vector<2048x128xf32>
    %get3A_7 = arith.constant 1 : index
    %get3A_8 = arith.constant 0 : index
    %get3A_9 = arith.constant 0 : index
    %get3A_10 = vector.load %arg1[%get3A_7, %get3A_8, %get3A_9] : memref<2x2048x128xbf16, #tpu.memory_space<vmem>>, vector<1x2048x128xbf16>
    %get3A_11 = vector.shape_cast %get3A_10 : vector<1x2048x128xbf16> to vector<2048x128xbf16>
    %convert_element_type3A_12 = arith.extf %get3A_11 : vector<2048x128xbf16> to vector<2048x128xf32>
    %add3A = arith.addf %convert_element_type3A, %convert_element_type3A_12 : vector<2048x128xf32>
    %get3A_13 = arith.constant 0 : index
    %get3A_14 = arith.constant 0 : index
    %get3A_15 = vector.load %arg2[%get3A_13, %get3A_14] : memref<2048x128xbf16, #tpu.memory_space<vmem>>, vector<2048x128xbf16>
    %convert_element_type3A_16 = arith.extf %get3A_15 : vector<2048x128xbf16> to vector<2048x128xf32>
    %add3A_17 = arith.addf %add3A, %convert_element_type3A_16 : vector<2048x128xf32>
    %mul3A = vector.broadcast %get3A_1 : vector<2048x1xf32> to vector<2048x128xf32>
    %mul3A_18 = arith.mulf %mul3A, %add3A_17 : vector<2048x128xf32>
    %convert_element_type3A_19 = arith.truncf %mul3A_18 : vector<2048x128xf32> to vector<2048x128xbf16>
    %get3A_20 = arith.constant 0 : index
    %get3A_21 = arith.constant 0 : index
    %get3A_22 = vector.load %arg4[%get3A_20, %get3A_21] : memref<128x256xbf16, #tpu.memory_space<vmem>>, vector<128x256xbf16>
    %dot_general3A = arith.constant dense<0.000000e+00> : vector<2048x256xf32>
    %dot_general3A_23 = tpu.matmul %convert_element_type3A_19, %get3A_22, %dot_general3A {dimension_numbers = #tpu.dot_dimension_numbers<[1], [0], [0], [1], [0, 0, 1, 1], [], []>, transpose_lhs_hint = false} : vector<2048x128xbf16>, vector<128x256xbf16>, vector<2048x256xf32> -> vector<2048x256xf32>
    %get3A_24 = arith.constant 0 : index
    %get3A_25 = arith.constant 0 : index
    %get3A_26 = vector.load %arg5[%get3A_24, %get3A_25] : memref<1x256xf32, #tpu.memory_space<vmem>>, vector<1x256xf32>
    %add3A_27 = vector.broadcast %get3A_26 : vector<1x256xf32> to vector<2048x256xf32>
    %add3A_28 = arith.addf %dot_general3A_23, %add3A_27 : vector<2048x256xf32>
    %max3A = arith.constant 0.000000e+00 : f32
    %max3A_29 = vector.broadcast %max3A : f32 to vector<2048x256xf32>
    %max3A_30 = arith.maximumf %add3A_28, %max3A_29 : vector<2048x256xf32>
    %convert_element_type3A_31 = arith.truncf %max3A_30 : vector<2048x256xf32> to vector<2048x256xbf16>
    %get3A_32 = arith.constant 0 : index
    %get3A_33 = arith.constant 0 : index
    %get3A_34 = vector.load %arg6[%get3A_32, %get3A_33] : memref<256x128xbf16, #tpu.memory_space<vmem>>, vector<256x128xbf16>
    %dot_general3A_35 = arith.constant dense<0.000000e+00> : vector<2048x128xf32>
    %dot_general3A_36 = tpu.matmul %convert_element_type3A_31, %get3A_34, %dot_general3A_35 {dimension_numbers = #tpu.dot_dimension_numbers<[1], [0], [0], [1], [0, 0, 1, 1], [], []>, transpose_lhs_hint = false} : vector<2048x256xbf16>, vector<256x128xbf16>, vector<2048x128xf32> -> vector<2048x128xf32>
    %mul3A_37 = vector.broadcast %get3A_1 : vector<2048x1xf32> to vector<2048x128xf32>
    %mul3A_38 = arith.mulf %mul3A_37, %dot_general3A_36 : vector<2048x128xf32>
    %convert_element_type3A_39 = arith.truncf %mul3A_38 : vector<2048x128xf32> to vector<2048x128xbf16>
    %swap3A = arith.constant 0 : index
    %swap3A_40 = arith.constant 0 : index
    %swap3A_41 = vector.load %arg7[%swap3A, %swap3A_40] : memref<2048x128xbf16, #tpu.memory_space<vmem>>, vector<2048x128xbf16>
    tpu.vector_store %arg7[%swap3A, %swap3A_40], %convert_element_type3A_39 {strides = array<i32>} : memref<2048x128xbf16, #tpu.memory_space<vmem>>, vector<2048x128xbf16>,
    return
  }
  func.func @transform_0(%arg0: i32) -> (i32, i32, i32) {
    %c0_i32 = arith.constant 0 : i32
    %c0_i32_0 = arith.constant 0 : i32
    %c0_i32_1 = arith.constant 0 : i32
    return %c0_i32, %arg0, %c0_i32_0 : i32, i32, i32
  }
  func.func @transform_1(%arg0: i32) -> (i32, i32) {
    %c0_i32 = arith.constant 0 : i32
    %c0_i32_0 = arith.constant 0 : i32
    return %arg0, %c0_i32 : i32, i32
  }
  func.func @transform_2(%arg0: i32) -> (i32, i32) {
    %c0_i32 = arith.constant 0 : i32
    %c0_i32_0 = arith.constant 0 : i32
    return %arg0, %c0_i32 : i32, i32
  }
  func.func @transform_3(%arg0: i32) -> (i32, i32) {
    %c0_i32 = arith.constant 0 : i32
    %c0_i32_0 = arith.constant 0 : i32
    %c0_i32_1 = arith.constant 0 : i32
    return %c0_i32, %c0_i32_0 : i32, i32
  }
  func.func @transform_4(%arg0: i32) -> (i32, i32) {
    %c0_i32 = arith.constant 0 : i32
    %c0_i32_0 = arith.constant 0 : i32
    %c0_i32_1 = arith.constant 0 : i32
    return %c0_i32, %c0_i32_0 : i32, i32
  }
  func.func @transform_5(%arg0: i32) -> (i32, i32) {
    %c0_i32 = arith.constant 0 : i32
    %c0_i32_0 = arith.constant 0 : i32
    %c0_i32_1 = arith.constant 0 : i32
    return %c0_i32, %c0_i32_0 : i32, i32
  }
  func.func @transform_6(%arg0: i32) -> (i32, i32) {
    %c0_i32 = arith.constant 0 : i32
    %c0_i32_0 = arith.constant 0 : i32
    return %arg0, %c0_i32 : i32, i32
  }
}

module attributes {stable_mosaic.version = 14 : i64} {
  func.func @_tc3_body(%arg0: i32, %arg1: memref<2x2048x128xbf16, #tpu.memory_space<vmem>>, %arg2: memref<2048x128xbf16, #tpu.memory_space<vmem>>, %arg3: memref<2048x1xf32, #tpu.memory_space<vmem>>, %arg4: memref<1x128xf32, #tpu.memory_space<vmem>>, %arg5: memref<2048x128xf32, #tpu.memory_space<vmem>>) attributes {dimension_semantics = [#tpu.dimension_semantics<arbitrary>], iteration_bounds = array<i64: 5>, scalar_prefetch = 0 : i64, scratch_operands = 0 : i64, tpu.core_type = #tpu.core_type<tc>, window_params = [{transform_indices = @transform_0, window_bounds = array<i64: 2, 2048, 128>}, {transform_indices = @transform_1, window_bounds = array<i64: 2048, 128>}, {transform_indices = @transform_2, window_bounds = array<i64: 2048, 1>}, {pipeline_mode = #tpu.pipeline_mode<synchronous>, transform_indices = @transform_3, window_bounds = array<i64: 1, 128>}, {transform_indices = @transform_4, window_bounds = array<i64: 2048, 128>}]} {
    %get3A = arith.constant 0 : index
    %get3A_0 = arith.constant 0 : index
    %get3A_1 = arith.constant 0 : index
    %get3A_2 = vector.load %arg1[%get3A, %get3A_0, %get3A_1] : memref<2x2048x128xbf16, #tpu.memory_space<vmem>>, vector<1x2048x128xbf16>
    %get3A_3 = vector.shape_cast %get3A_2 : vector<1x2048x128xbf16> to vector<2048x128xbf16>
    %convert_element_type3A = arith.extf %get3A_3 : vector<2048x128xbf16> to vector<2048x128xf32>
    %get3A_4 = arith.constant 1 : index
    %get3A_5 = arith.constant 0 : index
    %get3A_6 = arith.constant 0 : index
    %get3A_7 = vector.load %arg1[%get3A_4, %get3A_5, %get3A_6] : memref<2x2048x128xbf16, #tpu.memory_space<vmem>>, vector<1x2048x128xbf16>
    %get3A_8 = vector.shape_cast %get3A_7 : vector<1x2048x128xbf16> to vector<2048x128xbf16>
    %convert_element_type3A_9 = arith.extf %get3A_8 : vector<2048x128xbf16> to vector<2048x128xf32>
    %add3A = arith.addf %convert_element_type3A, %convert_element_type3A_9 : vector<2048x128xf32>
    %get3A_10 = arith.constant 0 : index
    %get3A_11 = arith.constant 0 : index
    %get3A_12 = vector.load %arg3[%get3A_10, %get3A_11] : memref<2048x1xf32, #tpu.memory_space<vmem>>, vector<2048x1xf32>
    %get3A_13 = arith.constant 0 : index
    %get3A_14 = arith.constant 0 : index
    %get3A_15 = vector.load %arg2[%get3A_13, %get3A_14] : memref<2048x128xbf16, #tpu.memory_space<vmem>>, vector<2048x128xbf16>
    %convert_element_type3A_16 = arith.extf %get3A_15 : vector<2048x128xbf16> to vector<2048x128xf32>
    %add3A_17 = arith.addf %add3A, %convert_element_type3A_16 : vector<2048x128xf32>
    %mul3A = vector.broadcast %get3A_12 : vector<2048x1xf32> to vector<2048x128xf32>
    %mul3A_18 = arith.mulf %mul3A, %add3A_17 : vector<2048x128xf32>
    %get3A_19 = arith.constant 0 : index
    %get3A_20 = arith.constant 0 : index
    %get3A_21 = vector.load %arg4[%get3A_19, %get3A_20] : memref<1x128xf32, #tpu.memory_space<vmem>>, vector<1x128xf32>
    %add3A_22 = vector.broadcast %get3A_21 : vector<1x128xf32> to vector<2048x128xf32>
    %add3A_23 = arith.addf %mul3A_18, %add3A_22 : vector<2048x128xf32>
    %max3A = arith.constant 0.000000e+00 : f32
    %max3A_24 = vector.broadcast %max3A : f32 to vector<2048x128xf32>
    %max3A_25 = arith.maximumf %add3A_23, %max3A_24 : vector<2048x128xf32>
    %swap3A = arith.constant 0 : index
    %swap3A_26 = arith.constant 0 : index
    %swap3A_27 = vector.load %arg5[%swap3A, %swap3A_26] : memref<2048x128xf32, #tpu.memory_space<vmem>>, vector<2048x128xf32>
    tpu.vector_store %arg5[%swap3A, %swap3A_26], %max3A_25 {strides = array<i32>} : memref<2048x128xf32, #tpu.memory_space<vmem>>, vector<2048x128xf32>,
    return
  }
  func.func @transform_0(%arg0: i32) -> (i32, i32, i32) {
    %c0_i32 = arith.constant 0 : i32
    %c0_i32_0 = arith.constant 0 : i32
    %c0_i32_1 = arith.constant 0 : i32
    return %c0_i32, %arg0, %c0_i32_0 : i32, i32, i32
  }
  func.func @transform_1(%arg0: i32) -> (i32, i32) {
    %c0_i32 = arith.constant 0 : i32
    %c0_i32_0 = arith.constant 0 : i32
    return %arg0, %c0_i32 : i32, i32
  }
  func.func @transform_2(%arg0: i32) -> (i32, i32) {
    %c0_i32 = arith.constant 0 : i32
    %c0_i32_0 = arith.constant 0 : i32
    return %arg0, %c0_i32 : i32, i32
  }
  func.func @transform_3(%arg0: i32) -> (i32, i32) {
    %c0_i32 = arith.constant 0 : i32
    %c0_i32_0 = arith.constant 0 : i32
    %c0_i32_1 = arith.constant 0 : i32
    return %c0_i32, %c0_i32_0 : i32, i32
  }
  func.func @transform_4(%arg0: i32) -> (i32, i32) {
    %c0_i32 = arith.constant 0 : i32
    %c0_i32_0 = arith.constant 0 : i32
    return %arg0, %c0_i32 : i32, i32
  }
}

</mosaic_0001>

<sc_bundles>
// kernel: kernel.11.cloned.1.call-start
scs
__scs_entry_jumppad:
0x0: {  	(pc) =	sbr.rel $0x88, $3  }
0x1: {  	(tag) =	ssettag $0x0;
	lr =	simm.s32 $0x1  }
0x2: {  	[smem:$0x3F9B] =	sst lr;
	_ =	strace $0xD0000000  }
0x3: {  	_ = 	snop  }
0x4: {  	_ = 	snop  }
0x5: {  	_ = 	snop  }
0x6: {  	_ = 	snop  }
0x7: {  	_ = 	snop  }
__scs_overlays_trampoline_lowered:
0x8: {  	[smem:$0x3FAA] =	sst s0  }
0x9: {  	[smem:$0x3FAB] =	sst s1  }
0xa: {  	[smem:$0x3FAC] =	sst s2  }
0xb: {  	[smem:$0x3FAD] =	sst s3  }
0xc: {  	[smem:$0x3FAE] =	sst s4  }
0xd: {  	[smem:$0x3FAF] =	sst s5  }
0xe: {  	[smem:$0x3FB0] =	sst s6  }
0xf: {  	[smem:$0x3FB1] =	sst s7  }
0x10: {  	[smem:$0x3FB2] =	sst s8  }
0x11: {  	[smem:$0x3FB3] =	sst s9;
	s0 =	simm.s32 @!p0 $0x0  }
0x12: {  	s1 =	sld [smem:$0x3F99];
	s0 =	simm.s32 @p0 $0x1  }
0x13: {  	[smem:$0x3FB4] =	sst s0;
	s0 =	simm.s32 @!p1 $0x0  }
0x14: {  	s2 =	sld [smem:$0x3F98];
	s0 =	simm.s32 @p1 $0x1  }
0x15: {  	[smem:$0x3FB5] =	sst s0;
	s0 =	simm.s32 @!p2 $0x0  }
0x16: {  	s3 =	sld [smem:$0x3FDB];
	s0 =	simm.s32 @p2 $0x1  }
0x17: {  	s4 =	simm.s32 $0x1BF5;
	[smem:$0x3FB7] =	sst s0  }
0x18: {  	s0 =	sld [smem:$0x3F9A];
	_ =	swait.ge [sflag:s4], $0x0  }
0x19: {  	s7 =	sld [smem:$0x3F9B]  }
0x1a: {  	s8 =	sadd.s32 $0xFFFFE003, lr  }
0x1b: {  	s9 =	sadd.s32 $0xFFFFFEF7, lr;
	s5 =	simm.s32 $0xFFFFFFFF;
	p2 =	slt.u32 s8, $0xFFFFF086  }
0x1c: {  	p1 =	slt.u32 s9, $0xF7A;
	s5 =	simm.s32 @!p2 $0x0  }
0x1d: {  	s5 =	simm.s32 @p1 $0x1;
	p0 =	seq.s32 s7, s2  }
0x1e: {  	s7 =	smul.u32 @!p0 $0xF7A, s2;
	p2 =	seq.s32 @!p0 s5, $0x0  }
0x1f: {  	s9 =	smul.u32 $0xF7A, s1;
	s8 =	simm.s32 @!p0 $0x1BF5;
	p2 =	por !p2, p0  }
0x20: {  	[sflag:s8] =	ssyncset.s32 @!p0 $0xFFFFF086;
	s6 =	sadd.s32 @!p0 s3, s7;
	s7 =	simm.s32 @!p0 $0x108  }
0x21: {  	s3 =	sadd.s32 s3, s9;
	s6 =	sadd.s32 @!p0 $0x88, s6;
	s7 =	simm.s32 @p2 $0x1082  }
0x22: {  	[simem:s7], [sflag:s8] =	dma.local @!p0 [hbm:s6], $0xF7A  }
0x23: {  	s9 =	sor.u32 $0xD0000000, s2;
	s6 =	simm.s32 $0x108;
	_ =	swait.ge @!p0 [sflag:s8], $0x0  }
0x24: {  	s3 =	sadd.s32 $0x88, s3;
	s6 =	simm.s32 @!p1 $0x1082;
	[sflag:s4] =	ssyncset.s32 $0xFFFFF086  }
0x25: {  	[simem:s6], [sflag:s4] =	dma.local [hbm:s3], $0xF7A  }
0x26: {  	[smem:$0x3F9B] =	sst s1;
	(tag) =	ssettag s2;
	_ =	strace s9  }
0x27: {  	s1 =	sld [smem:$0x3FAB]  }
0x28: {  	s2 =	sld [smem:$0x3FAC]  }
0x29: {  	s4 =	sld [smem:$0x3FAE]  }
0x2a: {  	p0 =	seq.s32 s5, $0x0;
	s5 =	sld [smem:$0x3FAF]  }
0x2b: {  	s6 =	sld [smem:$0x3FB0]  }
0x2c: {  	s7 =	sld [smem:$0x3FB1]  }
0x2d: {  	s3 =	simm.s32 $0x108;
	s8 =	sld [smem:$0x3FB2]  }
0x2e: {  	s3 =	simm.s32 @!p0 $0x1082;
	s9 =	sld [smem:$0x3FB3]  }
0x2f: {  	lr =	sadd.s32 s0, s3;
	s0 =	sld [smem:$0x3FAA]  }
0x30: {  	s3 =	sld [smem:$0x3FAD]  }
0x31: {  	[smem:$0x3FB6] =	sst s10  }
0x32: {  	s10 =	sld [smem:$0x3FB4];
	_ =	sdelay $0x3  }
0x33: {  	p0 =	seq.s32 s10, $0x1;
	s10 =	sld [smem:$0x3FB6];
	_ =	sdelay $0x3  }
0x34: {  	[smem:$0x3FB6] =	sst s10  }
0x35: {  	s10 =	sld [smem:$0x3FB5];
	_ =	sdelay $0x3  }
0x36: {  	p1 =	seq.s32 s10, $0x1;
	s10 =	sld [smem:$0x3FB6];
	_ =	sdelay $0x3  }
0x37: {  	[smem:$0x3FB6] =	sst s10  }
0x38: {  	s10 =	sld [smem:$0x3FB7]  }
0x39: {  	_ = 	snop;
	(pc) =	sbr.ind lr, $3  }
0x3a: {  	_ = 	snop  }
0x3b: {  	_ = 	snop  }
0x3c: {  	p2 =	seq.s32 s10, $0x1;
	s10 =	sld [smem:$0x3FB6]  }
0x3d: {  	_ =	shalt  }
0x3e: {  	_ =	shalt  }
0x3f: {  	_ =	shalt  }
0x40: {  	_ =	shalt  }
0x41: {  	_ =	shalt  }
0x42: {  	_ =	shalt  }
0x43: {  	_ =	shalt  }
0x44: {  	_ =	shalt  }
0x45: {  	_ =	shalt  }
0x46: {  	_ =	shalt  }
0x47: {  	_ =	shalt  }
0x48: {  	_ =	shalt  }
0x49: {  	_ =	shalt  }
0x4a: {  	_ =	shalt  }
0x4b: {  	_ =	shalt  }
0x4c: {  	_ =	shalt  }
0x4d: {  	_ =	shalt  }
0x4e: {  	_ =	shalt  }
0x4f: {  	_ =	shalt  }
0x50: {  	_ =	shalt  }
0x51: {  	_ =	shalt  }
0x52: {  	_ =	shalt  }
0x53: {  	_ =	shalt  }
0x54: {  	_ =	shalt  }
0x55: {  	_ =	shalt  }
0x56: {  	_ =	shalt  }
0x57: {  	_ =	shalt  }
0x58: {  	_ =	shalt  }
0x59: {  	_ =	shalt  }
0x5a: {  	_ =	shalt  }
0x5b: {  	_ =	shalt  }
0x5c: {  	_ =	shalt  }
0x5d: {  	_ =	shalt  }
0x5e: {  	_ =	shalt  }
0x5f: {  	_ =	shalt  }
0x60: {  	_ =	shalt  }
0x61: {  	_ =	shalt  }
0x62: {  	_ =	shalt  }
0x63: {  	_ =	shalt  }
0x64: {  	_ =	shalt  }
0x65: {  	_ =	shalt  }
0x66: {  	_ =	shalt  }
0x67: {  	_ =	shalt  }
0x68: {  	_ =	shalt  }
0x69: {  	_ =	shalt  }
0x6a: {  	_ =	shalt  }
0x6b: {  	_ =	shalt  }
0x6c: {  	_ =	shalt  }
0x6d: {  	_ =	shalt  }
0x6e: {  	_ =	shalt  }
0x6f: {  	_ =	shalt  }
0x70: {  	_ =	shalt  }
0x71: {  	_ =	shalt  }
0x72: {  	_ =	shalt  }
0x73: {  	_ =	shalt  }
0x74: {  	_ =	shalt  }
0x75: {  	_ =	shalt  }
0x76: {  	_ =	shalt  }
0x77: {  	_ =	shalt  }
0x78: {  	_ =	shalt  }
0x79: {  	_ =	shalt  }
0x7a: {  	_ =	shalt  }
0x7b: {  	_ =	shalt  }
0x7c: {  	_ =	shalt  }
0x7d: {  	_ =	shalt  }
0x7e: {  	_ =	shalt  }
0x7f: {  	_ =	shalt  }
0x80: {  	_ =	shalt  }
0x81: {  	_ =	shalt  }
0x82: {  	_ =	shalt  }
0x83: {  	_ =	shalt  }
0x84: {  	_ =	shalt  }
0x85: {  	_ =	shalt  }
0x86: {  	_ =	shalt  }
0x87: {  	_ =	shalt  }
.Lfunc_end0:
.L_simem_size_0:
called_computation.1_lowered:
.L_overlay_start_0:
0x88: {  	s2 =	sld [smem:$0x3FD9]  }
0x89: {  	s3 =	sld [smem:$0x3FFE];
	_ =	sdelay $0x1  }
0x8a: {  	s1 =	srdreg.scid  }
0x8b: {  	s0 =	sand.u32 $0x1, s1  }
0x8c: {  	s17 =	sshll.u32 s0, $0xA;
	s2 =	sadd.s32 s3, s2  }
0x8d: {  	s2 =	sadd.s32 s2, s17  }
0x8e: {  	[smem:$0x3FC2] =	sst s2  }
0x8f: {  	_ = 	snop  }
0x90: {  	s2 =	sld [smem:$0x3FD0];
	(tm) =	ssettm $0x1  }
0x91: {  	s18 =	sld [smem:$0x3FFB];
	_ =	sdelay $0x3  }
0x92: {  	_ =	strace s18  }
0x93: {  	s3 =	sld [smem:$0x3FFC];
	_ =	sdelay $0x3  }
0x94: {  	_ =	strace s3  }
0x95: {  	s3 =	sld [smem:$0x3FFD];
	_ =	sdelay $0x3  }
0x96: {  	_ =	strace s3  }
0x97: {  	_ =	strace $0x8FFFFFFF  }
0x98: {  	s19 =	sld [smem:$0x3FDB];
	_ =	sdelay $0x1  }
0x99: {  	s4 =	simm.s32 $_scs_section_size  }
0x9a: {  	s5 =	simm.s32 $_size__tile_overlayer_lowered;
	s6 =	simm.s32 $_tile_overlayer_lowered  }
0x9b: {  	s22 =	simm.s32 $0x1BFF;
	s21 =	sshll.u32 s6, $0x1;
	s3 =	sadd.s32 s4, s19  }
0x9c: {  	s7 =	simm.s32 $0x0;
	s20 =	sshll.u32 s5, $0x1;
	s5 =	sadd.s32 s21, s3  }
0x9d: {  	[timem:s7], [sflag:s22] =	dma.local [hbm:s5], s20  }
0x9e: {  	_ =	swait.ge [sflag:s22], s20  }
0x9f: {  	s4 =	ssub.s32 $0x0, s20;
	[sflag:s22] =	ssyncset.done $0x0  }
0xa0: {  	[sflag:s22] =	ssyncadd.s32 s4;
	_ =	sdelay $0x1  }
0xa1: {  	s23 =	simm.s32 $0x1B8B  }
0xa2: {  	_ =	swait.ge [sflag:s23], $0x1  }
0xa3: {  	[sflag:s23] =	ssyncset.done $0x0  }
0xa4: {  	s25 =	simm.s32 $0x1B8E;
	s24 =	sld [smem:$0x3FFE];
	[sflag:s23] =	ssyncadd.s32 $0xFFFFFFFF  }
0xa5: {  	s26 =	simm.s32 $execute0_lowered;
	[smem:$0x3FD2] =	sst s25  }
0xa6: {  	s5 =	sshll.u32 s26, $0x1;
	_ =	strace $0x80000049;
	[dreg:$0x1] =	wrdreg $0xFFFFFFFF  }
0xa7: {  	s28 =	simm.s32 $_size_execute0_lowered;
	s3 =	sadd.s32 s3, s5;
	[dreg:$0x0] =	wrdreg $0x0  }
0xa8: {  	s5 =	sshll.u32 s28, $0x1;
	[dreg:$0x2] =	wrdreg s3  }
0xa9: {  	[dreg:$0x3] =	wrdreg s5  }
0xaa: {  	[dreg:$0x4] =	wrdreg $0xC0  }
0xab: {  	_ =	task [dreg:s7], $0x5FFFF  }
0xac: {  	[dreg:$0x1] =	wrdreg $0xFFFFFFFF  }
0xad: {  	[dreg:$0x0] =	wrdreg $0x60  }
0xae: {  	[dreg:$0x2] =	wrdreg s2  }
0xaf: {  	[dreg:$0x3] =	wrdreg s24  }
0xb0: {  	[dreg:$0x4] =	wrdreg $0xD5000  }
0xb1: {  	[dreg:$0x5] =	wrdreg $0x9  }
0xb2: {  	_ =	task.clear_ibuf [dreg:s7], $0x6FFFF;
	_ =	strace $0x90000049  }
0xb3: {  	s29 =	simm.s32 $0x9;
	_ =	strace $0x8000004B  }
0xb4: {  	_ =	swait.ge [sflag:s29], $0x1  }
0xb5: {  	[sflag:s29] =	ssyncadd.s32 $0xFFFFFFFF  }
0xb6: {  	_ =	strace $0x9000004B  }
0xb7: {  	_ =	sfence  }
0xb8: {  	s30 =	sld [smem:$0x0];
	_ =	sdelay $0x2  }
0xb9: {  	s31 =	sshll.u32 s1, $0xD;
	s1 =	sshrl.u32 s1, $0x2  }
0xba: {  	s3 =	sand.u32 $0x4000, s31;
	s1 =	sadd.s32 s1, s30  }
0xbb: {  	s0 =	sor.u32 s3, s0;
	s1 =	sshll.u32 s1, $0x11  }
0xbc: {  	s0 =	sor.u32 s1, s0  }
0xbd: {  	s0 =	sadd.s32 $0x8F2B, s0  }
0xbe: {  	[sflag:s0] =	ssyncadd.remote.s32 $0x1  }
0xbf: {  	_ =	sfence.sel $0xFFFF  }
0xc0: {  	[dreg:$0x0] =	wrdreg $0xFFFFFFFF;
	(pc) =	sbr.abs _section_cstart, $3  }
0xc1: {  	[dreg:$0x1] =	wrdreg $0xFFFFFFFF  }
0xc2: {  	_ =	task.clear_ibuf [dreg:s7], $0x2FFFF;
	_ =	strace $0x9FFFFFFF  }
0xc3: {  	(tm) =	ssettm $0x7FFFFFFF  }
tec
execute0_lowered:
.L_overlay_start_1:
0x0: {  	(tag) =	ssettag $0x1  }
0x1: {  	s0 =	srdreg.scid;
	s1 =	rddreg [dreg:$0x0]  }
0x2: {  	s8 =	stileid.u32;
	s5 =	rddreg [dreg:$0x1]  }
0x3: {  	s3 =	rddreg [dreg:$0x2];
	s4 =	simm.s32 $0x0;
	s31 =	simm.s32 $0xCD00  }
0x4: {  	s10 =	simm.s32 $0xADC0;
	s11 =	simm.s32 $0x1;
	s12 =	simm.s32 $0x5  }
0x5: {  	s13 =	simm.s32 $0x2;
	s14 =	simm.s32 $0x3;
	s0 =	sand.u32 $0x1, s0  }
0x6: {  	[smem:$0x7FF] =	sst s4;
	s7 =	smul.u32 $0x14000, s8;
	s2 =	sshll.u32 s0, $0x4  }
0x7: {  	s6 =	smul.u32 $0x140000, s0;
	s0 =	ssub.s32 $0x2, s0;
	s2 =	sor.u32 s8, s2  }
0x8: {  	_ =	strace $0x8000004A;
	s9 =	sshrl.u32 s0, $0x1;
	s2 =	smul.u32 $0x500, s2  }
0x9: {  	s8 =	smul.u32 $0x28000, s8;
	s6 =	sadd.s32 s7, s6;
	s0 =	ssub.s32 s0, s9  }
0xa: {  	s6 =	sshrl.u32 s6, $0x4;
	s0 =	smax.u32 s0, $0x1;
	s2 =	sadd.s32 s2, s5  }
0xb: {  	s8 =	sshrl.u32 s8, $0x2;
	[dreg:$0x7] =	wrdreg s0;
	s16 =	sadd.s32 $0x15600, s2  }
0xc: {  	s6 =	sadd.s32 s6, s5;
	s2 =	sadd.s32 $0xB600, s2;
	[dreg:$0x4] =	wrdreg s16  }
0xd: {  	s5 =	sadd.s32 s8, s3;
	s6 =	sadd.s32 $0x1F600, s6;
	[dreg:$0x5] =	wrdreg s2  }
0xe: {  	s15 =	simm.s32 $0x4;
	s18 =	sadd.s32 $0x800, s5;
	[dreg:$0x6] =	wrdreg s6  }
0xf: {  	s17 =	sshrl.u32 s7, $0x1;
	s19 =	sadd.s32 $0x1000, s5;
	[dreg:$0x8] =	wrdreg s18  }
0x10: {  	s7 =	simm.s32 $0x5000;
	s20 =	sadd.s32 $0x1800, s5;
	[dreg:$0x9] =	wrdreg s19  }
0x11: {  	s9 =	simm.s32 $0x8E80;
	s21 =	sadd.s32 $0x2000, s5;
	[dreg:$0xa] =	wrdreg s20  }
0x12: {  	s0 =	simm.s32 $0x2800;
	s22 =	sadd.s32 $0x2800, s5;
	[dreg:$0xb] =	wrdreg s21  }
0x13: {  	s8 =	simm.s32 $0x6F40;
	s23 =	sadd.s32 $0x3000, s5;
	[dreg:$0xc] =	wrdreg s22  }
0x14: {  	s24 =	sadd.s32 $0x3800, s5;
	s25 =	sadd.s32 $0x4000, s5;
	[dreg:$0xd] =	wrdreg s23  }
0x15: {  	s26 =	sadd.s32 $0x4800, s5;
	s28 =	sadd.s32 $0x8800, s5;
	[dreg:$0xe] =	wrdreg s24  }
0x16: {  	s29 =	sadd.s32 $0x9000, s5;
	s30 =	sadd.s32 $0x9800, s5;
	[dreg:$0xf] =	wrdreg s25  }
0x17: {  	s2 =	sadd.s32 s17, s3;
	[dreg:$0x10] =	wrdreg s26;
	s19 =	sadd.s32 $0x5000, s5  }
0x18: {  	s20 =	sadd.s32 $0x5800, s5;
	s21 =	sadd.s32 $0x6000, s5;
	s22 =	sadd.s32 $0x6800, s5  }
0x19: {  	s23 =	sadd.s32 $0x7000, s5;
	s24 =	sadd.s32 $0x7800, s5;
	s26 =	sadd.s32 $0x8000, s5  }
0x1a: {  	v0 =	vimm.bf16 $0.0e+00;
	s6 =	simm.s32 $0x7D;
	s25 =	sshrl.u32 s2, $0x3;
	s2 =	simm.s32 $0x6  }
.LBB2_1:
0x1b: {  	[tilespmem:s31+$0x0] =	vst.msk $0xff, v0  }
0x1c: {  	[tilespmem:s31+$0xF8] =	vst.msk $0xff, v0  }
0x1d: {  	[tilespmem:s31+$0xF0] =	vst.msk $0xff, v0  }
0x1e: {  	[tilespmem:s31+$0xE8] =	vst.msk $0xff, v0  }
0x1f: {  	[tilespmem:s31+$0xE0] =	vst.msk $0xff, v0  }
0x20: {  	[tilespmem:s31+$0xD8] =	vst.msk $0xff, v0  }
0x21: {  	[tilespmem:s31+$0xD0] =	vst.msk $0xff, v0  }
0x22: {  	[tilespmem:s31+$0xC8] =	vst.msk $0xff, v0  }
0x23: {  	[tilespmem:s31+$0xC0] =	vst.msk $0xff, v0  }
0x24: {  	[tilespmem:s31+$0xB8] =	vst.msk $0xff, v0  }
0x25: {  	[tilespmem:s31+$0xB0] =	vst.msk $0xff, v0  }
0x26: {  	[tilespmem:s31+$0xA8] =	vst.msk $0xff, v0  }
0x27: {  	[tilespmem:s31+$0xA0] =	vst.msk $0xff, v0  }
0x28: {  	[tilespmem:s31+$0x98] =	vst.msk $0xff, v0  }
0x29: {  	[tilespmem:s31+$0x90] =	vst.msk $0xff, v0  }
0x2a: {  	[tilespmem:s31+$0x88] =	vst.msk $0xff, v0  }
0x2b: {  	[tilespmem:s31+$0x80] =	vst.msk $0xff, v0  }
0x2c: {  	[tilespmem:s31+$0x78] =	vst.msk $0xff, v0  }
0x2d: {  	[tilespmem:s31+$0x70] =	vst.msk $0xff, v0  }
0x2e: {  	[tilespmem:s31+$0x68] =	vst.msk $0xff, v0  }
0x2f: {  	[tilespmem:s31+$0x60] =	vst.msk $0xff, v0  }
0x30: {  	[tilespmem:s31+$0x58] =	vst.msk $0xff, v0  }
0x31: {  	[tilespmem:s31+$0x50] =	vst.msk $0xff, v0  }
0x32: {  	[tilespmem:s31+$0x48] =	vst.msk $0xff, v0  }
0x33: {  	[tilespmem:s31+$0x40] =	vst.msk $0xff, v0  }
0x34: {  	[tilespmem:s31+$0x38] =	vst.msk $0xff, v0  }
0x35: {  	[tilespmem:s31+$0x30] =	vst.msk $0xff, v0  }
0x36: {  	[tilespmem:s31+$0x28] =	vst.msk $0xff, v0  }
0x37: {  	[tilespmem:s31+$0x20] =	vst.msk $0xff, v0  }
0x38: {  	[tilespmem:s31+$0x18] =	vst.msk $0xff, v0  }
0x39: {  	s16 =	simm.s32 $0x0;
	[tilespmem:s31+$0x10] =	vst.msk $0xff, v0;
	s17 =	simm.s32 $0xCD00  }
.LBB2_2:
0x3a: {  	s16 =	sadd.s32 $0x4, s16;
	[tilespmem:s17+$0x8] =	vst.msk $0xff, v0;
	s17 =	sadd.s32 $0x100, s17  }
0x3b: {  	[tilespmem:s17+$0x0] =	vst.msk $0xff, v0;
	p0 =	slt.u32 s16, $0x1C  }
0x3c: {  	[tilespmem:s17+$0xF8] =	vst.msk $0xff, v0  }
0x3d: {  	[tilespmem:s17+$0xF0] =	vst.msk $0xff, v0  }
0x3e: {  	[tilespmem:s17+$0xE8] =	vst.msk $0xff, v0  }
0x3f: {  	[tilespmem:s17+$0xE0] =	vst.msk $0xff, v0  }
0x40: {  	[tilespmem:s17+$0xD8] =	vst.msk $0xff, v0  }
0x41: {  	[tilespmem:s17+$0xD0] =	vst.msk $0xff, v0  }
0x42: {  	[tilespmem:s17+$0xC8] =	vst.msk $0xff, v0  }
0x43: {  	[tilespmem:s17+$0xC0] =	vst.msk $0xff, v0  }
0x44: {  	[tilespmem:s17+$0xB8] =	vst.msk $0xff, v0  }
0x45: {  	[tilespmem:s17+$0xB0] =	vst.msk $0xff, v0  }
0x46: {  	[tilespmem:s17+$0xA8] =	vst.msk $0xff, v0  }
0x47: {  	[tilespmem:s17+$0xA0] =	vst.msk $0xff, v0  }
0x48: {  	[tilespmem:s17+$0x98] =	vst.msk $0xff, v0  }
0x49: {  	[tilespmem:s17+$0x90] =	vst.msk $0xff, v0  }
0x4a: {  	[tilespmem:s17+$0x88] =	vst.msk $0xff, v0  }
0x4b: {  	[tilespmem:s17+$0x80] =	vst.msk $0xff, v0  }
0x4c: {  	[tilespmem:s17+$0x78] =	vst.msk $0xff, v0  }
0x4d: {  	[tilespmem:s17+$0x70] =	vst.msk $0xff, v0  }
0x4e: {  	[tilespmem:s17+$0x68] =	vst.msk $0xff, v0  }
0x4f: {  	[tilespmem:s17+$0x60] =	vst.msk $0xff, v0  }
0x50: {  	[tilespmem:s17+$0x58] =	vst.msk $0xff, v0  }
0x51: {  	[tilespmem:s17+$0x50] =	vst.msk $0xff, v0  }
0x52: {  	[tilespmem:s17+$0x48] =	vst.msk $0xff, v0  }
0x53: {  	[tilespmem:s17+$0x40] =	vst.msk $0xff, v0  }
0x54: {  	[tilespmem:s17+$0x38] =	vst.msk $0xff, v0  }
.Ltmp0:
0x55: {  	[tilespmem:s17+$0x30] =	vst.msk $0xff, v0;
	(pc) =	sbr.rel @p0 .LBB2_2-.Ltmp0, $4  }
0x56: {  	[tilespmem:s17+$0x28] =	vst.msk $0xff, v0  }
0x57: {  	[tilespmem:s17+$0x20] =	vst.msk $0xff, v0  }
0x58: {  	[tilespmem:s17+$0x18] =	vst.msk $0xff, v0  }
0x59: {  	[tilespmem:s17+$0x10] =	vst.msk $0xff, v0  }
0x5a: {  	[tilespmem:s17+$0x8] =	vst.msk $0xff, v0  }
0x5b: {  	[spmem:s5] =	stream.linear.scatter [tilespmem:s31], [sflag:$0x6], $0x800, $0x38;
	[tilespmem:$0x17500] =	vst v63  }
0x5c: {  	_ =	swait.ge [sflag:s2], $0x800  }
0x5d: {  	[sflag:s2] =	ssyncset.done $0x0  }
0x5e: {  	s16 =	rddreg [dreg:$0x8];
	[sflag:s2] =	ssyncadd.s32 $0xFFFFF800  }
0x5f: {  	[spmem:s16] =	stream.linear.scatter [tilespmem:s31], [sflag:$0x6], $0x800, $0x38;
	[tilespmem:$0x17500] =	vst v63  }
0x60: {  	_ =	swait.ge [sflag:s2], $0x800  }
0x61: {  	[sflag:s2] =	ssyncset.done $0x0  }
0x62: {  	s18 =	rddreg [dreg:$0x9];
	[sflag:s2] =	ssyncadd.s32 $0xFFFFF800  }
0x63: {  	[spmem:s18] =	stream.linear.scatter [tilespmem:s31], [sflag:$0x6], $0x800, $0x38;
	[tilespmem:$0x17500] =	vst v63  }
0x64: {  	_ =	swait.ge [sflag:s2], $0x800  }
0x65: {  	[sflag:s2] =	ssyncset.done $0x0  }
0x66: {  	s17 =	rddreg [dreg:$0xa];
	[sflag:s2] =	ssyncadd.s32 $0xFFFFF800  }
0x67: {  	[spmem:s17] =	stream.linear.scatter [tilespmem:s31], [sflag:$0x6], $0x800, $0x38;
	[tilespmem:$0x17500] =	vst v63  }
0x68: {  	_ =	swait.ge [sflag:s2], $0x800  }
0x69: {  	[sflag:s2] =	ssyncset.done $0x0  }
0x6a: {  	s18 =	rddreg [dreg:$0xb];
	[sflag:s2] =	ssyncadd.s32 $0xFFFFF800  }
0x6b: {  	[spmem:s18] =	stream.linear.scatter [tilespmem:s31], [sflag:$0x6], $0x800, $0x38;
	[tilespmem:$0x17500] =	vst v63  }
0x6c: {  	_ =	swait.ge [sflag:s2], $0x800  }
0x6d: {  	[sflag:s2] =	ssyncset.done $0x0  }
0x6e: {  	s17 =	rddreg [dreg:$0xc];
	[sflag:s2] =	ssyncadd.s32 $0xFFFFF800  }
0x6f: {  	[spmem:s17] =	stream.linear.scatter [tilespmem:s31], [sflag:$0x6], $0x800, $0x38;
	[tilespmem:$0x17500] =	vst v63  }
0x70: {  	_ =	swait.ge [sflag:s2], $0x800  }
0x71: {  	[sflag:s2] =	ssyncset.done $0x0  }
0x72: {  	s18 =	rddreg [dreg:$0xd];
	[sflag:s2] =	ssyncadd.s32 $0xFFFFF800  }
0x73: {  	[spmem:s18] =	stream.linear.scatter [tilespmem:s31], [sflag:$0x6], $0x800, $0x38;
	[tilespmem:$0x17500] =	vst v63  }
0x74: {  	_ =	swait.ge [sflag:s2], $0x800  }
0x75: {  	[sflag:s2] =	ssyncset.done $0x0  }
0x76: {  	s17 =	rddreg [dreg:$0xe];
	[sflag:s2] =	ssyncadd.s32 $0xFFFFF800  }
0x77: {  	[spmem:s17] =	stream.linear.scatter [tilespmem:s31], [sflag:$0x6], $0x800, $0x38;
	[tilespmem:$0x17500] =	vst v63  }
0x78: {  	_ =	swait.ge [sflag:s2], $0x800  }
0x79: {  	[sflag:s2] =	ssyncset.done $0x0  }
0x7a: {  	s18 =	rddreg [dreg:$0xf];
	[sflag:s2] =	ssyncadd.s32 $0xFFFFF800  }
0x7b: {  	[spmem:s18] =	stream.linear.scatter [tilespmem:s31], [sflag:$0x6], $0x800, $0x38;
	[tilespmem:$0x17500] =	vst v63  }
0x7c: {  	_ =	swait.ge [sflag:s2], $0x800  }
0x7d: {  	[sflag:s2] =	ssyncset.done $0x0  }
0x7e: {  	s17 =	rddreg [dreg:$0x10];
	[sflag:s2] =	ssyncadd.s32 $0xFFFFF800  }
0x7f: {  	[spmem:s17] =	stream.linear.scatter [tilespmem:s31], [sflag:$0x6], $0x800, $0x38;
	[tilespmem:$0x17500] =	vst v63  }
0x80: {  	_ =	swait.ge [sflag:s2], $0x800  }
0x81: {  	[sflag:s2] =	ssyncset.done $0x0  }
0x82: {  	[sflag:s2] =	ssyncadd.s32 $0xFFFFF800  }
0x83: {  	[spmem:s19] =	stream.linear.scatter [tilespmem:s31], [sflag:$0x6], $0x800, $0x38;
	[tilespmem:$0x17500] =	vst v63  }
0x84: {  	_ =	swait.ge [sflag:s2], $0x800  }
0x85: {  	[sflag:s2] =	ssyncset.done $0x0  }
0x86: {  	[sflag:s2] =	ssyncadd.s32 $0xFFFFF800  }
0x87: {  	[spmem:s20] =	stream.linear.scatter [tilespmem:s31], [sflag:$0x6], $0x800, $0x38;
	[tilespmem:$0x17500] =	vst v63  }
0x88: {  	_ =	swait.ge [sflag:s2], $0x800  }
0x89: {  	[sflag:s2] =	ssyncset.done $0x0  }
0x8a: {  	[sflag:s2] =	ssyncadd.s32 $0xFFFFF800  }
0x8b: {  	[spmem:s21] =	stream.linear.scatter [tilespmem:s31], [sflag:$0x6], $0x800, $0x38;
	[tilespmem:$0x17500] =	vst v63  }
0x8c: {  	_ =	swait.ge [sflag:s2], $0x800  }
0x8d: {  	[sflag:s2] =	ssyncset.done $0x0  }
0x8e: {  	[sflag:s2] =	ssyncadd.s32 $0xFFFFF800  }
0x8f: {  	[spmem:s22] =	stream.linear.scatter [tilespmem:s31], [sflag:$0x6], $0x800, $0x38;
	[tilespmem:$0x17500] =	vst v63  }
0x90: {  	_ =	swait.ge [sflag:s2], $0x800  }
0x91: {  	[sflag:s2] =	ssyncset.done $0x0  }
0x92: {  	[sflag:s2] =	ssyncadd.s32 $0xFFFFF800  }
0x93: {  	[spmem:s23] =	stream.linear.scatter [tilespmem:s31], [sflag:$0x6], $0x800, $0x38;
	[tilespmem:$0x17500] =	vst v63  }
0x94: {  	_ =	swait.ge [sflag:s2], $0x800  }
0x95: {  	[sflag:s2] =	ssyncset.done $0x0  }
0x96: {  	[sflag:s2] =	ssyncadd.s32 $0xFFFFF800  }
0x97: {  	[spmem:s24] =	stream.linear.scatter [tilespmem:s31], [sflag:$0x6], $0x800, $0x38;
	[tilespmem:$0x17500] =	vst v63  }
0x98: {  	_ =	swait.ge [sflag:s2], $0x800  }
0x99: {  	[sflag:s2] =	ssyncset.done $0x0  }
0x9a: {  	[sflag:s2] =	ssyncadd.s32 $0xFFFFF800  }
0x9b: {  	[spmem:s26] =	stream.linear.scatter [tilespmem:s31], [sflag:$0x6], $0x800, $0x38;
	[tilespmem:$0x17500] =	vst v63  }
0x9c: {  	_ =	swait.ge [sflag:s2], $0x800  }
0x9d: {  	[sflag:s2] =	ssyncset.done $0x0  }
0x9e: {  	[sflag:s2] =	ssyncadd.s32 $0xFFFFF800  }
0x9f: {  	[spmem:s28] =	stream.linear.scatter [tilespmem:s31], [sflag:$0x6], $0x800, $0x38;
	[tilespmem:$0x17500] =	vst v63  }
0xa0: {  	_ =	swait.ge [sflag:s2], $0x800  }
0xa1: {  	[sflag:s2] =	ssyncset.done $0x0  }
0xa2: {  	[sflag:s2] =	ssyncadd.s32 $0xFFFFF800  }
0xa3: {  	[spmem:s29] =	stream.linear.scatter [tilespmem:s31], [sflag:$0x6], $0x800, $0x38;
	[tilespmem:$0x17500] =	vst v63  }
0xa4: {  	_ =	swait.ge [sflag:s2], $0x800  }
0xa5: {  	[sflag:s2] =	ssyncset.done $0x0  }
0xa6: {  	[sflag:s2] =	ssyncadd.s32 $0xFFFFF800  }
0xa7: {  	[spmem:s30] =	stream.linear.scatter [tilespmem:s31], [sflag:$0x6], $0x800, $0x38;
	[tilespmem:$0x17500] =	vst v63  }
0xa8: {  	_ =	swait.ge [sflag:s2], $0x800  }
0xa9: {  	[sflag:s2] =	ssyncset.done $0x0  }
0xaa: {  	s16 =	simm.s32 $0x0;
	s18 =	rddreg [dreg:$0x4];
	[sflag:s2] =	ssyncadd.s32 $0xFFFFF800  }
0xab: {  	[tilespmem:s16], [sflag:$0x6] =	stream.linear.gather [hbm4b:s18+s16], $0x2800, $0x38;
	[tilespmem:$0x17500] =	vst v63  }
0xac: {  	_ =	swait.ge [sflag:s2], $0x2800  }
0xad: {  	[sflag:s2] =	ssyncset.done $0x0  }
0xae: {  	s18 =	rddreg [dreg:$0x5];
	[sflag:s2] =	ssyncadd.s32 $0xFFFFD800  }
0xaf: {  	[tilespmem:s0], [sflag:$0x6] =	stream.linear.gather [hbm4b:s18+s16], $0x2800, $0x38;
	[tilespmem:$0x17500] =	vst v63  }
0xb0: {  	_ =	swait.ge [sflag:s2], $0x2800  }
0xb1: {  	[sflag:s2] =	ssyncset.done $0x0  }
0xb2: {  	[sflag:s2] =	ssyncadd.s32 $0xFFFFD800  }
0xb3: {  	[bflag:$0x0] =	sbarrier.arrive $0xFFFF  }
0xb4: {  	[tilespmem:s7], [sflag:$0x1] =	stream.indirect.gather [hbm4b:s1+s6], $0x40, s16, s6, $0xb8;
	[tilespmem:$0x17500] =	vst v63  }
0xb5: {  	s17 =	simm.s32 $0x80  }
0xb6: {  	[tilespmem:s8], [sflag:$0x2] =	stream.indirect.gather [hbm4b:s1+s6], $0x40, s17, s6, $0xb8;
	[tilespmem:$0x17500] =	vst v63  }
0xb7: {  	s18 =	simm.s32 $0x100  }
0xb8: {  	[tilespmem:s9], [sflag:$0x3] =	stream.indirect.gather [hbm4b:s1+s6], $0x40, s18, s6, $0xb8;
	[tilespmem:$0x17500] =	vst v63  }
0xb9: {  	s17 =	simm.s32 $0x180  }
0xba: {  	[tilespmem:s10], [sflag:$0x4] =	stream.indirect.gather [hbm4b:s1+s6], $0x40, s17, s6, $0xb8;
	[tilespmem:$0x17500] =	vst v63  }
0xbb: {  	_ =	swait.ge [sflag:s11], $0x1F40  }
0xbc: {  	[sflag:s11] =	ssyncset.done $0x0  }
0xbd: {  	[sflag:s11] =	ssyncadd.s32 $0xFFFFE0C0  }
0xbe: {  	[spmem:s3] =	stream.indirect.scatter.add.bf16 [tilespmem:s7], [sflag:$0x5], $0x40, s0, s6, $0xb8;
	[tilespmem:$0x17500] =	vst v63  }
0xbf: {  	_ =	swait.ge [sflag:s12], $0x1F40  }
0xc0: {  	[sflag:s12] =	ssyncset.done $0x0  }
0xc1: {  	s18 =	simm.s32 $0x200;
	[sflag:s12] =	ssyncadd.s32 $0xFFFFE0C0  }
0xc2: {  	[tilespmem:s7], [sflag:$0x1] =	stream.indirect.gather [hbm4b:s1+s6], $0x40, s18, s6, $0xb8;
	[tilespmem:$0x17500] =	vst v63  }
0xc3: {  	_ =	swait.ge [sflag:s13], $0x1F40  }
0xc4: {  	[sflag:s13] =	ssyncset.done $0x0  }
0xc5: {  	s17 =	simm.s32 $0x2880;
	[sflag:s13] =	ssyncadd.s32 $0xFFFFE0C0  }
0xc6: {  	[spmem:s3] =	stream.indirect.scatter.add.bf16 [tilespmem:s8], [sflag:$0x5], $0x40, s17, s6, $0xb8;
	[tilespmem:$0x17500] =	vst v63  }
0xc7: {  	_ =	swait.ge [sflag:s12], $0x1F40  }
0xc8: {  	[sflag:s12] =	ssyncset.done $0x0  }
0xc9: {  	s18 =	simm.s32 $0x280;
	[sflag:s12] =	ssyncadd.s32 $0xFFFFE0C0  }
0xca: {  	[tilespmem:s8], [sflag:$0x2] =	stream.indirect.gather [hbm4b:s1+s6], $0x40, s18, s6, $0xb8;
	[tilespmem:$0x17500] =	vst v63  }
0xcb: {  	_ =	swait.ge [sflag:s14], $0x1F40  }
0xcc: {  	[sflag:s14] =	ssyncset.done $0x0  }
0xcd: {  	s17 =	simm.s32 $0x2900;
	[sflag:s14] =	ssyncadd.s32 $0xFFFFE0C0  }
0xce: {  	[spmem:s3] =	stream.indirect.scatter.add.bf16 [tilespmem:s9], [sflag:$0x5], $0x40, s17, s6, $0xb8;
	[tilespmem:$0x17500] =	vst v63  }
0xcf: {  	_ =	swait.ge [sflag:s12], $0x1F40  }
0xd0: {  	[sflag:s12] =	ssyncset.done $0x0  }
0xd1: {  	s18 =	simm.s32 $0x300;
	[sflag:s12] =	ssyncadd.s32 $0xFFFFE0C0  }
0xd2: {  	[tilespmem:s9], [sflag:$0x3] =	stream.indirect.gather [hbm4b:s1+s6], $0x40, s18, s6, $0xb8;
	[tilespmem:$0x17500] =	vst v63  }
0xd3: {  	_ =	swait.ge [sflag:s15], $0x1F40  }
0xd4: {  	[sflag:s15] =	ssyncset.done $0x0  }
0xd5: {  	s17 =	simm.s32 $0x2980;
	[sflag:s15] =	ssyncadd.s32 $0xFFFFE0C0  }
0xd6: {  	[spmem:s3] =	stream.indirect.scatter.add.bf16 [tilespmem:s10], [sflag:$0x5], $0x40, s17, s6, $0xb8;
	[tilespmem:$0x17500] =	vst v63  }
0xd7: {  	_ =	swait.ge [sflag:s12], $0x1F40  }
0xd8: {  	[sflag:s12] =	ssyncset.done $0x0  }
0xd9: {  	s18 =	simm.s32 $0x380;
	[sflag:s12] =	ssyncadd.s32 $0xFFFFE0C0  }
0xda: {  	[tilespmem:s10], [sflag:$0x4] =	stream.indirect.gather [hbm4b:s1+s6], $0x40, s18, s6, $0xb8;
	[tilespmem:$0x17500] =	vst v63  }
0xdb: {  	_ =	swait.ge [sflag:s11], $0x1F40  }
0xdc: {  	[sflag:s11] =	ssyncset.done $0x0  }
0xdd: {  	s16 =	simm.s32 $0x800;
	s17 =	simm.s32 $0x2A00;
	[sflag:s11] =	ssyncadd.s32 $0xFFFFE0C0  }
.LBB2_4:
0xde: {  	[spmem:s3] =	stream.indirect.scatter.add.bf16 [tilespmem:s7], [sflag:$0x5], $0x40, s17, s6, $0xb8;
	[tilespmem:$0x17500] =	vst v63  }
0xdf: {  	s17 =	smov.u32 s16  }
0xe0: {  	p0 =	sne.s32 s16, $0x9000;
	s16 =	sadd.s32 $0x800, s16;
	_ =	swait.ge [sflag:s12], $0x1F40  }
0xe1: {  	s17 =	sshra.s32 s17, $0x2;
	[sflag:s12] =	ssyncset.done $0x0  }
0xe2: {  	s18 =	sadd.s32 $0x200, s17;
	[sflag:s12] =	ssyncadd.s32 $0xFFFFE0C0  }
0xe3: {  	[tilespmem:s7], [sflag:$0x1] =	stream.indirect.gather [hbm4b:s1+s6], $0x40, s18, s6, $0xb8;
	[tilespmem:$0x17500] =	vst v63  }
0xe4: {  	_ =	swait.ge [sflag:s13], $0x1F40  }
0xe5: {  	[sflag:s13] =	ssyncset.done $0x0  }
0xe6: {  	s18 =	sadd.s32 $0x2880, s17;
	[sflag:s13] =	ssyncadd.s32 $0xFFFFE0C0  }
0xe7: {  	[spmem:s3] =	stream.indirect.scatter.add.bf16 [tilespmem:s8], [sflag:$0x5], $0x40, s18, s6, $0xb8;
	[tilespmem:$0x17500] =	vst v63  }
0xe8: {  	_ =	swait.ge [sflag:s12], $0x1F40  }
0xe9: {  	[sflag:s12] =	ssyncset.done $0x0  }
0xea: {  	s18 =	sadd.s32 $0x280, s17;
	[sflag:s12] =	ssyncadd.s32 $0xFFFFE0C0  }
0xeb: {  	[tilespmem:s8], [sflag:$0x2] =	stream.indirect.gather [hbm4b:s1+s6], $0x40, s18, s6, $0xb8;
	[tilespmem:$0x17500] =	vst v63  }
0xec: {  	_ =	swait.ge [sflag:s14], $0x1F40  }
0xed: {  	[sflag:s14] =	ssyncset.done $0x0  }
0xee: {  	s18 =	sadd.s32 $0x2900, s17;
	[sflag:s14] =	ssyncadd.s32 $0xFFFFE0C0  }
0xef: {  	[spmem:s3] =	stream.indirect.scatter.add.bf16 [tilespmem:s9], [sflag:$0x5], $0x40, s18, s6, $0xb8;
	[tilespmem:$0x17500] =	vst v63  }
0xf0: {  	_ =	swait.ge [sflag:s12], $0x1F40  }
0xf1: {  	[sflag:s12] =	ssyncset.done $0x0  }
0xf2: {  	s18 =	sadd.s32 $0x300, s17;
	[sflag:s12] =	ssyncadd.s32 $0xFFFFE0C0  }
0xf3: {  	[tilespmem:s9], [sflag:$0x3] =	stream.indirect.gather [hbm4b:s1+s6], $0x40, s18, s6, $0xb8;
	[tilespmem:$0x17500] =	vst v63  }
0xf4: {  	_ =	swait.ge [sflag:s15], $0x1F40  }
0xf5: {  	[sflag:s15] =	ssyncset.done $0x0  }
0xf6: {  	s18 =	sadd.s32 $0x2980, s17;
	[sflag:s15] =	ssyncadd.s32 $0xFFFFE0C0  }
0xf7: {  	[spmem:s3] =	stream.indirect.scatter.add.bf16 [tilespmem:s10], [sflag:$0x5], $0x40, s18, s6, $0xb8;
	[tilespmem:$0x17500] =	vst v63  }
0xf8: {  	_ =	swait.ge [sflag:s12], $0x1F40  }
0xf9: {  	[sflag:s12] =	ssyncset.done $0x0  }
.Ltmp1:
0xfa: {  	s18 =	sadd.s32 $0x380, s17;
	[sflag:s12] =	ssyncadd.s32 $0xFFFFE0C0;
	(pc) =	sbr.rel @p0 .LBB2_4-.Ltmp1, $4  }
0xfb: {  	[tilespmem:s10], [sflag:$0x4] =	stream.indirect.gather [hbm4b:s1+s6], $0x40, s18, s6, $0xb8;
	[tilespmem:$0x17500] =	vst v63  }
0xfc: {  	_ =	swait.ge [sflag:s11], $0x1F40  }
0xfd: {  	[sflag:s11] =	ssyncset.done $0x0  }
0xfe: {  	s17 =	sadd.s32 $0x2A00, s17;
	[sflag:s11] =	ssyncadd.s32 $0xFFFFE0C0  }
0xff: {  	[spmem:s3] =	stream.indirect.scatter.add.bf16 [tilespmem:s7], [sflag:$0x5], $0x40, s17, s6, $0xb8;
	[tilespmem:$0x17500] =	vst v63  }
0x100: {  	_ =	swait.ge [sflag:s12], $0x1F40  }
0x101: {  	[sflag:s12] =	ssyncset.done $0x0  }
0x102: {  	[sflag:s12] =	ssyncadd.s32 $0xFFFFE0C0  }
0x103: {  	_ =	swait.ge [sflag:s13], $0x1F40  }
0x104: {  	[sflag:s13] =	ssyncset.done $0x0  }
0x105: {  	s16 =	simm.s32 $0x4E80;
	[sflag:s13] =	ssyncadd.s32 $0xFFFFE0C0  }
0x106: {  	[spmem:s3] =	stream.indirect.scatter.add.bf16 [tilespmem:s8], [sflag:$0x5], $0x40, s16, s6, $0xb8;
	[tilespmem:$0x17500] =	vst v63  }
0x107: {  	_ =	swait.ge [sflag:s12], $0x1F40  }
0x108: {  	[sflag:s12] =	ssyncset.done $0x0  }
0x109: {  	[sflag:s12] =	ssyncadd.s32 $0xFFFFE0C0  }
0x10a: {  	_ =	swait.ge [sflag:s14], $0x1F40  }
0x10b: {  	[sflag:s14] =	ssyncset.done $0x0  }
0x10c: {  	s17 =	simm.s32 $0x4F00;
	[sflag:s14] =	ssyncadd.s32 $0xFFFFE0C0  }
0x10d: {  	[spmem:s3] =	stream.indirect.scatter.add.bf16 [tilespmem:s9], [sflag:$0x5], $0x40, s17, s6, $0xb8;
	[tilespmem:$0x17500] =	vst v63  }
0x10e: {  	_ =	swait.ge [sflag:s12], $0x1F40  }
0x10f: {  	[sflag:s12] =	ssyncset.done $0x0  }
0x110: {  	[sflag:s12] =	ssyncadd.s32 $0xFFFFE0C0  }
0x111: {  	_ =	swait.ge [sflag:s15], $0x1F40  }
0x112: {  	[sflag:s15] =	ssyncset.done $0x0  }
0x113: {  	s18 =	simm.s32 $0x4F80;
	[sflag:s15] =	ssyncadd.s32 $0xFFFFE0C0  }
0x114: {  	[spmem:s3] =	stream.indirect.scatter.add.bf16 [tilespmem:s10], [sflag:$0x5], $0x40, s18, s6, $0xb8;
	[tilespmem:$0x17500] =	vst v63  }
0x115: {  	_ =	swait.ge [sflag:s12], $0x1F40  }
0x116: {  	[sflag:s12] =	ssyncset.done $0x0  }
0x117: {  	s17 =	stileid.u32;
	[sflag:s12] =	ssyncadd.s32 $0xFFFFE0C0  }
0x118: {  	s16 =	sshll.u32 s17, $0x6;
	[bflag:$0x0] =	sbarrier.arrive $0xFFFF  }
0x119: {  	s16 =	sor.u32 $0x1C06, s16;
	s18 =	rddreg [dreg:$0x6]  }
0x11a: {  	[hbm:s18], [sflag:s16] =	dma.local [spmem:s25], $0x1400  }
0x11b: {  	_ =	swait.ge [sflag:s2], $0x1400  }
0x11c: {  	s4 =	sadd.s32 $0x1, s4;
	s18 =	rddreg [dreg:$0x7]  }
0x11d: {  	p0 =	sne.s32 s4, s18  }
.Ltmp2:
0x11e: {  	_ = 	snop;
	(pc) =	sbr.rel @p0 .LBB2_1-.Ltmp2, $3  }
0x11f: {  	_ =	sdelay $0x1  }
0x120: {  	[sflag:s2] =	ssyncset.done $0x0  }
0x121: {  	[sflag:s2] =	ssyncadd.s32 $0xFFFFEC00  }
0x122: {  	_ =	sfence.sel $0x180000  }
0x123: {  	[bflag:$0x0] =	sbarrier.arrive $0xFFFF  }
0x124: {  	_ =	strace $0x9000004A  }
0x125: {  	s0 =	stileid.u32;
	[bflag:$0x2] =	sbarrier.arrive $0xFFFF  }
0x126: {  	p0 =	sne.s32 s0, $0x0;
	s0 =	rddreg [dreg:$0x3]  }
0x127: {  	s0 =	sadd.s32 @!p0 $0x100000, s0  }
0x128: {  	[sflag:s0] =	ssyncadd.tile.s32 @!p0 $0x1;
	_ =	shalt  }
.Lfunc_end2:
_tile_overlayer_lowered:
.L_overlay_start_2:
0x129: {  	(tag) =	ssettag $0x2  }
0x12a: {  	s0 =	rddreg [dreg:$0x0];
	s2 =	stileid.u32  }
0x12b: {  	s1 =	rddreg [dreg:$0x1];
	p0 =	sne.s32 s2, $0x0  }
0x12c: {  	s3 =	rddreg [dreg:$0x2];
	[bflag:$0x3] =	sbarrier.arrive $0xFFFF;
	s2 =	simm.s32 @!p0 $0x1C06  }
0x12d: {  	[timem:s3], [sflag:s2] =	dma.local @!p0 [hbm:s0], s1  }
0x12e: {  	s0 =	simm.s32 @!p0 $0x6  }
0x12f: {  	_ =	swait.ge @!p0 [sflag:s0], s1  }
0x130: {  	s1 =	ssub.s32 @!p0 $0x0, s1;
	[sflag:s0] =	ssyncset.done @!p0 $0x0  }
0x131: {  	[sflag:s0] =	ssyncadd.s32 @!p0 s1  }
0x132: {  	[bflag:$0x3] =	sbarrier.arrive $0xFFFF  }
0x133: {  	_ =	shalt  }

// kernel: kernel.14.cloned.1.call-start
scs
__scs_entry_jumppad:
0x0: {  	(pc) =	sbr.rel $0x88, $3  }
0x1: {  	(tag) =	ssettag $0x0;
	lr =	simm.s32 $0x1  }
0x2: {  	[smem:$0x3F9B] =	sst lr;
	_ =	strace $0xD0000000  }
0x3: {  	_ = 	snop  }
0x4: {  	_ = 	snop  }
0x5: {  	_ = 	snop  }
0x6: {  	_ = 	snop  }
0x7: {  	_ = 	snop  }
__scs_overlays_trampoline_lowered:
0x8: {  	[smem:$0x3FAA] =	sst s0  }
0x9: {  	[smem:$0x3FAB] =	sst s1  }
0xa: {  	[smem:$0x3FAC] =	sst s2  }
0xb: {  	[smem:$0x3FAD] =	sst s3  }
0xc: {  	[smem:$0x3FAE] =	sst s4  }
0xd: {  	[smem:$0x3FAF] =	sst s5  }
0xe: {  	[smem:$0x3FB0] =	sst s6  }
0xf: {  	[smem:$0x3FB1] =	sst s7  }
0x10: {  	[smem:$0x3FB2] =	sst s8  }
0x11: {  	[smem:$0x3FB3] =	sst s9;
	s0 =	simm.s32 @!p0 $0x0  }
0x12: {  	s1 =	sld [smem:$0x3F99];
	s0 =	simm.s32 @p0 $0x1  }
0x13: {  	[smem:$0x3FB4] =	sst s0;
	s0 =	simm.s32 @!p1 $0x0  }
0x14: {  	s2 =	sld [smem:$0x3F98];
	s0 =	simm.s32 @p1 $0x1  }
0x15: {  	[smem:$0x3FB5] =	sst s0;
	s0 =	simm.s32 @!p2 $0x0  }
0x16: {  	s3 =	sld [smem:$0x3FDB];
	s0 =	simm.s32 @p2 $0x1  }
0x17: {  	s4 =	simm.s32 $0x1BF5;
	[smem:$0x3FB7] =	sst s0  }
0x18: {  	s0 =	sld [smem:$0x3F9A];
	_ =	swait.ge [sflag:s4], $0x0  }
0x19: {  	s7 =	sld [smem:$0x3F9B]  }
0x1a: {  	s8 =	sadd.s32 $0xFFFFE003, lr  }
0x1b: {  	s9 =	sadd.s32 $0xFFFFFEF7, lr;
	s5 =	simm.s32 $0xFFFFFFFF;
	p2 =	slt.u32 s8, $0xFFFFF086  }
0x1c: {  	p1 =	slt.u32 s9, $0xF7A;
	s5 =	simm.s32 @!p2 $0x0  }
0x1d: {  	s5 =	simm.s32 @p1 $0x1;
	p0 =	seq.s32 s7, s2  }
0x1e: {  	s7 =	smul.u32 @!p0 $0xF7A, s2;
	p2 =	seq.s32 @!p0 s5, $0x0  }
0x1f: {  	s9 =	smul.u32 $0xF7A, s1;
	s8 =	simm.s32 @!p0 $0x1BF5;
	p2 =	por !p2, p0  }
0x20: {  	[sflag:s8] =	ssyncset.s32 @!p0 $0xFFFFF086;
	s6 =	sadd.s32 @!p0 s3, s7;
	s7 =	simm.s32 @!p0 $0x108  }
0x21: {  	s3 =	sadd.s32 s3, s9;
	s6 =	sadd.s32 @!p0 $0x88, s6;
	s7 =	simm.s32 @p2 $0x1082  }
0x22: {  	[simem:s7], [sflag:s8] =	dma.local @!p0 [hbm:s6], $0xF7A  }
0x23: {  	s9 =	sor.u32 $0xD0000000, s2;
	s6 =	simm.s32 $0x108;
	_ =	swait.ge @!p0 [sflag:s8], $0x0  }
0x24: {  	s3 =	sadd.s32 $0x88, s3;
	s6 =	simm.s32 @!p1 $0x1082;
	[sflag:s4] =	ssyncset.s32 $0xFFFFF086  }
0x25: {  	[simem:s6], [sflag:s4] =	dma.local [hbm:s3], $0xF7A  }
0x26: {  	[smem:$0x3F9B] =	sst s1;
	(tag) =	ssettag s2;
	_ =	strace s9  }
0x27: {  	s1 =	sld [smem:$0x3FAB]  }
0x28: {  	s2 =	sld [smem:$0x3FAC]  }
0x29: {  	s4 =	sld [smem:$0x3FAE]  }
0x2a: {  	p0 =	seq.s32 s5, $0x0;
	s5 =	sld [smem:$0x3FAF]  }
0x2b: {  	s6 =	sld [smem:$0x3FB0]  }
0x2c: {  	s7 =	sld [smem:$0x3FB1]  }
0x2d: {  	s3 =	simm.s32 $0x108;
	s8 =	sld [smem:$0x3FB2]  }
0x2e: {  	s3 =	simm.s32 @!p0 $0x1082;
	s9 =	sld [smem:$0x3FB3]  }
0x2f: {  	lr =	sadd.s32 s0, s3;
	s0 =	sld [smem:$0x3FAA]  }
0x30: {  	s3 =	sld [smem:$0x3FAD]  }
0x31: {  	[smem:$0x3FB6] =	sst s10  }
0x32: {  	s10 =	sld [smem:$0x3FB4];
	_ =	sdelay $0x3  }
0x33: {  	p0 =	seq.s32 s10, $0x1;
	s10 =	sld [smem:$0x3FB6];
	_ =	sdelay $0x3  }
0x34: {  	[smem:$0x3FB6] =	sst s10  }
0x35: {  	s10 =	sld [smem:$0x3FB5];
	_ =	sdelay $0x3  }
0x36: {  	p1 =	seq.s32 s10, $0x1;
	s10 =	sld [smem:$0x3FB6];
	_ =	sdelay $0x3  }
0x37: {  	[smem:$0x3FB6] =	sst s10  }
0x38: {  	s10 =	sld [smem:$0x3FB7]  }
0x39: {  	_ = 	snop;
	(pc) =	sbr.ind lr, $3  }
0x3a: {  	_ = 	snop  }
0x3b: {  	_ = 	snop  }
0x3c: {  	p2 =	seq.s32 s10, $0x1;
	s10 =	sld [smem:$0x3FB6]  }
0x3d: {  	_ =	shalt  }
0x3e: {  	_ =	shalt  }
0x3f: {  	_ =	shalt  }
0x40: {  	_ =	shalt  }
0x41: {  	_ =	shalt  }
0x42: {  	_ =	shalt  }
0x43: {  	_ =	shalt  }
0x44: {  	_ =	shalt  }
0x45: {  	_ =	shalt  }
0x46: {  	_ =	shalt  }
0x47: {  	_ =	shalt  }
0x48: {  	_ =	shalt  }
0x49: {  	_ =	shalt  }
0x4a: {  	_ =	shalt  }
0x4b: {  	_ =	shalt  }
0x4c: {  	_ =	shalt  }
0x4d: {  	_ =	shalt  }
0x4e: {  	_ =	shalt  }
0x4f: {  	_ =	shalt  }
0x50: {  	_ =	shalt  }
0x51: {  	_ =	shalt  }
0x52: {  	_ =	shalt  }
0x53: {  	_ =	shalt  }
0x54: {  	_ =	shalt  }
0x55: {  	_ =	shalt  }
0x56: {  	_ =	shalt  }
0x57: {  	_ =	shalt  }
0x58: {  	_ =	shalt  }
0x59: {  	_ =	shalt  }
0x5a: {  	_ =	shalt  }
0x5b: {  	_ =	shalt  }
0x5c: {  	_ =	shalt  }
0x5d: {  	_ =	shalt  }
0x5e: {  	_ =	shalt  }
0x5f: {  	_ =	shalt  }
0x60: {  	_ =	shalt  }
0x61: {  	_ =	shalt  }
0x62: {  	_ =	shalt  }
0x63: {  	_ =	shalt  }
0x64: {  	_ =	shalt  }
0x65: {  	_ =	shalt  }
0x66: {  	_ =	shalt  }
0x67: {  	_ =	shalt  }
0x68: {  	_ =	shalt  }
0x69: {  	_ =	shalt  }
0x6a: {  	_ =	shalt  }
0x6b: {  	_ =	shalt  }
0x6c: {  	_ =	shalt  }
0x6d: {  	_ =	shalt  }
0x6e: {  	_ =	shalt  }
0x6f: {  	_ =	shalt  }
0x70: {  	_ =	shalt  }
0x71: {  	_ =	shalt  }
0x72: {  	_ =	shalt  }
0x73: {  	_ =	shalt  }
0x74: {  	_ =	shalt  }
0x75: {  	_ =	shalt  }
0x76: {  	_ =	shalt  }
0x77: {  	_ =	shalt  }
0x78: {  	_ =	shalt  }
0x79: {  	_ =	shalt  }
0x7a: {  	_ =	shalt  }
0x7b: {  	_ =	shalt  }
0x7c: {  	_ =	shalt  }
0x7d: {  	_ =	shalt  }
0x7e: {  	_ =	shalt  }
0x7f: {  	_ =	shalt  }
0x80: {  	_ =	shalt  }
0x81: {  	_ =	shalt  }
0x82: {  	_ =	shalt  }
0x83: {  	_ =	shalt  }
0x84: {  	_ =	shalt  }
0x85: {  	_ =	shalt  }
0x86: {  	_ =	shalt  }
0x87: {  	_ =	shalt  }
.Lfunc_end0:
.L_simem_size_0:
called_computation.2_lowered:
.L_overlay_start_0:
0x88: {  	s2 =	sld [smem:$0x3FD9]  }
0x89: {  	s3 =	sld [smem:$0x3FFE];
	_ =	sdelay $0x1  }
0x8a: {  	s1 =	srdreg.scid  }
0x8b: {  	s0 =	sand.u32 $0x1, s1  }
0x8c: {  	s17 =	sshll.u32 s0, $0xA;
	s2 =	sadd.s32 s3, s2  }
0x8d: {  	s2 =	sadd.s32 s2, s17  }
0x8e: {  	[smem:$0x3FC2] =	sst s2  }
0x8f: {  	_ = 	snop  }
0x90: {  	s2 =	sld [smem:$0x3FD0];
	(tm) =	ssettm $0x1  }
0x91: {  	s18 =	sld [smem:$0x3FFB];
	_ =	sdelay $0x3  }
0x92: {  	_ =	strace s18  }
0x93: {  	s3 =	sld [smem:$0x3FFC];
	_ =	sdelay $0x3  }
0x94: {  	_ =	strace s3  }
0x95: {  	s3 =	sld [smem:$0x3FFD];
	_ =	sdelay $0x3  }
0x96: {  	_ =	strace s3  }
0x97: {  	_ =	strace $0x8FFFFFFF  }
0x98: {  	s19 =	sld [smem:$0x3FDB];
	_ =	sdelay $0x1  }
0x99: {  	s4 =	simm.s32 $_scs_section_size  }
0x9a: {  	s5 =	simm.s32 $_size__tile_overlayer_lowered;
	s6 =	simm.s32 $_tile_overlayer_lowered  }
0x9b: {  	s22 =	simm.s32 $0x1BFF;
	s21 =	sshll.u32 s6, $0x1;
	s3 =	sadd.s32 s4, s19  }
0x9c: {  	s7 =	simm.s32 $0x0;
	s20 =	sshll.u32 s5, $0x1;
	s5 =	sadd.s32 s21, s3  }
0x9d: {  	[timem:s7], [sflag:s22] =	dma.local [hbm:s5], s20  }
0x9e: {  	_ =	swait.ge [sflag:s22], s20  }
0x9f: {  	s4 =	ssub.s32 $0x0, s20;
	[sflag:s22] =	ssyncset.done $0x0  }
0xa0: {  	[sflag:s22] =	ssyncadd.s32 s4;
	_ =	sdelay $0x1  }
0xa1: {  	s23 =	simm.s32 $0x1B8B  }
0xa2: {  	_ =	swait.ge [sflag:s23], $0x1  }
0xa3: {  	[sflag:s23] =	ssyncset.done $0x0  }
0xa4: {  	s25 =	simm.s32 $0x1B8E;
	s24 =	sld [smem:$0x3FFE];
	[sflag:s23] =	ssyncadd.s32 $0xFFFFFFFF  }
0xa5: {  	s26 =	simm.s32 $execute0_lowered;
	[smem:$0x3FD2] =	sst s25  }
0xa6: {  	s5 =	sshll.u32 s26, $0x1;
	_ =	strace $0x8000004C;
	[dreg:$0x1] =	wrdreg $0xFFFFFFFF  }
0xa7: {  	s28 =	simm.s32 $_size_execute0_lowered;
	s3 =	sadd.s32 s3, s5;
	[dreg:$0x0] =	wrdreg $0x0  }
0xa8: {  	s5 =	sshll.u32 s28, $0x1;
	[dreg:$0x2] =	wrdreg s3  }
0xa9: {  	[dreg:$0x3] =	wrdreg s5  }
0xaa: {  	[dreg:$0x4] =	wrdreg $0xC0  }
0xab: {  	_ =	task [dreg:s7], $0x5FFFF  }
0xac: {  	[dreg:$0x1] =	wrdreg $0xFFFFFFFF  }
0xad: {  	[dreg:$0x0] =	wrdreg $0x60  }
0xae: {  	[dreg:$0x2] =	wrdreg s2  }
0xaf: {  	[dreg:$0x3] =	wrdreg s24  }
0xb0: {  	[dreg:$0x4] =	wrdreg $0xD5000  }
0xb1: {  	[dreg:$0x5] =	wrdreg $0x9  }
0xb2: {  	_ =	task.clear_ibuf [dreg:s7], $0x6FFFF;
	_ =	strace $0x9000004C  }
0xb3: {  	s29 =	simm.s32 $0x9;
	_ =	strace $0x8000004E  }
0xb4: {  	_ =	swait.ge [sflag:s29], $0x1  }
0xb5: {  	[sflag:s29] =	ssyncadd.s32 $0xFFFFFFFF  }
0xb6: {  	_ =	strace $0x9000004E  }
0xb7: {  	_ =	sfence  }
0xb8: {  	s30 =	sld [smem:$0x0];
	_ =	sdelay $0x2  }
0xb9: {  	s31 =	sshll.u32 s1, $0xD;
	s1 =	sshrl.u32 s1, $0x2  }
0xba: {  	s3 =	sand.u32 $0x4000, s31;
	s1 =	sadd.s32 s1, s30  }
0xbb: {  	s0 =	sor.u32 s3, s0;
	s1 =	sshll.u32 s1, $0x11  }
0xbc: {  	s0 =	sor.u32 s1, s0  }
0xbd: {  	s0 =	sadd.s32 $0x8F2B, s0  }
0xbe: {  	[sflag:s0] =	ssyncadd.remote.s32 $0x1  }
0xbf: {  	_ =	sfence.sel $0xFFFF  }
0xc0: {  	[dreg:$0x0] =	wrdreg $0xFFFFFFFF;
	(pc) =	sbr.abs _section_cstart, $3  }
0xc1: {  	[dreg:$0x1] =	wrdreg $0xFFFFFFFF  }
0xc2: {  	_ =	task.clear_ibuf [dreg:s7], $0x2FFFF;
	_ =	strace $0x9FFFFFFF  }
0xc3: {  	(tm) =	ssettm $0x7FFFFFFF  }
tec
execute0_lowered:
.L_overlay_start_1:
0x0: {  	(tag) =	ssettag $0x1  }
0x1: {  	s0 =	srdreg.scid;
	s1 =	rddreg [dreg:$0x0]  }
0x2: {  	s8 =	stileid.u32;
	s5 =	rddreg [dreg:$0x1]  }
0x3: {  	s3 =	rddreg [dreg:$0x2];
	s4 =	simm.s32 $0x0;
	s31 =	simm.s32 $0xCD00  }
0x4: {  	s10 =	simm.s32 $0xADC0;
	s11 =	simm.s32 $0x1;
	s12 =	simm.s32 $0x5  }
0x5: {  	s13 =	simm.s32 $0x2;
	s14 =	simm.s32 $0x3;
	s0 =	sand.u32 $0x1, s0  }
0x6: {  	[smem:$0x7FF] =	sst s4;
	s7 =	smul.u32 $0x14000, s8;
	s2 =	sshll.u32 s0, $0x4  }
0x7: {  	s6 =	smul.u32 $0x140000, s0;
	s0 =	ssub.s32 $0x2, s0;
	s2 =	sor.u32 s8, s2  }
0x8: {  	_ =	strace $0x8000004D;
	s9 =	sshrl.u32 s0, $0x1;
	s2 =	smul.u32 $0x500, s2  }
0x9: {  	s8 =	smul.u32 $0x28000, s8;
	s6 =	sadd.s32 s7, s6;
	s0 =	ssub.s32 s0, s9  }
0xa: {  	s6 =	sshrl.u32 s6, $0x4;
	s0 =	smax.u32 s0, $0x1;
	s2 =	sadd.s32 s2, s5  }
0xb: {  	s8 =	sshrl.u32 s8, $0x2;
	[dreg:$0x7] =	wrdreg s0;
	s16 =	sadd.s32 $0x15600, s2  }
0xc: {  	s6 =	sadd.s32 s6, s5;
	s2 =	sadd.s32 $0xB600, s2;
	[dreg:$0x4] =	wrdreg s16  }
0xd: {  	s5 =	sadd.s32 s8, s3;
	s6 =	sadd.s32 $0x1F600, s6;
	[dreg:$0x5] =	wrdreg s2  }
0xe: {  	s15 =	simm.s32 $0x4;
	s18 =	sadd.s32 $0x800, s5;
	[dreg:$0x6] =	wrdreg s6  }
0xf: {  	s17 =	sshrl.u32 s7, $0x1;
	s19 =	sadd.s32 $0x1000, s5;
	[dreg:$0x8] =	wrdreg s18  }
0x10: {  	s7 =	simm.s32 $0x5000;
	s20 =	sadd.s32 $0x1800, s5;
	[dreg:$0x9] =	wrdreg s19  }
0x11: {  	s9 =	simm.s32 $0x8E80;
	s21 =	sadd.s32 $0x2000, s5;
	[dreg:$0xa] =	wrdreg s20  }
0x12: {  	s0 =	simm.s32 $0x2800;
	s22 =	sadd.s32 $0x2800, s5;
	[dreg:$0xb] =	wrdreg s21  }
0x13: {  	s8 =	simm.s32 $0x6F40;
	s23 =	sadd.s32 $0x3000, s5;
	[dreg:$0xc] =	wrdreg s22  }
0x14: {  	s24 =	sadd.s32 $0x3800, s5;
	s25 =	sadd.s32 $0x4000, s5;
	[dreg:$0xd] =	wrdreg s23  }
0x15: {  	s26 =	sadd.s32 $0x4800, s5;
	s28 =	sadd.s32 $0x8800, s5;
	[dreg:$0xe] =	wrdreg s24  }
0x16: {  	s29 =	sadd.s32 $0x9000, s5;
	s30 =	sadd.s32 $0x9800, s5;
	[dreg:$0xf] =	wrdreg s25  }
0x17: {  	s2 =	sadd.s32 s17, s3;
	[dreg:$0x10] =	wrdreg s26;
	s19 =	sadd.s32 $0x5000, s5  }
0x18: {  	s20 =	sadd.s32 $0x5800, s5;
	s21 =	sadd.s32 $0x6000, s5;
	s22 =	sadd.s32 $0x6800, s5  }
0x19: {  	s23 =	sadd.s32 $0x7000, s5;
	s24 =	sadd.s32 $0x7800, s5;
	s26 =	sadd.s32 $0x8000, s5  }
0x1a: {  	v0 =	vimm.bf16 $0.0e+00;
	s6 =	simm.s32 $0x7D;
	s25 =	sshrl.u32 s2, $0x3;
	s2 =	simm.s32 $0x6  }
.LBB2_1:
0x1b: {  	[tilespmem:s31+$0x0] =	vst.msk $0xff, v0  }
0x1c: {  	[tilespmem:s31+$0xF8] =	vst.msk $0xff, v0  }
0x1d: {  	[tilespmem:s31+$0xF0] =	vst.msk $0xff, v0  }
0x1e: {  	[tilespmem:s31+$0xE8] =	vst.msk $0xff, v0  }
0x1f: {  	[tilespmem:s31+$0xE0] =	vst.msk $0xff, v0  }
0x20: {  	[tilespmem:s31+$0xD8] =	vst.msk $0xff, v0  }
0x21: {  	[tilespmem:s31+$0xD0] =	vst.msk $0xff, v0  }
0x22: {  	[tilespmem:s31+$0xC8] =	vst.msk $0xff, v0  }
0x23: {  	[tilespmem:s31+$0xC0] =	vst.msk $0xff, v0  }
0x24: {  	[tilespmem:s31+$0xB8] =	vst.msk $0xff, v0  }
0x25: {  	[tilespmem:s31+$0xB0] =	vst.msk $0xff, v0  }
0x26: {  	[tilespmem:s31+$0xA8] =	vst.msk $0xff, v0  }
0x27: {  	[tilespmem:s31+$0xA0] =	vst.msk $0xff, v0  }
0x28: {  	[tilespmem:s31+$0x98] =	vst.msk $0xff, v0  }
0x29: {  	[tilespmem:s31+$0x90] =	vst.msk $0xff, v0  }
0x2a: {  	[tilespmem:s31+$0x88] =	vst.msk $0xff, v0  }
0x2b: {  	[tilespmem:s31+$0x80] =	vst.msk $0xff, v0  }
0x2c: {  	[tilespmem:s31+$0x78] =	vst.msk $0xff, v0  }
0x2d: {  	[tilespmem:s31+$0x70] =	vst.msk $0xff, v0  }
0x2e: {  	[tilespmem:s31+$0x68] =	vst.msk $0xff, v0  }
0x2f: {  	[tilespmem:s31+$0x60] =	vst.msk $0xff, v0  }
0x30: {  	[tilespmem:s31+$0x58] =	vst.msk $0xff, v0  }
0x31: {  	[tilespmem:s31+$0x50] =	vst.msk $0xff, v0  }
0x32: {  	[tilespmem:s31+$0x48] =	vst.msk $0xff, v0  }
0x33: {  	[tilespmem:s31+$0x40] =	vst.msk $0xff, v0  }
0x34: {  	[tilespmem:s31+$0x38] =	vst.msk $0xff, v0  }
0x35: {  	[tilespmem:s31+$0x30] =	vst.msk $0xff, v0  }
0x36: {  	[tilespmem:s31+$0x28] =	vst.msk $0xff, v0  }
0x37: {  	[tilespmem:s31+$0x20] =	vst.msk $0xff, v0  }
0x38: {  	[tilespmem:s31+$0x18] =	vst.msk $0xff, v0  }
0x39: {  	s16 =	simm.s32 $0x0;
	[tilespmem:s31+$0x10] =	vst.msk $0xff, v0;
	s17 =	simm.s32 $0xCD00  }
.LBB2_2:
0x3a: {  	s16 =	sadd.s32 $0x4, s16;
	[tilespmem:s17+$0x8] =	vst.msk $0xff, v0;
	s17 =	sadd.s32 $0x100, s17  }
0x3b: {  	[tilespmem:s17+$0x0] =	vst.msk $0xff, v0;
	p0 =	slt.u32 s16, $0x1C  }
0x3c: {  	[tilespmem:s17+$0xF8] =	vst.msk $0xff, v0  }
0x3d: {  	[tilespmem:s17+$0xF0] =	vst.msk $0xff, v0  }
0x3e: {  	[tilespmem:s17+$0xE8] =	vst.msk $0xff, v0  }
0x3f: {  	[tilespmem:s17+$0xE0] =	vst.msk $0xff, v0  }
0x40: {  	[tilespmem:s17+$0xD8] =	vst.msk $0xff, v0  }
0x41: {  	[tilespmem:s17+$0xD0] =	vst.msk $0xff, v0  }
0x42: {  	[tilespmem:s17+$0xC8] =	vst.msk $0xff, v0  }
0x43: {  	[tilespmem:s17+$0xC0] =	vst.msk $0xff, v0  }
0x44: {  	[tilespmem:s17+$0xB8] =	vst.msk $0xff, v0  }
0x45: {  	[tilespmem:s17+$0xB0] =	vst.msk $0xff, v0  }
0x46: {  	[tilespmem:s17+$0xA8] =	vst.msk $0xff, v0  }
0x47: {  	[tilespmem:s17+$0xA0] =	vst.msk $0xff, v0  }
0x48: {  	[tilespmem:s17+$0x98] =	vst.msk $0xff, v0  }
0x49: {  	[tilespmem:s17+$0x90] =	vst.msk $0xff, v0  }
0x4a: {  	[tilespmem:s17+$0x88] =	vst.msk $0xff, v0  }
0x4b: {  	[tilespmem:s17+$0x80] =	vst.msk $0xff, v0  }
0x4c: {  	[tilespmem:s17+$0x78] =	vst.msk $0xff, v0  }
0x4d: {  	[tilespmem:s17+$0x70] =	vst.msk $0xff, v0  }
0x4e: {  	[tilespmem:s17+$0x68] =	vst.msk $0xff, v0  }
0x4f: {  	[tilespmem:s17+$0x60] =	vst.msk $0xff, v0  }
0x50: {  	[tilespmem:s17+$0x58] =	vst.msk $0xff, v0  }
0x51: {  	[tilespmem:s17+$0x50] =	vst.msk $0xff, v0  }
0x52: {  	[tilespmem:s17+$0x48] =	vst.msk $0xff, v0  }
0x53: {  	[tilespmem:s17+$0x40] =	vst.msk $0xff, v0  }
0x54: {  	[tilespmem:s17+$0x38] =	vst.msk $0xff, v0  }
.Ltmp0:
0x55: {  	[tilespmem:s17+$0x30] =	vst.msk $0xff, v0;
	(pc) =	sbr.rel @p0 .LBB2_2-.Ltmp0, $4  }
0x56: {  	[tilespmem:s17+$0x28] =	vst.msk $0xff, v0  }
0x57: {  	[tilespmem:s17+$0x20] =	vst.msk $0xff, v0  }
0x58: {  	[tilespmem:s17+$0x18] =	vst.msk $0xff, v0  }
0x59: {  	[tilespmem:s17+$0x10] =	vst.msk $0xff, v0  }
0x5a: {  	[tilespmem:s17+$0x8] =	vst.msk $0xff, v0  }
0x5b: {  	[spmem:s5] =	stream.linear.scatter [tilespmem:s31], [sflag:$0x6], $0x800, $0x38;
	[tilespmem:$0x17500] =	vst v63  }
0x5c: {  	_ =	swait.ge [sflag:s2], $0x800  }
0x5d: {  	[sflag:s2] =	ssyncset.done $0x0  }
0x5e: {  	s16 =	rddreg [dreg:$0x8];
	[sflag:s2] =	ssyncadd.s32 $0xFFFFF800  }
0x5f: {  	[spmem:s16] =	stream.linear.scatter [tilespmem:s31], [sflag:$0x6], $0x800, $0x38;
	[tilespmem:$0x17500] =	vst v63  }
0x60: {  	_ =	swait.ge [sflag:s2], $0x800  }
0x61: {  	[sflag:s2] =	ssyncset.done $0x0  }
0x62: {  	s18 =	rddreg [dreg:$0x9];
	[sflag:s2] =	ssyncadd.s32 $0xFFFFF800  }
0x63: {  	[spmem:s18] =	stream.linear.scatter [tilespmem:s31], [sflag:$0x6], $0x800, $0x38;
	[tilespmem:$0x17500] =	vst v63  }
0x64: {  	_ =	swait.ge [sflag:s2], $0x800  }
0x65: {  	[sflag:s2] =	ssyncset.done $0x0  }
0x66: {  	s17 =	rddreg [dreg:$0xa];
	[sflag:s2] =	ssyncadd.s32 $0xFFFFF800  }
0x67: {  	[spmem:s17] =	stream.linear.scatter [tilespmem:s31], [sflag:$0x6], $0x800, $0x38;
	[tilespmem:$0x17500] =	vst v63  }
0x68: {  	_ =	swait.ge [sflag:s2], $0x800  }
0x69: {  	[sflag:s2] =	ssyncset.done $0x0  }
0x6a: {  	s18 =	rddreg [dreg:$0xb];
	[sflag:s2] =	ssyncadd.s32 $0xFFFFF800  }
0x6b: {  	[spmem:s18] =	stream.linear.scatter [tilespmem:s31], [sflag:$0x6], $0x800, $0x38;
	[tilespmem:$0x17500] =	vst v63  }
0x6c: {  	_ =	swait.ge [sflag:s2], $0x800  }
0x6d: {  	[sflag:s2] =	ssyncset.done $0x0  }
0x6e: {  	s17 =	rddreg [dreg:$0xc];
	[sflag:s2] =	ssyncadd.s32 $0xFFFFF800  }
0x6f: {  	[spmem:s17] =	stream.linear.scatter [tilespmem:s31], [sflag:$0x6], $0x800, $0x38;
	[tilespmem:$0x17500] =	vst v63  }
0x70: {  	_ =	swait.ge [sflag:s2], $0x800  }
0x71: {  	[sflag:s2] =	ssyncset.done $0x0  }
0x72: {  	s18 =	rddreg [dreg:$0xd];
	[sflag:s2] =	ssyncadd.s32 $0xFFFFF800  }
0x73: {  	[spmem:s18] =	stream.linear.scatter [tilespmem:s31], [sflag:$0x6], $0x800, $0x38;
	[tilespmem:$0x17500] =	vst v63  }
0x74: {  	_ =	swait.ge [sflag:s2], $0x800  }
0x75: {  	[sflag:s2] =	ssyncset.done $0x0  }
0x76: {  	s17 =	rddreg [dreg:$0xe];
	[sflag:s2] =	ssyncadd.s32 $0xFFFFF800  }
0x77: {  	[spmem:s17] =	stream.linear.scatter [tilespmem:s31], [sflag:$0x6], $0x800, $0x38;
	[tilespmem:$0x17500] =	vst v63  }
0x78: {  	_ =	swait.ge [sflag:s2], $0x800  }
0x79: {  	[sflag:s2] =	ssyncset.done $0x0  }
0x7a: {  	s18 =	rddreg [dreg:$0xf];
	[sflag:s2] =	ssyncadd.s32 $0xFFFFF800  }
0x7b: {  	[spmem:s18] =	stream.linear.scatter [tilespmem:s31], [sflag:$0x6], $0x800, $0x38;
	[tilespmem:$0x17500] =	vst v63  }
0x7c: {  	_ =	swait.ge [sflag:s2], $0x800  }
0x7d: {  	[sflag:s2] =	ssyncset.done $0x0  }
0x7e: {  	s17 =	rddreg [dreg:$0x10];
	[sflag:s2] =	ssyncadd.s32 $0xFFFFF800  }
0x7f: {  	[spmem:s17] =	stream.linear.scatter [tilespmem:s31], [sflag:$0x6], $0x800, $0x38;
	[tilespmem:$0x17500] =	vst v63  }
0x80: {  	_ =	swait.ge [sflag:s2], $0x800  }
0x81: {  	[sflag:s2] =	ssyncset.done $0x0  }
0x82: {  	[sflag:s2] =	ssyncadd.s32 $0xFFFFF800  }
0x83: {  	[spmem:s19] =	stream.linear.scatter [tilespmem:s31], [sflag:$0x6], $0x800, $0x38;
	[tilespmem:$0x17500] =	vst v63  }
0x84: {  	_ =	swait.ge [sflag:s2], $0x800  }
0x85: {  	[sflag:s2] =	ssyncset.done $0x0  }
0x86: {  	[sflag:s2] =	ssyncadd.s32 $0xFFFFF800  }
0x87: {  	[spmem:s20] =	stream.linear.scatter [tilespmem:s31], [sflag:$0x6], $0x800, $0x38;
	[tilespmem:$0x17500] =	vst v63  }
0x88: {  	_ =	swait.ge [sflag:s2], $0x800  }
0x89: {  	[sflag:s2] =	ssyncset.done $0x0  }
0x8a: {  	[sflag:s2] =	ssyncadd.s32 $0xFFFFF800  }
0x8b: {  	[spmem:s21] =	stream.linear.scatter [tilespmem:s31], [sflag:$0x6], $0x800, $0x38;
	[tilespmem:$0x17500] =	vst v63  }
0x8c: {  	_ =	swait.ge [sflag:s2], $0x800  }
0x8d: {  	[sflag:s2] =	ssyncset.done $0x0  }
0x8e: {  	[sflag:s2] =	ssyncadd.s32 $0xFFFFF800  }
0x8f: {  	[spmem:s22] =	stream.linear.scatter [tilespmem:s31], [sflag:$0x6], $0x800, $0x38;
	[tilespmem:$0x17500] =	vst v63  }
0x90: {  	_ =	swait.ge [sflag:s2], $0x800  }
0x91: {  	[sflag:s2] =	ssyncset.done $0x0  }
0x92: {  	[sflag:s2] =	ssyncadd.s32 $0xFFFFF800  }
0x93: {  	[spmem:s23] =	stream.linear.scatter [tilespmem:s31], [sflag:$0x6], $0x800, $0x38;
	[tilespmem:$0x17500] =	vst v63  }
0x94: {  	_ =	swait.ge [sflag:s2], $0x800  }
0x95: {  	[sflag:s2] =	ssyncset.done $0x0  }
0x96: {  	[sflag:s2] =	ssyncadd.s32 $0xFFFFF800  }
0x97: {  	[spmem:s24] =	stream.linear.scatter [tilespmem:s31], [sflag:$0x6], $0x800, $0x38;
	[tilespmem:$0x17500] =	vst v63  }
0x98: {  	_ =	swait.ge [sflag:s2], $0x800  }
0x99: {  	[sflag:s2] =	ssyncset.done $0x0  }
0x9a: {  	[sflag:s2] =	ssyncadd.s32 $0xFFFFF800  }
0x9b: {  	[spmem:s26] =	stream.linear.scatter [tilespmem:s31], [sflag:$0x6], $0x800, $0x38;
	[tilespmem:$0x17500] =	vst v63  }
0x9c: {  	_ =	swait.ge [sflag:s2], $0x800  }
0x9d: {  	[sflag:s2] =	ssyncset.done $0x0  }
0x9e: {  	[sflag:s2] =	ssyncadd.s32 $0xFFFFF800  }
0x9f: {  	[spmem:s28] =	stream.linear.scatter [tilespmem:s31], [sflag:$0x6], $0x800, $0x38;
	[tilespmem:$0x17500] =	vst v63  }
0xa0: {  	_ =	swait.ge [sflag:s2], $0x800  }
0xa1: {  	[sflag:s2] =	ssyncset.done $0x0  }
0xa2: {  	[sflag:s2] =	ssyncadd.s32 $0xFFFFF800  }
0xa3: {  	[spmem:s29] =	stream.linear.scatter [tilespmem:s31], [sflag:$0x6], $0x800, $0x38;
	[tilespmem:$0x17500] =	vst v63  }
0xa4: {  	_ =	swait.ge [sflag:s2], $0x800  }
0xa5: {  	[sflag:s2] =	ssyncset.done $0x0  }
0xa6: {  	[sflag:s2] =	ssyncadd.s32 $0xFFFFF800  }
0xa7: {  	[spmem:s30] =	stream.linear.scatter [tilespmem:s31], [sflag:$0x6], $0x800, $0x38;
	[tilespmem:$0x17500] =	vst v63  }
0xa8: {  	_ =	swait.ge [sflag:s2], $0x800  }
0xa9: {  	[sflag:s2] =	ssyncset.done $0x0  }
0xaa: {  	s16 =	simm.s32 $0x0;
	s18 =	rddreg [dreg:$0x4];
	[sflag:s2] =	ssyncadd.s32 $0xFFFFF800  }
0xab: {  	[tilespmem:s16], [sflag:$0x6] =	stream.linear.gather [hbm4b:s18+s16], $0x2800, $0x38;
	[tilespmem:$0x17500] =	vst v63  }
0xac: {  	_ =	swait.ge [sflag:s2], $0x2800  }
0xad: {  	[sflag:s2] =	ssyncset.done $0x0  }
0xae: {  	s18 =	rddreg [dreg:$0x5];
	[sflag:s2] =	ssyncadd.s32 $0xFFFFD800  }
0xaf: {  	[tilespmem:s0], [sflag:$0x6] =	stream.linear.gather [hbm4b:s18+s16], $0x2800, $0x38;
	[tilespmem:$0x17500] =	vst v63  }
0xb0: {  	_ =	swait.ge [sflag:s2], $0x2800  }
0xb1: {  	[sflag:s2] =	ssyncset.done $0x0  }
0xb2: {  	[sflag:s2] =	ssyncadd.s32 $0xFFFFD800  }
0xb3: {  	[bflag:$0x0] =	sbarrier.arrive $0xFFFF  }
0xb4: {  	[tilespmem:s7], [sflag:$0x1] =	stream.indirect.gather [hbm4b:s1+s6], $0x40, s16, s6, $0xb8;
	[tilespmem:$0x17500] =	vst v63  }
0xb5: {  	s17 =	simm.s32 $0x80  }
0xb6: {  	[tilespmem:s8], [sflag:$0x2] =	stream.indirect.gather [hbm4b:s1+s6], $0x40, s17, s6, $0xb8;
	[tilespmem:$0x17500] =	vst v63  }
0xb7: {  	s18 =	simm.s32 $0x100  }
0xb8: {  	[tilespmem:s9], [sflag:$0x3] =	stream.indirect.gather [hbm4b:s1+s6], $0x40, s18, s6, $0xb8;
	[tilespmem:$0x17500] =	vst v63  }
0xb9: {  	s17 =	simm.s32 $0x180  }
0xba: {  	[tilespmem:s10], [sflag:$0x4] =	stream.indirect.gather [hbm4b:s1+s6], $0x40, s17, s6, $0xb8;
	[tilespmem:$0x17500] =	vst v63  }
0xbb: {  	_ =	swait.ge [sflag:s11], $0x1F40  }
0xbc: {  	[sflag:s11] =	ssyncset.done $0x0  }
0xbd: {  	[sflag:s11] =	ssyncadd.s32 $0xFFFFE0C0  }
0xbe: {  	[spmem:s3] =	stream.indirect.scatter.add.bf16 [tilespmem:s7], [sflag:$0x5], $0x40, s0, s6, $0xb8;
	[tilespmem:$0x17500] =	vst v63  }
0xbf: {  	_ =	swait.ge [sflag:s12], $0x1F40  }
0xc0: {  	[sflag:s12] =	ssyncset.done $0x0  }
0xc1: {  	s18 =	simm.s32 $0x200;
	[sflag:s12] =	ssyncadd.s32 $0xFFFFE0C0  }
0xc2: {  	[tilespmem:s7], [sflag:$0x1] =	stream.indirect.gather [hbm4b:s1+s6], $0x40, s18, s6, $0xb8;
	[tilespmem:$0x17500] =	vst v63  }
0xc3: {  	_ =	swait.ge [sflag:s13], $0x1F40  }
0xc4: {  	[sflag:s13] =	ssyncset.done $0x0  }
0xc5: {  	s17 =	simm.s32 $0x2880;
	[sflag:s13] =	ssyncadd.s32 $0xFFFFE0C0  }
0xc6: {  	[spmem:s3] =	stream.indirect.scatter.add.bf16 [tilespmem:s8], [sflag:$0x5], $0x40, s17, s6, $0xb8;
	[tilespmem:$0x17500] =	vst v63  }
0xc7: {  	_ =	swait.ge [sflag:s12], $0x1F40  }
0xc8: {  	[sflag:s12] =	ssyncset.done $0x0  }
0xc9: {  	s18 =	simm.s32 $0x280;
	[sflag:s12] =	ssyncadd.s32 $0xFFFFE0C0  }
0xca: {  	[tilespmem:s8], [sflag:$0x2] =	stream.indirect.gather [hbm4b:s1+s6], $0x40, s18, s6, $0xb8;
	[tilespmem:$0x17500] =	vst v63  }
0xcb: {  	_ =	swait.ge [sflag:s14], $0x1F40  }
0xcc: {  	[sflag:s14] =	ssyncset.done $0x0  }
0xcd: {  	s17 =	simm.s32 $0x2900;
	[sflag:s14] =	ssyncadd.s32 $0xFFFFE0C0  }
0xce: {  	[spmem:s3] =	stream.indirect.scatter.add.bf16 [tilespmem:s9], [sflag:$0x5], $0x40, s17, s6, $0xb8;
	[tilespmem:$0x17500] =	vst v63  }
0xcf: {  	_ =	swait.ge [sflag:s12], $0x1F40  }
0xd0: {  	[sflag:s12] =	ssyncset.done $0x0  }
0xd1: {  	s18 =	simm.s32 $0x300;
	[sflag:s12] =	ssyncadd.s32 $0xFFFFE0C0  }
0xd2: {  	[tilespmem:s9], [sflag:$0x3] =	stream.indirect.gather [hbm4b:s1+s6], $0x40, s18, s6, $0xb8;
	[tilespmem:$0x17500] =	vst v63  }
0xd3: {  	_ =	swait.ge [sflag:s15], $0x1F40  }
0xd4: {  	[sflag:s15] =	ssyncset.done $0x0  }
0xd5: {  	s17 =	simm.s32 $0x2980;
	[sflag:s15] =	ssyncadd.s32 $0xFFFFE0C0  }
0xd6: {  	[spmem:s3] =	stream.indirect.scatter.add.bf16 [tilespmem:s10], [sflag:$0x5], $0x40, s17, s6, $0xb8;
	[tilespmem:$0x17500] =	vst v63  }
0xd7: {  	_ =	swait.ge [sflag:s12], $0x1F40  }
0xd8: {  	[sflag:s12] =	ssyncset.done $0x0  }
0xd9: {  	s18 =	simm.s32 $0x380;
	[sflag:s12] =	ssyncadd.s32 $0xFFFFE0C0  }
0xda: {  	[tilespmem:s10], [sflag:$0x4] =	stream.indirect.gather [hbm4b:s1+s6], $0x40, s18, s6, $0xb8;
	[tilespmem:$0x17500] =	vst v63  }
0xdb: {  	_ =	swait.ge [sflag:s11], $0x1F40  }
0xdc: {  	[sflag:s11] =	ssyncset.done $0x0  }
0xdd: {  	s16 =	simm.s32 $0x800;
	s17 =	simm.s32 $0x2A00;
	[sflag:s11] =	ssyncadd.s32 $0xFFFFE0C0  }
.LBB2_4:
0xde: {  	[spmem:s3] =	stream.indirect.scatter.add.bf16 [tilespmem:s7], [sflag:$0x5], $0x40, s17, s6, $0xb8;
	[tilespmem:$0x17500] =	vst v63  }
0xdf: {  	s17 =	smov.u32 s16  }
0xe0: {  	p0 =	sne.s32 s16, $0x9000;
	s16 =	sadd.s32 $0x800, s16;
	_ =	swait.ge [sflag:s12], $0x1F40  }
0xe1: {  	s17 =	sshra.s32 s17, $0x2;
	[sflag:s12] =	ssyncset.done $0x0  }
0xe2: {  	s18 =	sadd.s32 $0x200, s17;
	[sflag:s12] =	ssyncadd.s32 $0xFFFFE0C0  }
0xe3: {  	[tilespmem:s7], [sflag:$0x1] =	stream.indirect.gather [hbm4b:s1+s6], $0x40, s18, s6, $0xb8;
	[tilespmem:$0x17500] =	vst v63  }
0xe4: {  	_ =	swait.ge [sflag:s13], $0x1F40  }
0xe5: {  	[sflag:s13] =	ssyncset.done $0x0  }
0xe6: {  	s18 =	sadd.s32 $0x2880, s17;
	[sflag:s13] =	ssyncadd.s32 $0xFFFFE0C0  }
0xe7: {  	[spmem:s3] =	stream.indirect.scatter.add.bf16 [tilespmem:s8], [sflag:$0x5], $0x40, s18, s6, $0xb8;
	[tilespmem:$0x17500] =	vst v63  }
0xe8: {  	_ =	swait.ge [sflag:s12], $0x1F40  }
0xe9: {  	[sflag:s12] =	ssyncset.done $0x0  }
0xea: {  	s18 =	sadd.s32 $0x280, s17;
	[sflag:s12] =	ssyncadd.s32 $0xFFFFE0C0  }
0xeb: {  	[tilespmem:s8], [sflag:$0x2] =	stream.indirect.gather [hbm4b:s1+s6], $0x40, s18, s6, $0xb8;
	[tilespmem:$0x17500] =	vst v63  }
0xec: {  	_ =	swait.ge [sflag:s14], $0x1F40  }
0xed: {  	[sflag:s14] =	ssyncset.done $0x0  }
0xee: {  	s18 =	sadd.s32 $0x2900, s17;
	[sflag:s14] =	ssyncadd.s32 $0xFFFFE0C0  }
0xef: {  	[spmem:s3] =	stream.indirect.scatter.add.bf16 [tilespmem:s9], [sflag:$0x5], $0x40, s18, s6, $0xb8;
	[tilespmem:$0x17500] =	vst v63  }
0xf0: {  	_ =	swait.ge [sflag:s12], $0x1F40  }
0xf1: {  	[sflag:s12] =	ssyncset.done $0x0  }
0xf2: {  	s18 =	sadd.s32 $0x300, s17;
	[sflag:s12] =	ssyncadd.s32 $0xFFFFE0C0  }
0xf3: {  	[tilespmem:s9], [sflag:$0x3] =	stream.indirect.gather [hbm4b:s1+s6], $0x40, s18, s6, $0xb8;
	[tilespmem:$0x17500] =	vst v63  }
0xf4: {  	_ =	swait.ge [sflag:s15], $0x1F40  }
0xf5: {  	[sflag:s15] =	ssyncset.done $0x0  }
0xf6: {  	s18 =	sadd.s32 $0x2980, s17;
	[sflag:s15] =	ssyncadd.s32 $0xFFFFE0C0  }
0xf7: {  	[spmem:s3] =	stream.indirect.scatter.add.bf16 [tilespmem:s10], [sflag:$0x5], $0x40, s18, s6, $0xb8;
	[tilespmem:$0x17500] =	vst v63  }
0xf8: {  	_ =	swait.ge [sflag:s12], $0x1F40  }
0xf9: {  	[sflag:s12] =	ssyncset.done $0x0  }
.Ltmp1:
0xfa: {  	s18 =	sadd.s32 $0x380, s17;
	[sflag:s12] =	ssyncadd.s32 $0xFFFFE0C0;
	(pc) =	sbr.rel @p0 .LBB2_4-.Ltmp1, $4  }
0xfb: {  	[tilespmem:s10], [sflag:$0x4] =	stream.indirect.gather [hbm4b:s1+s6], $0x40, s18, s6, $0xb8;
	[tilespmem:$0x17500] =	vst v63  }
0xfc: {  	_ =	swait.ge [sflag:s11], $0x1F40  }
0xfd: {  	[sflag:s11] =	ssyncset.done $0x0  }
0xfe: {  	s17 =	sadd.s32 $0x2A00, s17;
	[sflag:s11] =	ssyncadd.s32 $0xFFFFE0C0  }
0xff: {  	[spmem:s3] =	stream.indirect.scatter.add.bf16 [tilespmem:s7], [sflag:$0x5], $0x40, s17, s6, $0xb8;
	[tilespmem:$0x17500] =	vst v63  }
0x100: {  	_ =	swait.ge [sflag:s12], $0x1F40  }
0x101: {  	[sflag:s12] =	ssyncset.done $0x0  }
0x102: {  	[sflag:s12] =	ssyncadd.s32 $0xFFFFE0C0  }
0x103: {  	_ =	swait.ge [sflag:s13], $0x1F40  }
0x104: {  	[sflag:s13] =	ssyncset.done $0x0  }
0x105: {  	s16 =	simm.s32 $0x4E80;
	[sflag:s13] =	ssyncadd.s32 $0xFFFFE0C0  }
0x106: {  	[spmem:s3] =	stream.indirect.scatter.add.bf16 [tilespmem:s8], [sflag:$0x5], $0x40, s16, s6, $0xb8;
	[tilespmem:$0x17500] =	vst v63  }
0x107: {  	_ =	swait.ge [sflag:s12], $0x1F40  }
0x108: {  	[sflag:s12] =	ssyncset.done $0x0  }
0x109: {  	[sflag:s12] =	ssyncadd.s32 $0xFFFFE0C0  }
0x10a: {  	_ =	swait.ge [sflag:s14], $0x1F40  }
0x10b: {  	[sflag:s14] =	ssyncset.done $0x0  }
0x10c: {  	s17 =	simm.s32 $0x4F00;
	[sflag:s14] =	ssyncadd.s32 $0xFFFFE0C0  }
0x10d: {  	[spmem:s3] =	stream.indirect.scatter.add.bf16 [tilespmem:s9], [sflag:$0x5], $0x40, s17, s6, $0xb8;
	[tilespmem:$0x17500] =	vst v63  }
0x10e: {  	_ =	swait.ge [sflag:s12], $0x1F40  }
0x10f: {  	[sflag:s12] =	ssyncset.done $0x0  }
0x110: {  	[sflag:s12] =	ssyncadd.s32 $0xFFFFE0C0  }
0x111: {  	_ =	swait.ge [sflag:s15], $0x1F40  }
0x112: {  	[sflag:s15] =	ssyncset.done $0x0  }
0x113: {  	s18 =	simm.s32 $0x4F80;
	[sflag:s15] =	ssyncadd.s32 $0xFFFFE0C0  }
0x114: {  	[spmem:s3] =	stream.indirect.scatter.add.bf16 [tilespmem:s10], [sflag:$0x5], $0x40, s18, s6, $0xb8;
	[tilespmem:$0x17500] =	vst v63  }
0x115: {  	_ =	swait.ge [sflag:s12], $0x1F40  }
0x116: {  	[sflag:s12] =	ssyncset.done $0x0  }
0x117: {  	s17 =	stileid.u32;
	[sflag:s12] =	ssyncadd.s32 $0xFFFFE0C0  }
0x118: {  	s16 =	sshll.u32 s17, $0x6;
	[bflag:$0x0] =	sbarrier.arrive $0xFFFF  }
0x119: {  	s16 =	sor.u32 $0x1C06, s16;
	s18 =	rddreg [dreg:$0x6]  }
0x11a: {  	[hbm:s18], [sflag:s16] =	dma.local [spmem:s25], $0x1400  }
0x11b: {  	_ =	swait.ge [sflag:s2], $0x1400  }
0x11c: {  	s4 =	sadd.s32 $0x1, s4;
	s18 =	rddreg [dreg:$0x7]  }
0x11d: {  	p0 =	sne.s32 s4, s18  }
.Ltmp2:
0x11e: {  	_ = 	snop;
	(pc) =	sbr.rel @p0 .LBB2_1-.Ltmp2, $3  }
0x11f: {  	_ =	sdelay $0x1  }
0x120: {  	[sflag:s2] =	ssyncset.done $0x0  }
0x121: {  	[sflag:s2] =	ssyncadd.s32 $0xFFFFEC00  }
0x122: {  	_ =	sfence.sel $0x180000  }
0x123: {  	[bflag:$0x0] =	sbarrier.arrive $0xFFFF  }
0x124: {  	_ =	strace $0x9000004D  }
0x125: {  	s0 =	stileid.u32;
	[bflag:$0x2] =	sbarrier.arrive $0xFFFF  }
0x126: {  	p0 =	sne.s32 s0, $0x0;
	s0 =	rddreg [dreg:$0x3]  }
0x127: {  	s0 =	sadd.s32 @!p0 $0x100000, s0  }
0x128: {  	[sflag:s0] =	ssyncadd.tile.s32 @!p0 $0x1;
	_ =	shalt  }
.Lfunc_end2:
_tile_overlayer_lowered:
.L_overlay_start_2:
0x129: {  	(tag) =	ssettag $0x2  }
0x12a: {  	s0 =	rddreg [dreg:$0x0];
	s2 =	stileid.u32  }
0x12b: {  	s1 =	rddreg [dreg:$0x1];
	p0 =	sne.s32 s2, $0x0  }
0x12c: {  	s3 =	rddreg [dreg:$0x2];
	[bflag:$0x3] =	sbarrier.arrive $0xFFFF;
	s2 =	simm.s32 @!p0 $0x1C06  }
0x12d: {  	[timem:s3], [sflag:s2] =	dma.local @!p0 [hbm:s0], s1  }
0x12e: {  	s0 =	simm.s32 @!p0 $0x6  }
0x12f: {  	_ =	swait.ge @!p0 [sflag:s0], s1  }
0x130: {  	s1 =	ssub.s32 @!p0 $0x0, s1;
	[sflag:s0] =	ssyncset.done @!p0 $0x0  }
0x131: {  	[sflag:s0] =	ssyncadd.s32 @!p0 s1  }
0x132: {  	[bflag:$0x3] =	sbarrier.arrive $0xFFFF  }
0x133: {  	_ =	shalt  }

// kernel: kernel.8.cloned.1.call-start
scs
__scs_entry_jumppad:
0x0: {  	(pc) =	sbr.rel $0x88, $3  }
0x1: {  	(tag) =	ssettag $0x0;
	lr =	simm.s32 $0x1  }
0x2: {  	[smem:$0x3F9B] =	sst lr;
	_ =	strace $0xD0000000  }
0x3: {  	_ = 	snop  }
0x4: {  	_ = 	snop  }
0x5: {  	_ = 	snop  }
0x6: {  	_ = 	snop  }
0x7: {  	_ = 	snop  }
__scs_overlays_trampoline_lowered:
0x8: {  	[smem:$0x3FAA] =	sst s0  }
0x9: {  	[smem:$0x3FAB] =	sst s1  }
0xa: {  	[smem:$0x3FAC] =	sst s2  }
0xb: {  	[smem:$0x3FAD] =	sst s3  }
0xc: {  	[smem:$0x3FAE] =	sst s4  }
0xd: {  	[smem:$0x3FAF] =	sst s5  }
0xe: {  	[smem:$0x3FB0] =	sst s6  }
0xf: {  	[smem:$0x3FB1] =	sst s7  }
0x10: {  	[smem:$0x3FB2] =	sst s8  }
0x11: {  	[smem:$0x3FB3] =	sst s9;
	s0 =	simm.s32 @!p0 $0x0  }
0x12: {  	s1 =	sld [smem:$0x3F99];
	s0 =	simm.s32 @p0 $0x1  }
0x13: {  	[smem:$0x3FB4] =	sst s0;
	s0 =	simm.s32 @!p1 $0x0  }
0x14: {  	s2 =	sld [smem:$0x3F98];
	s0 =	simm.s32 @p1 $0x1  }
0x15: {  	[smem:$0x3FB5] =	sst s0;
	s0 =	simm.s32 @!p2 $0x0  }
0x16: {  	s3 =	sld [smem:$0x3FDB];
	s0 =	simm.s32 @p2 $0x1  }
0x17: {  	s4 =	simm.s32 $0x1BF5;
	[smem:$0x3FB7] =	sst s0  }
0x18: {  	s0 =	sld [smem:$0x3F9A];
	_ =	swait.ge [sflag:s4], $0x0  }
0x19: {  	s7 =	sld [smem:$0x3F9B]  }
0x1a: {  	s8 =	sadd.s32 $0xFFFFE003, lr  }
0x1b: {  	s9 =	sadd.s32 $0xFFFFFEF7, lr;
	s5 =	simm.s32 $0xFFFFFFFF;
	p2 =	slt.u32 s8, $0xFFFFF086  }
0x1c: {  	p1 =	slt.u32 s9, $0xF7A;
	s5 =	simm.s32 @!p2 $0x0  }
0x1d: {  	s5 =	simm.s32 @p1 $0x1;
	p0 =	seq.s32 s7, s2  }
0x1e: {  	s7 =	smul.u32 @!p0 $0xF7A, s2;
	p2 =	seq.s32 @!p0 s5, $0x0  }
0x1f: {  	s9 =	smul.u32 $0xF7A, s1;
	s8 =	simm.s32 @!p0 $0x1BF5;
	p2 =	por !p2, p0  }
0x20: {  	[sflag:s8] =	ssyncset.s32 @!p0 $0xFFFFF086;
	s6 =	sadd.s32 @!p0 s3, s7;
	s7 =	simm.s32 @!p0 $0x108  }
0x21: {  	s3 =	sadd.s32 s3, s9;
	s6 =	sadd.s32 @!p0 $0x88, s6;
	s7 =	simm.s32 @p2 $0x1082  }
0x22: {  	[simem:s7], [sflag:s8] =	dma.local @!p0 [hbm:s6], $0xF7A  }
0x23: {  	s9 =	sor.u32 $0xD0000000, s2;
	s6 =	simm.s32 $0x108;
	_ =	swait.ge @!p0 [sflag:s8], $0x0  }
0x24: {  	s3 =	sadd.s32 $0x88, s3;
	s6 =	simm.s32 @!p1 $0x1082;
	[sflag:s4] =	ssyncset.s32 $0xFFFFF086  }
0x25: {  	[simem:s6], [sflag:s4] =	dma.local [hbm:s3], $0xF7A  }
0x26: {  	[smem:$0x3F9B] =	sst s1;
	(tag) =	ssettag s2;
	_ =	strace s9  }
0x27: {  	s1 =	sld [smem:$0x3FAB]  }
0x28: {  	s2 =	sld [smem:$0x3FAC]  }
0x29: {  	s4 =	sld [smem:$0x3FAE]  }
0x2a: {  	p0 =	seq.s32 s5, $0x0;
	s5 =	sld [smem:$0x3FAF]  }
0x2b: {  	s6 =	sld [smem:$0x3FB0]  }
0x2c: {  	s7 =	sld [smem:$0x3FB1]  }
0x2d: {  	s3 =	simm.s32 $0x108;
	s8 =	sld [smem:$0x3FB2]  }
0x2e: {  	s3 =	simm.s32 @!p0 $0x1082;
	s9 =	sld [smem:$0x3FB3]  }
0x2f: {  	lr =	sadd.s32 s0, s3;
	s0 =	sld [smem:$0x3FAA]  }
0x30: {  	s3 =	sld [smem:$0x3FAD]  }
0x31: {  	[smem:$0x3FB6] =	sst s10  }
0x32: {  	s10 =	sld [smem:$0x3FB4];
	_ =	sdelay $0x3  }
0x33: {  	p0 =	seq.s32 s10, $0x1;
	s10 =	sld [smem:$0x3FB6];
	_ =	sdelay $0x3  }
0x34: {  	[smem:$0x3FB6] =	sst s10  }
0x35: {  	s10 =	sld [smem:$0x3FB5];
	_ =	sdelay $0x3  }
0x36: {  	p1 =	seq.s32 s10, $0x1;
	s10 =	sld [smem:$0x3FB6];
	_ =	sdelay $0x3  }
0x37: {  	[smem:$0x3FB6] =	sst s10  }
0x38: {  	s10 =	sld [smem:$0x3FB7]  }
0x39: {  	_ = 	snop;
	(pc) =	sbr.ind lr, $3  }
0x3a: {  	_ = 	snop  }
0x3b: {  	_ = 	snop  }
0x3c: {  	p2 =	seq.s32 s10, $0x1;
	s10 =	sld [smem:$0x3FB6]  }
0x3d: {  	_ =	shalt  }
0x3e: {  	_ =	shalt  }
0x3f: {  	_ =	shalt  }
0x40: {  	_ =	shalt  }
0x41: {  	_ =	shalt  }
0x42: {  	_ =	shalt  }
0x43: {  	_ =	shalt  }
0x44: {  	_ =	shalt  }
0x45: {  	_ =	shalt  }
0x46: {  	_ =	shalt  }
0x47: {  	_ =	shalt  }
0x48: {  	_ =	shalt  }
0x49: {  	_ =	shalt  }
0x4a: {  	_ =	shalt  }
0x4b: {  	_ =	shalt  }
0x4c: {  	_ =	shalt  }
0x4d: {  	_ =	shalt  }
0x4e: {  	_ =	shalt  }
0x4f: {  	_ =	shalt  }
0x50: {  	_ =	shalt  }
0x51: {  	_ =	shalt  }
0x52: {  	_ =	shalt  }
0x53: {  	_ =	shalt  }
0x54: {  	_ =	shalt  }
0x55: {  	_ =	shalt  }
0x56: {  	_ =	shalt  }
0x57: {  	_ =	shalt  }
0x58: {  	_ =	shalt  }
0x59: {  	_ =	shalt  }
0x5a: {  	_ =	shalt  }
0x5b: {  	_ =	shalt  }
0x5c: {  	_ =	shalt  }
0x5d: {  	_ =	shalt  }
0x5e: {  	_ =	shalt  }
0x5f: {  	_ =	shalt  }
0x60: {  	_ =	shalt  }
0x61: {  	_ =	shalt  }
0x62: {  	_ =	shalt  }
0x63: {  	_ =	shalt  }
0x64: {  	_ =	shalt  }
0x65: {  	_ =	shalt  }
0x66: {  	_ =	shalt  }
0x67: {  	_ =	shalt  }
0x68: {  	_ =	shalt  }
0x69: {  	_ =	shalt  }
0x6a: {  	_ =	shalt  }
0x6b: {  	_ =	shalt  }
0x6c: {  	_ =	shalt  }
0x6d: {  	_ =	shalt  }
0x6e: {  	_ =	shalt  }
0x6f: {  	_ =	shalt  }
0x70: {  	_ =	shalt  }
0x71: {  	_ =	shalt  }
0x72: {  	_ =	shalt  }
0x73: {  	_ =	shalt  }
0x74: {  	_ =	shalt  }
0x75: {  	_ =	shalt  }
0x76: {  	_ =	shalt  }
0x77: {  	_ =	shalt  }
0x78: {  	_ =	shalt  }
0x79: {  	_ =	shalt  }
0x7a: {  	_ =	shalt  }
0x7b: {  	_ =	shalt  }
0x7c: {  	_ =	shalt  }
0x7d: {  	_ =	shalt  }
0x7e: {  	_ =	shalt  }
0x7f: {  	_ =	shalt  }
0x80: {  	_ =	shalt  }
0x81: {  	_ =	shalt  }
0x82: {  	_ =	shalt  }
0x83: {  	_ =	shalt  }
0x84: {  	_ =	shalt  }
0x85: {  	_ =	shalt  }
0x86: {  	_ =	shalt  }
0x87: {  	_ =	shalt  }
.Lfunc_end0:
.L_simem_size_0:
called_computation_lowered:
.L_overlay_start_0:
0x88: {  	s2 =	sld [smem:$0x3FD9]  }
0x89: {  	s3 =	sld [smem:$0x3FFE];
	_ =	sdelay $0x1  }
0x8a: {  	s1 =	srdreg.scid  }
0x8b: {  	s0 =	sand.u32 $0x1, s1  }
0x8c: {  	s17 =	sshll.u32 s0, $0xA;
	s2 =	sadd.s32 s3, s2  }
0x8d: {  	s2 =	sadd.s32 s2, s17  }
0x8e: {  	[smem:$0x3FC2] =	sst s2  }
0x8f: {  	_ = 	snop  }
0x90: {  	s2 =	sld [smem:$0x3FD0];
	(tm) =	ssettm $0x1  }
0x91: {  	s18 =	sld [smem:$0x3FFB];
	_ =	sdelay $0x3  }
0x92: {  	_ =	strace s18  }
0x93: {  	s3 =	sld [smem:$0x3FFC];
	_ =	sdelay $0x3  }
0x94: {  	_ =	strace s3  }
0x95: {  	s3 =	sld [smem:$0x3FFD];
	_ =	sdelay $0x3  }
0x96: {  	_ =	strace s3  }
0x97: {  	_ =	strace $0x8FFFFFFF  }
0x98: {  	s19 =	sld [smem:$0x3FDB];
	_ =	sdelay $0x1  }
0x99: {  	s4 =	simm.s32 $_scs_section_size  }
0x9a: {  	s5 =	simm.s32 $_size__tile_overlayer_lowered;
	s6 =	simm.s32 $_tile_overlayer_lowered  }
0x9b: {  	s22 =	simm.s32 $0x1BFF;
	s21 =	sshll.u32 s6, $0x1;
	s3 =	sadd.s32 s4, s19  }
0x9c: {  	s7 =	simm.s32 $0x0;
	s20 =	sshll.u32 s5, $0x1;
	s5 =	sadd.s32 s21, s3  }
0x9d: {  	[timem:s7], [sflag:s22] =	dma.local [hbm:s5], s20  }
0x9e: {  	_ =	swait.ge [sflag:s22], s20  }
0x9f: {  	s4 =	ssub.s32 $0x0, s20;
	[sflag:s22] =	ssyncset.done $0x0  }
0xa0: {  	[sflag:s22] =	ssyncadd.s32 s4;
	_ =	sdelay $0x1  }
0xa1: {  	s23 =	simm.s32 $0x1B8B  }
0xa2: {  	_ =	swait.ge [sflag:s23], $0x1  }
0xa3: {  	[sflag:s23] =	ssyncset.done $0x0  }
0xa4: {  	s25 =	simm.s32 $0x1B8E;
	s24 =	sld [smem:$0x3FFE];
	[sflag:s23] =	ssyncadd.s32 $0xFFFFFFFF  }
0xa5: {  	s26 =	simm.s32 $execute0_lowered;
	[smem:$0x3FD2] =	sst s25  }
0xa6: {  	s5 =	sshll.u32 s26, $0x1;
	_ =	strace $0x80000046;
	[dreg:$0x1] =	wrdreg $0xFFFFFFFF  }
0xa7: {  	s28 =	simm.s32 $_size_execute0_lowered;
	s3 =	sadd.s32 s3, s5;
	[dreg:$0x0] =	wrdreg $0x0  }
0xa8: {  	s5 =	sshll.u32 s28, $0x1;
	[dreg:$0x2] =	wrdreg s3  }
0xa9: {  	[dreg:$0x3] =	wrdreg s5  }
0xaa: {  	[dreg:$0x4] =	wrdreg $0xC0  }
0xab: {  	_ =	task [dreg:s7], $0x5FFFF  }
0xac: {  	[dreg:$0x1] =	wrdreg $0xFFFFFFFF  }
0xad: {  	[dreg:$0x0] =	wrdreg $0x60  }
0xae: {  	[dreg:$0x2] =	wrdreg s24  }
0xaf: {  	[dreg:$0x3] =	wrdreg s2  }
0xb0: {  	[dreg:$0x4] =	wrdreg $0x9  }
0xb1: {  	_ =	task.clear_ibuf [dreg:s7], $0x5FFFF;
	_ =	strace $0x90000046  }
0xb2: {  	s29 =	simm.s32 $0x9;
	_ =	strace $0x80000048  }
0xb3: {  	_ =	swait.ge [sflag:s29], $0x1  }
0xb4: {  	[sflag:s29] =	ssyncadd.s32 $0xFFFFFFFF  }
0xb5: {  	_ =	strace $0x90000048  }
0xb6: {  	_ =	sfence  }
0xb7: {  	s30 =	sld [smem:$0x0];
	_ =	sdelay $0x2  }
0xb8: {  	s31 =	sshll.u32 s1, $0xD;
	s1 =	sshrl.u32 s1, $0x2  }
0xb9: {  	s3 =	sand.u32 $0x4000, s31;
	s1 =	sadd.s32 s1, s30  }
0xba: {  	s0 =	sor.u32 s3, s0;
	s1 =	sshll.u32 s1, $0x11  }
0xbb: {  	s0 =	sor.u32 s1, s0  }
0xbc: {  	s0 =	sadd.s32 $0x8F2B, s0  }
0xbd: {  	[sflag:s0] =	ssyncadd.remote.s32 $0x1  }
0xbe: {  	_ =	sfence.sel $0xFFFF  }
0xbf: {  	[dreg:$0x0] =	wrdreg $0xFFFFFFFF;
	(pc) =	sbr.abs _section_cstart, $3  }
0xc0: {  	[dreg:$0x1] =	wrdreg $0xFFFFFFFF  }
0xc1: {  	_ =	task.clear_ibuf [dreg:s7], $0x2FFFF;
	_ =	strace $0x9FFFFFFF  }
0xc2: {  	(tm) =	ssettm $0x7FFFFFFF  }
0xc3: {  	_ =	shalt  }
tec
execute0_lowered:
.L_overlay_start_1:
0x0: {  	(tag) =	ssettag $0x1  }
0x1: {  	s0 =	srdreg.scid  }
0x2: {  	s3 =	rddreg [dreg:$0x0];
	s4 =	sand.u32 $0x1, s0  }
0x3: {  	s5 =	rddreg [dreg:$0x1];
	s1 =	stileid.u32;
	s2 =	sshll.u32 s4, $0x4  }
0x4: {  	s0 =	rddreg [dreg:$0x2];
	s6 =	sor.u32 s1, s2  }
0x5: {  	s4 =	ssub.s32 $0x2, s4;
	s2 =	simm.s32 $0x0;
	s7 =	smul.u32 $0x4E2, s6  }
0x6: {  	s8 =	sshrl.u32 s4, $0x1;
	[smem:$0x7FF] =	sst s2;
	s6 =	smul.u32 $0x500, s6  }
0x7: {  	s31 =	ssub.s32 s4, s8;
	s8 =	simm.s32 $0x0;
	_ =	strace $0x80000047  }
0x8: {  	s3 =	sadd.s32 s7, s3;
	s4 =	sadd.s32 s5, s6;
	s5 =	smax.u32 s31, $0x1  }
0x9: {  	v0 =	vimm.f32 $0.0e+00;
	v1 =	vimm.f32 $1.000000000e+00;
	s6 =	simm.s32 $0x1;
	s7 =	simm.s32 $0x2780;
	s3 =	sadd.s32 $0x1800, s3  }
.LBB2_1:
0xa: {  	[tilespmem:s2], [sflag:$0x1] =	stream.linear.gather [hbm4b:s3+s2], $0x2710, $0x38;
	[tilespmem:$0x4F80] =	vst v63  }
0xb: {  	_ =	swait.ge [sflag:s6], $0x2710  }
0xc: {  	[sflag:s6] =	ssyncset.done $0x0  }
0xd: {  	s11 =	simm.s32 $0x27C0;
	[sflag:s6] =	ssyncadd.s32 $0xFFFFD8F0  }
0xe: {  	[tilespmem:s11+$0xFFFFFFC0] =	vst v0  }
0xf: {  	[tilespmem:s11+$0x30] =	vst v0  }
0x10: {  	[tilespmem:s11+$0x20] =	vst v0  }
0x11: {  	[tilespmem:s11+$0x10] =	vst v0  }
0x12: {  	[tilespmem:s11+$0x0] =	vst v0  }
0x13: {  	[tilespmem:s11+$0xFFFFFFF0] =	vst v0  }
0x14: {  	s9 =	simm.s32 $0xFFFFFFF8;
	s12 =	simm.s32 $0x0;
	[tilespmem:s11+$0xFFFFFFE0] =	vst v0  }
.LBB2_2:
0x15: {  	s12 =	sadd.s32 $0x8, s12;
	[tilespmem:s11+$0xFFFFFFD0] =	vst v0;
	s11 =	sadd.s32 $0x80, s11;
	s10 =	simm.s32 $0x40  }
0x16: {  	[tilespmem:s11+$0xFFFFFFC0] =	vst v0;
	p0 =	slt.u32 s12, $0x278  }
0x17: {  	[tilespmem:s11+$0x30] =	vst v0  }
.Ltmp0:
0x18: {  	[tilespmem:s11+$0x20] =	vst v0;
	(pc) =	sbr.rel @p0 .LBB2_2-.Ltmp0, $4  }
0x19: {  	[tilespmem:s11+$0x10] =	vst v0  }
0x1a: {  	[tilespmem:s11+$0x0] =	vst v0  }
0x1b: {  	[tilespmem:s11+$0xFFFFFFF0] =	vst v0  }
0x1c: {  	[tilespmem:s11+$0xFFFFFFE0] =	vst v0  }
0x1d: {  	[tilespmem:s11+$0xFFFFFFD0] =	vst v0  }
.LBB2_4:
0x1e: {  	v2 =	vld [tilespmem:s10+$0xFFFFFFC0];
	_ =	sdelay $0x7  }
0x1f: {  	[tilespmem:v2+s7+$0x0] =	vst.idx.add.f32.msk $0xffff, v1  }
0x20: {  	v2 =	vld [tilespmem:s10+$0xFFFFFFD0];
	_ =	sdelay $0x7  }
0x21: {  	[tilespmem:v2+s7+$0x0] =	vst.idx.add.f32.msk $0xffff, v1  }
0x22: {  	v2 =	vld [tilespmem:s10+$0xFFFFFFE0];
	_ =	sdelay $0x7  }
0x23: {  	[tilespmem:v2+s7+$0x0] =	vst.idx.add.f32.msk $0xffff, v1  }
0x24: {  	v2 =	vld [tilespmem:s10+$0xFFFFFFF0];
	_ =	sdelay $0x7  }
0x25: {  	[tilespmem:v2+s7+$0x0] =	vst.idx.add.f32.msk $0xffff, v1  }
0x26: {  	v2 =	vld [tilespmem:s10+$0x0];
	_ =	sdelay $0x7  }
0x27: {  	[tilespmem:v2+s7+$0x0] =	vst.idx.add.f32.msk $0xffff, v1  }
0x28: {  	v2 =	vld [tilespmem:s10+$0x10];
	_ =	sdelay $0x7  }
0x29: {  	[tilespmem:v2+s7+$0x0] =	vst.idx.add.f32.msk $0xffff, v1  }
0x2a: {  	v2 =	vld [tilespmem:s10+$0x20];
	_ =	sdelay $0x7  }
0x2b: {  	[tilespmem:v2+s7+$0x0] =	vst.idx.add.f32.msk $0xffff, v1  }
0x2c: {  	v2 =	vld [tilespmem:s10+$0x30];
	_ =	sdelay $0x1  }
0x2d: {  	s9 =	sadd.s32 $0x8, s9  }
0x2e: {  	p0 =	slt.u32 s9, $0x268  }
.Ltmp1:
0x2f: {  	_ = 	snop;
	(pc) =	sbr.rel @p0 .LBB2_4-.Ltmp1, $2  }
0x30: {  	_ =	sdelay $0x2  }
0x31: {  	s10 =	sadd.s32 $0x80, s10;
	[tilespmem:v2+s7+$0x0] =	vst.idx.add.f32.msk $0xffff, v1  }
0x32: {  	v2 =	vld [tilespmem:$0x2700];
	_ =	sdelay $0x5  }
0x33: {  	s8 =	sadd.s32 $0x1, s8  }
0x34: {  	p0 =	sne.s32 s8, s5  }
.Ltmp2:
0x35: {  	[tilespmem:v2+s7+$0x0] =	vst.idx.add.f32.msk $0xffff, v1;
	(pc) =	sbr.rel @p0 .LBB2_1-.Ltmp2, $4  }
0x36: {  	[hbm4b:s4+s2] =	stream.linear.scatter [tilespmem:s7], [sflag:$0x1], $0x2800, $0x38;
	[tilespmem:$0x4F80] =	vst v63  }
0x37: {  	_ =	swait.ge [sflag:s6], $0x2800  }
0x38: {  	[sflag:s6] =	ssyncset.done $0x0  }
0x39: {  	[sflag:s6] =	ssyncadd.s32 $0xFFFFD800  }
0x3a: {  	_ =	sfence.sel $0x180000  }
0x3b: {  	[bflag:$0x0] =	sbarrier.arrive $0xFFFF  }
0x3c: {  	p0 =	sne.s32 s1, $0x0;
	_ =	strace $0x90000047  }
0x3d: {  	s0 =	sadd.s32 @!p0 $0x100000, s0;
	[bflag:$0x2] =	sbarrier.arrive $0xFFFF  }
0x3e: {  	[sflag:s0] =	ssyncadd.tile.s32 @!p0 $0x1;
	_ =	shalt  }
.Lfunc_end2:
_tile_overlayer_lowered:
.L_overlay_start_2:
0x3f: {  	(tag) =	ssettag $0x2  }
0x40: {  	s0 =	rddreg [dreg:$0x0];
	s2 =	stileid.u32  }
0x41: {  	s1 =	rddreg [dreg:$0x1];
	p0 =	sne.s32 s2, $0x0  }
0x42: {  	s3 =	rddreg [dreg:$0x2];
	[bflag:$0x3] =	sbarrier.arrive $0xFFFF;
	s2 =	simm.s32 @!p0 $0x1C01  }
0x43: {  	[timem:s3], [sflag:s2] =	dma.local @!p0 [hbm:s0], s1  }
0x44: {  	s0 =	simm.s32 @!p0 $0x1  }
0x45: {  	_ =	swait.ge @!p0 [sflag:s0], s1  }
0x46: {  	s1 =	ssub.s32 @!p0 $0x0, s1;
	[sflag:s0] =	ssyncset.done @!p0 $0x0  }
0x47: {  	[sflag:s0] =	ssyncadd.s32 @!p0 s1  }
0x48: {  	[bflag:$0x3] =	sbarrier.arrive $0xFFFF  }
0x49: {  	_ =	shalt  }

</sc_bundles>
